<compile_context>
chip_gen: v7x
topology: tpu7x:2x2x1
jax: 0.10.2.dev20260603
libtpu: 0.0.44.dev20260713+nightly
codegen_flags: <defaults>
</compile_context>

<pallas_src>
import functools

import jax
import jax.numpy as jnp
from jax import lax
from jax.experimental import pallas as pl
from jax.experimental.pallas import tpu as pltpu
from jax.experimental.pallas import tpu_sc as plsc

B, T, D = 4, 8192, 512
BOT = 64
N = B * T

_BT = 1024
_NBLK = N // _BT
_CH = 64
CHUNK_BLOCKS = (4, 8, 8, 8, 4)
assert sum(CHUNK_BLOCKS) == _NBLK


@functools.cache
def _make_sc_gather(rows):
    info = plsc.get_sparse_core_info()
    nc, ns = info.num_cores, info.num_subcores
    nw = nc * ns
    rpw = rows // nw
    stages = rpw // _CH
    mesh = plsc.VectorSubcoreMesh(core_axis_name="c", subcore_axis_name="s")

    @functools.partial(
        pl.kernel,
        mesh=mesh,
        out_type=jax.ShapeDtypeStruct((rows, D), jnp.float32),
        scratch_types=[
            pltpu.VMEM((rpw,), jnp.int32),
            pltpu.VMEM((_CH, D), jnp.float32),
            pltpu.VMEM((_CH, D), jnp.float32),
            pltpu.SemaphoreType.DMA,
            pltpu.SemaphoreType.DMA,
            pltpu.SemaphoreType.DMA,
            pltpu.SemaphoreType.DMA,
        ],
    )
    def sc_gather(x_hbm, idx_hbm, out_hbm, idx_v, buf0, buf1,
                  gs0, gs1, ws0, ws1):
        wid = lax.axis_index("s") * nc + lax.axis_index("c")
        pltpu.sync_copy(idx_hbm.at[pl.ds(wid * rpw, rpw)], idx_v)
        bufs = (buf0, buf1)
        gsems = (gs0, gs1)
        wsems = (ws0, ws1)
        gathers = [None, None]
        writes = [None, None]
        for j in range(stages):
            p = j % 2
            if j >= 2:
                writes[p].wait()
            gathers[p] = pltpu.make_async_copy(
                x_hbm.at[idx_v.at[pl.ds(j * _CH, _CH)]], bufs[p], gsems[p])
            gathers[p].start()
            if j >= 1:
                q = 1 - p
                gathers[q].wait()
                writes[q] = pltpu.make_async_copy(
                    bufs[q], out_hbm.at[pl.ds((wid * stages + j - 1) * _CH,
                                              _CH)], wsems[q])
                writes[q].start()
        pl_ = (stages - 1) % 2
        gathers[pl_].wait()
        writes[pl_] = pltpu.make_async_copy(
            bufs[pl_], out_hbm.at[pl.ds((wid * stages + stages - 1) * _CH,
                                        _CH)], wsems[pl_])
        writes[pl_].start()
        writes[pl_].wait()
        if stages >= 2:
            writes[1 - pl_].wait()

    return sc_gather


def _tc_body(blk0, x_ref, agg_ref, idxf_ref, dw_ref, db_ref, uw_ref, ub_ref,
             gw_ref, gb_ref, *rest):
    out_ref = rest[-1]
    xb = x_ref[...]
    ab = agg_ref[...]
    h = jnp.maximum(
        jnp.dot(ab, dw_ref[...], preferred_element_type=jnp.float32)
        + db_ref[...], 0.0)
    z = jnp.dot(h, uw_ref[...], preferred_element_type=jnp.float32) + ub_ref[...]
    garg = (jnp.dot(xb, gw_ref[:D, :], preferred_element_type=jnp.float32)
            + jnp.dot(ab, gw_ref[D:, :], preferred_element_type=jnp.float32)
            + gb_ref[...])
    g = jax.nn.sigmoid(garg)
    r0 = (blk0 + pl.program_id(0)) * _BT
    rows = r0 + lax.broadcasted_iota(jnp.int32, (_BT, 1), 0)
    t = rows % T
    nbr = jnp.reshape(idxf_ref[...], (_BT, 1)) - (rows // T) * T
    mask = ((t >= 1) & (nbr != 0)).astype(jnp.float32)
    out_ref[...] = xb + (g * z) * mask


def _tc_dense_chunk(blk0, nblk, x2, agg_c, idxf2, dw, db, uw, ub, gw, gb,
                    acc=None):
    in_specs = [
        pl.BlockSpec((_BT, D), lambda i: (blk0 + i, 0)),
        pl.BlockSpec((_BT, D), lambda i: (i, 0)),
        pl.BlockSpec((1, _BT), lambda i: (0, blk0 + i)),
        pl.BlockSpec((D, BOT), lambda i: (0, 0)),
        pl.BlockSpec((1, BOT), lambda i: (0, 0)),
        pl.BlockSpec((BOT, D), lambda i: (0, 0)),
        pl.BlockSpec((1, D), lambda i: (0, 0)),
        pl.BlockSpec((2 * D, D), lambda i: (0, 0)),
        pl.BlockSpec((1, D), lambda i: (0, 0)),
    ]
    args = [x2, agg_c, idxf2, dw, db, uw, ub, gw, gb]
    aliases = {}
    if acc is not None:
        in_specs.append(pl.BlockSpec((8, 128), lambda i: (0, 0)))
        args.append(acc)
        aliases = {9: 0}
    return pl.pallas_call(
        functools.partial(_tc_body, blk0),
        grid=(nblk,),
        in_specs=in_specs,
        out_specs=pl.BlockSpec((_BT, D), lambda i: (blk0 + i, 0)),
        out_shape=jax.ShapeDtypeStruct((N, D), jnp.float32),
        input_output_aliases=aliases,
    )(*args)


def kernel(x, neighbor_idx, down_w, down_b, up_w, up_b, gate_w, gate_b):
    idx = neighbor_idx[:, 0]
    idxf = ((jnp.arange(B, dtype=jnp.int32) * T)[:, None]
            + idx[None, :]).reshape(N)
    x2 = x.reshape(N, D)
    offs = [0]
    for nb in CHUNK_BLOCKS:
        offs.append(offs[-1] + nb)
    aggs = [
        _make_sc_gather(nb * _BT)(
            x2,
            lax.slice(idxf, (offs[c] * _BT,), (offs[c + 1] * _BT,)))
        for c, nb in enumerate(CHUNK_BLOCKS)
    ]
    idxf2 = idxf.reshape(1, N)
    db2, ub2, gb2 = (down_b.reshape(1, BOT), up_b.reshape(1, D),
                     gate_b.reshape(1, D))
    acc = None
    for c, nb in enumerate(CHUNK_BLOCKS):
        acc = _tc_dense_chunk(offs[c], nb, x2, aggs[c], idxf2, down_w, db2,
                              up_w, ub2, gate_w, gb2, acc)
    return acc.reshape(B, T, D)

# --- scband reference (transcript-rebuilt; emitter-appended) ---
"""Pipeline reference for scband-graph-adapter-2284922601596 (READ-ONLY COPY).

The authoritative reference and input builder live on the scoring server;
editing this copy changes nothing except your own understanding.
"""

import jax, jax.numpy as jnp
import numpy as np

B, T, D = 4, 8192, 512
BOT = 64

def setup_inputs(seed: int = 0) -> dict:
    key = jax.random.key(seed)
    ks = jax.random.split(key, 8)
    x = jax.random.normal(ks[0], (B, T, D), dtype=jnp.float32)
    neighbor_idx = jax.random.randint(ks[1], (T, 1), 0, T, dtype=jnp.int32)
    down_w = jax.random.normal(ks[2], (D, BOT), dtype=jnp.float32) * 0.02
    down_b = jnp.zeros((BOT,), dtype=jnp.float32)
    up_w = jax.random.normal(ks[3], (BOT, D), dtype=jnp.float32) * 0.02
    up_b = jnp.zeros((D,), dtype=jnp.float32)
    gate_w = jax.random.normal(ks[4], (2 * D, D), dtype=jnp.float32) * 0.02
    gate_b = jnp.zeros((D,), dtype=jnp.float32)
    return {"x": x, "neighbor_idx": neighbor_idx, "down_w": down_w, "down_b": down_b,
            "up_w": up_w, "up_b": up_b, "gate_w": gate_w, "gate_b": gate_b}

def reference(x, neighbor_idx, down_w, down_b, up_w, up_b, gate_w, gate_b):
    # Each token t has exactly 1 neighbor: neighbor_idx[t, 0].
    # Torch loop semantics: tokens t >= 1 with truthy (nonzero) nbrs get updated;
    # t == 0 and nbrs == 0 tokens are passed through unchanged.
    idx = neighbor_idx[:, 0]                       # [T]
    agg = jnp.take(x, idx, axis=1)                 # [B, T, D] gather; mean over 1 neighbor == itself
    h = jnp.maximum(agg @ down_w + down_b, 0.0)    # [B, T, BOT]
    z = h @ up_w + up_b                            # [B, T, D]
    g = jax.nn.sigmoid(jnp.concatenate([x, agg], axis=-1) @ gate_w + gate_b)  # [B, T, D]
    mask = ((jnp.arange(T) >= 1) & (idx != 0)).astype(x.dtype)                # [T]
    out = x + (g * z) * mask[None, :, None]
    return out

if __name__ == "__main__":
    import jax
    _d = setup_inputs()
    print(jax.jit(kernel)(*tuple(_d.values())))

</pallas_src>

<mosaic_0001>
#map = affine_map<(d0, d1) -> (0, 0)>
#map1 = affine_map<(d0, d1) -> (0)>
module attributes {stable_mosaic.version = 14 : i64} {
  func.func @sc_gather(%arg0: i32, %arg1: i32, %arg2: memref<32768x512xf32, #tpu.memory_space<hbm>>, %arg3: memref<8192xi32, #tpu.memory_space<hbm>>, %arg4: memref<8192x512xf32, #tpu.memory_space<hbm>>, %arg5: memref<256xi32, #tpu.memory_space<vmem>>, %arg6: memref<64x512xf32, #tpu.memory_space<vmem>>, %arg7: memref<64x512xf32, #tpu.memory_space<vmem>>, %arg8: memref<!tpu.dma_semaphore, #tpu.memory_space<semaphore_mem>>, %arg9: memref<!tpu.dma_semaphore, #tpu.memory_space<semaphore_mem>>, %arg10: memref<!tpu.dma_semaphore, #tpu.memory_space<semaphore_mem>>, %arg11: memref<!tpu.dma_semaphore, #tpu.memory_space<semaphore_mem>>) attributes {dimension_semantics = [#tpu.dimension_semantics<core_parallel>, #tpu.dimension_semantics<subcore_parallel>], iteration_bounds = array<i64: 2, 16>, scalar_prefetch = 0 : i64, scratch_operands = 7 : i64, tpu.core_type = #tpu.core_type<sc_vector_subcore>, window_params = [{transform_indices = #map}, {transform_indices = #map1}, {transform_indices = #map}]} {
    %mul3A = arith.constant 2 : i32
    %mul3A_0 = arith.muli %arg1, %mul3A : i32
    %add3A = arith.addi %mul3A_0, %arg0 : i32
    %mul3A_1 = arith.constant 256 : i32
    %mul3A_2 = arith.muli %add3A, %mul3A_1 : i32
    "tpu.region"() ({
      %run_scoped3A = tpu.sem_alloc : memref<!tpu.dma_semaphore, #tpu.memory_space<semaphore_mem>>
      %dma_start3A_104 = tpu.memref_slice %arg3[%mul3A_2] : memref<8192xi32, #tpu.memory_space<hbm>> -> memref<256xi32, #tpu.memory_space<hbm>>
      %dma_start3A_105 = tpu.memref_slice %arg3[%mul3A_2] : memref<8192xi32, #tpu.memory_space<hbm>> -> memref<256xi32, #tpu.memory_space<hbm>>
      tpu.enqueue_dma source(%dma_start3A_105 : memref<256xi32, #tpu.memory_space<hbm>>) target(%arg5 : memref<256xi32, #tpu.memory_space<vmem>>) target_semaphore(%run_scoped3A : memref<!tpu.dma_semaphore, #tpu.memory_space<semaphore_mem>>)
      %dma_wait3A_106 = tpu.memref_slice %arg3[%mul3A_2] : memref<8192xi32, #tpu.memory_space<hbm>> -> memref<256xi32, #tpu.memory_space<hbm>>
      %dma_wait3A_107 = tpu.memref_slice %arg3[%mul3A_2] : memref<8192xi32, #tpu.memory_space<hbm>> -> memref<256xi32, #tpu.memory_space<hbm>>
      tpu.wait_dma2 semaphore(%run_scoped3A : memref<!tpu.dma_semaphore, #tpu.memory_space<semaphore_mem>>) src(%dma_wait3A_107 : memref<256xi32, #tpu.memory_space<hbm>>) dst(%arg5 : memref<256xi32, #tpu.memory_space<vmem>>)
      tpu.yield
    }) : () -> ()
    %dma_start3A = arith.constant 0 : i32
    %dma_start3A_3 = tpu.memref_slice %arg5[%dma_start3A] : memref<256xi32, #tpu.memory_space<vmem>> -> memref<64xi32, #tpu.memory_space<vmem>>
    %dma_start3A_4 = arith.constant 0 : i32
    %dma_start3A_5 = arith.constant 0 : i32
    %dma_start3A_6 = tpu.memref_slice %arg2[%dma_start3A_4, %dma_start3A_5] : memref<32768x512xf32, #tpu.memory_space<hbm>> -> memref<32768x512xf32, #tpu.memory_space<hbm>>
    tpu.enqueue_indirect_dma source(%dma_start3A_6 : memref<32768x512xf32, #tpu.memory_space<hbm>>) target(%arg6 : memref<64x512xf32, #tpu.memory_space<vmem>>) offsets(%dma_start3A_3 : memref<64xi32, #tpu.memory_space<vmem>>) semaphore(%arg8 : memref<!tpu.dma_semaphore, #tpu.memory_space<semaphore_mem>>)
    %dma_start3A_7 = arith.constant 64 : i32
    %dma_start3A_8 = tpu.memref_slice %arg5[%dma_start3A_7] : memref<256xi32, #tpu.memory_space<vmem>> -> memref<64xi32, #tpu.memory_space<vmem>>
    %dma_start3A_9 = arith.constant 0 : i32
    %dma_start3A_10 = arith.constant 0 : i32
    %dma_start3A_11 = tpu.memref_slice %arg2[%dma_start3A_9, %dma_start3A_10] : memref<32768x512xf32, #tpu.memory_space<hbm>> -> memref<32768x512xf32, #tpu.memory_space<hbm>>
    tpu.enqueue_indirect_dma source(%dma_start3A_11 : memref<32768x512xf32, #tpu.memory_space<hbm>>) target(%arg7 : memref<64x512xf32, #tpu.memory_space<vmem>>) offsets(%dma_start3A_8 : memref<64xi32, #tpu.memory_space<vmem>>) semaphore(%arg9 : memref<!tpu.dma_semaphore, #tpu.memory_space<semaphore_mem>>)
    %dma_wait3A = arith.constant 0 : i32
    %dma_wait3A_12 = tpu.memref_slice %arg5[%dma_wait3A] : memref<256xi32, #tpu.memory_space<vmem>> -> memref<64xi32, #tpu.memory_space<vmem>>
    %dma_wait3A_13 = arith.constant 0 : i32
    %dma_wait3A_14 = arith.constant 0 : i32
    %dma_wait3A_15 = tpu.memref_slice %arg2[%dma_wait3A_13, %dma_wait3A_14] : memref<32768x512xf32, #tpu.memory_space<hbm>> -> memref<32768x512xf32, #tpu.memory_space<hbm>>
    tpu.wait_indirect_dma semaphore(%arg8 : memref<!tpu.dma_semaphore, #tpu.memory_space<semaphore_mem>>) src(%dma_wait3A_15 : memref<32768x512xf32, #tpu.memory_space<hbm>>) dst(%arg6 : memref<64x512xf32, #tpu.memory_space<vmem>>)
    %mul3A_16 = arith.constant 4 : i32
    %mul3A_17 = arith.muli %add3A, %mul3A_16 : i32
    %add3A_18 = arith.constant 1 : i32
    %add3A_19 = arith.addi %mul3A_17, %add3A_18 : i32
    %sub3A = arith.constant 1 : i32
    %sub3A_20 = arith.subi %add3A_19, %sub3A : i32
    %mul3A_21 = arith.constant 64 : i32
    %mul3A_22 = arith.muli %sub3A_20, %mul3A_21 : i32
    %dma_start3A_23 = arith.constant 0 : i32
    %dma_start3A_24 = tpu.memref_slice %arg4[%mul3A_22, %dma_start3A_23] : memref<8192x512xf32, #tpu.memory_space<hbm>> -> memref<64x512xf32, #tpu.memory_space<hbm>>
    %dma_start3A_25 = arith.constant 0 : i32
    %dma_start3A_26 = tpu.memref_slice %arg4[%mul3A_22, %dma_start3A_25] : memref<8192x512xf32, #tpu.memory_space<hbm>> -> memref<64x512xf32, #tpu.memory_space<hbm>>
    tpu.enqueue_dma source(%arg6 : memref<64x512xf32, #tpu.memory_space<vmem>>) target(%dma_start3A_26 : memref<64x512xf32, #tpu.memory_space<hbm>>) target_semaphore(%arg10 : memref<!tpu.dma_semaphore, #tpu.memory_space<semaphore_mem>>)
    %dma_wait3A_27 = arith.constant 0 : i32
    %dma_wait3A_28 = tpu.memref_slice %arg4[%mul3A_22, %dma_wait3A_27] : memref<8192x512xf32, #tpu.memory_space<hbm>> -> memref<64x512xf32, #tpu.memory_space<hbm>>
    %dma_wait3A_29 = arith.constant 0 : i32
    %dma_wait3A_30 = tpu.memref_slice %arg4[%mul3A_22, %dma_wait3A_29] : memref<8192x512xf32, #tpu.memory_space<hbm>> -> memref<64x512xf32, #tpu.memory_space<hbm>>
    tpu.wait_dma2 semaphore(%arg10 : memref<!tpu.dma_semaphore, #tpu.memory_space<semaphore_mem>>) src(%arg6 : memref<64x512xf32, #tpu.memory_space<vmem>>) dst(%dma_wait3A_30 : memref<64x512xf32, #tpu.memory_space<hbm>>)
    %dma_start3A_31 = arith.constant 128 : i32
    %dma_start3A_32 = tpu.memref_slice %arg5[%dma_start3A_31] : memref<256xi32, #tpu.memory_space<vmem>> -> memref<64xi32, #tpu.memory_space<vmem>>
    %dma_start3A_33 = arith.constant 0 : i32
    %dma_start3A_34 = arith.constant 0 : i32
    %dma_start3A_35 = tpu.memref_slice %arg2[%dma_start3A_33, %dma_start3A_34] : memref<32768x512xf32, #tpu.memory_space<hbm>> -> memref<32768x512xf32, #tpu.memory_space<hbm>>
    tpu.enqueue_indirect_dma source(%dma_start3A_35 : memref<32768x512xf32, #tpu.memory_space<hbm>>) target(%arg6 : memref<64x512xf32, #tpu.memory_space<vmem>>) offsets(%dma_start3A_32 : memref<64xi32, #tpu.memory_space<vmem>>) semaphore(%arg8 : memref<!tpu.dma_semaphore, #tpu.memory_space<semaphore_mem>>)
    %dma_wait3A_36 = arith.constant 64 : i32
    %dma_wait3A_37 = tpu.memref_slice %arg5[%dma_wait3A_36] : memref<256xi32, #tpu.memory_space<vmem>> -> memref<64xi32, #tpu.memory_space<vmem>>
    %dma_wait3A_38 = arith.constant 0 : i32
    %dma_wait3A_39 = arith.constant 0 : i32
    %dma_wait3A_40 = tpu.memref_slice %arg2[%dma_wait3A_38, %dma_wait3A_39] : memref<32768x512xf32, #tpu.memory_space<hbm>> -> memref<32768x512xf32, #tpu.memory_space<hbm>>
    tpu.wait_indirect_dma semaphore(%arg9 : memref<!tpu.dma_semaphore, #tpu.memory_space<semaphore_mem>>) src(%dma_wait3A_40 : memref<32768x512xf32, #tpu.memory_space<hbm>>) dst(%arg7 : memref<64x512xf32, #tpu.memory_space<vmem>>)
    %mul3A_41 = arith.constant 4 : i32
    %mul3A_42 = arith.muli %add3A, %mul3A_41 : i32
    %add3A_43 = arith.constant 2 : i32
    %add3A_44 = arith.addi %mul3A_42, %add3A_43 : i32
    %sub3A_45 = arith.constant 1 : i32
    %sub3A_46 = arith.subi %add3A_44, %sub3A_45 : i32
    %mul3A_47 = arith.constant 64 : i32
    %mul3A_48 = arith.muli %sub3A_46, %mul3A_47 : i32
    %dma_start3A_49 = arith.constant 0 : i32
    %dma_start3A_50 = tpu.memref_slice %arg4[%mul3A_48, %dma_start3A_49] : memref<8192x512xf32, #tpu.memory_space<hbm>> -> memref<64x512xf32, #tpu.memory_space<hbm>>
    %dma_start3A_51 = arith.constant 0 : i32
    %dma_start3A_52 = tpu.memref_slice %arg4[%mul3A_48, %dma_start3A_51] : memref<8192x512xf32, #tpu.memory_space<hbm>> -> memref<64x512xf32, #tpu.memory_space<hbm>>
    tpu.enqueue_dma source(%arg7 : memref<64x512xf32, #tpu.memory_space<vmem>>) target(%dma_start3A_52 : memref<64x512xf32, #tpu.memory_space<hbm>>) target_semaphore(%arg11 : memref<!tpu.dma_semaphore, #tpu.memory_space<semaphore_mem>>)
    %dma_wait3A_53 = arith.constant 0 : i32
    %dma_wait3A_54 = tpu.memref_slice %arg4[%mul3A_48, %dma_wait3A_53] : memref<8192x512xf32, #tpu.memory_space<hbm>> -> memref<64x512xf32, #tpu.memory_space<hbm>>
    %dma_wait3A_55 = arith.constant 0 : i32
    %dma_wait3A_56 = tpu.memref_slice %arg4[%mul3A_48, %dma_wait3A_55] : memref<8192x512xf32, #tpu.memory_space<hbm>> -> memref<64x512xf32, #tpu.memory_space<hbm>>
    tpu.wait_dma2 semaphore(%arg11 : memref<!tpu.dma_semaphore, #tpu.memory_space<semaphore_mem>>) src(%arg7 : memref<64x512xf32, #tpu.memory_space<vmem>>) dst(%dma_wait3A_56 : memref<64x512xf32, #tpu.memory_space<hbm>>)
    %dma_start3A_57 = arith.constant 192 : i32
    %dma_start3A_58 = tpu.memref_slice %arg5[%dma_start3A_57] : memref<256xi32, #tpu.memory_space<vmem>> -> memref<64xi32, #tpu.memory_space<vmem>>
    %dma_start3A_59 = arith.constant 0 : i32
    %dma_start3A_60 = arith.constant 0 : i32
    %dma_start3A_61 = tpu.memref_slice %arg2[%dma_start3A_59, %dma_start3A_60] : memref<32768x512xf32, #tpu.memory_space<hbm>> -> memref<32768x512xf32, #tpu.memory_space<hbm>>
    tpu.enqueue_indirect_dma source(%dma_start3A_61 : memref<32768x512xf32, #tpu.memory_space<hbm>>) target(%arg7 : memref<64x512xf32, #tpu.memory_space<vmem>>) offsets(%dma_start3A_58 : memref<64xi32, #tpu.memory_space<vmem>>) semaphore(%arg9 : memref<!tpu.dma_semaphore, #tpu.memory_space<semaphore_mem>>)
    %dma_wait3A_62 = arith.constant 128 : i32
    %dma_wait3A_63 = tpu.memref_slice %arg5[%dma_wait3A_62] : memref<256xi32, #tpu.memory_space<vmem>> -> memref<64xi32, #tpu.memory_space<vmem>>
    %dma_wait3A_64 = arith.constant 0 : i32
    %dma_wait3A_65 = arith.constant 0 : i32
    %dma_wait3A_66 = tpu.memref_slice %arg2[%dma_wait3A_64, %dma_wait3A_65] : memref<32768x512xf32, #tpu.memory_space<hbm>> -> memref<32768x512xf32, #tpu.memory_space<hbm>>
    tpu.wait_indirect_dma semaphore(%arg8 : memref<!tpu.dma_semaphore, #tpu.memory_space<semaphore_mem>>) src(%dma_wait3A_66 : memref<32768x512xf32, #tpu.memory_space<hbm>>) dst(%arg6 : memref<64x512xf32, #tpu.memory_space<vmem>>)
    %mul3A_67 = arith.constant 4 : i32
    %mul3A_68 = arith.muli %add3A, %mul3A_67 : i32
    %add3A_69 = arith.constant 3 : i32
    %add3A_70 = arith.addi %mul3A_68, %add3A_69 : i32
    %sub3A_71 = arith.constant 1 : i32
    %sub3A_72 = arith.subi %add3A_70, %sub3A_71 : i32
    %mul3A_73 = arith.constant 64 : i32
    %mul3A_74 = arith.muli %sub3A_72, %mul3A_73 : i32
    %dma_start3A_75 = arith.constant 0 : i32
    %dma_start3A_76 = tpu.memref_slice %arg4[%mul3A_74, %dma_start3A_75] : memref<8192x512xf32, #tpu.memory_space<hbm>> -> memref<64x512xf32, #tpu.memory_space<hbm>>
    %dma_start3A_77 = arith.constant 0 : i32
    %dma_start3A_78 = tpu.memref_slice %arg4[%mul3A_74, %dma_start3A_77] : memref<8192x512xf32, #tpu.memory_space<hbm>> -> memref<64x512xf32, #tpu.memory_space<hbm>>
    tpu.enqueue_dma source(%arg6 : memref<64x512xf32, #tpu.memory_space<vmem>>) target(%dma_start3A_78 : memref<64x512xf32, #tpu.memory_space<hbm>>) target_semaphore(%arg10 : memref<!tpu.dma_semaphore, #tpu.memory_space<semaphore_mem>>)
    %dma_wait3A_79 = arith.constant 192 : i32
    %dma_wait3A_80 = tpu.memref_slice %arg5[%dma_wait3A_79] : memref<256xi32, #tpu.memory_space<vmem>> -> memref<64xi32, #tpu.memory_space<vmem>>
    %dma_wait3A_81 = arith.constant 0 : i32
    %dma_wait3A_82 = arith.constant 0 : i32
    %dma_wait3A_83 = tpu.memref_slice %arg2[%dma_wait3A_81, %dma_wait3A_82] : memref<32768x512xf32, #tpu.memory_space<hbm>> -> memref<32768x512xf32, #tpu.memory_space<hbm>>
    tpu.wait_indirect_dma semaphore(%arg9 : memref<!tpu.dma_semaphore, #tpu.memory_space<semaphore_mem>>) src(%dma_wait3A_83 : memref<32768x512xf32, #tpu.memory_space<hbm>>) dst(%arg7 : memref<64x512xf32, #tpu.memory_space<vmem>>)
    %mul3A_84 = arith.constant 4 : i32
    %mul3A_85 = arith.muli %add3A, %mul3A_84 : i32
    %add3A_86 = arith.constant 4 : i32
    %add3A_87 = arith.addi %mul3A_85, %add3A_86 : i32
    %sub3A_88 = arith.constant 1 : i32
    %sub3A_89 = arith.subi %add3A_87, %sub3A_88 : i32
    %mul3A_90 = arith.constant 64 : i32
    %mul3A_91 = arith.muli %sub3A_89, %mul3A_90 : i32
    %dma_start3A_92 = arith.constant 0 : i32
    %dma_start3A_93 = tpu.memref_slice %arg4[%mul3A_91, %dma_start3A_92] : memref<8192x512xf32, #tpu.memory_space<hbm>> -> memref<64x512xf32, #tpu.memory_space<hbm>>
    %dma_start3A_94 = arith.constant 0 : i32
    %dma_start3A_95 = tpu.memref_slice %arg4[%mul3A_91, %dma_start3A_94] : memref<8192x512xf32, #tpu.memory_space<hbm>> -> memref<64x512xf32, #tpu.memory_space<hbm>>
    tpu.enqueue_dma source(%arg7 : memref<64x512xf32, #tpu.memory_space<vmem>>) target(%dma_start3A_95 : memref<64x512xf32, #tpu.memory_space<hbm>>) target_semaphore(%arg11 : memref<!tpu.dma_semaphore, #tpu.memory_space<semaphore_mem>>)
    %dma_wait3A_96 = arith.constant 0 : i32
    %dma_wait3A_97 = tpu.memref_slice %arg4[%mul3A_91, %dma_wait3A_96] : memref<8192x512xf32, #tpu.memory_space<hbm>> -> memref<64x512xf32, #tpu.memory_space<hbm>>
    %dma_wait3A_98 = arith.constant 0 : i32
    %dma_wait3A_99 = tpu.memref_slice %arg4[%mul3A_91, %dma_wait3A_98] : memref<8192x512xf32, #tpu.memory_space<hbm>> -> memref<64x512xf32, #tpu.memory_space<hbm>>
    tpu.wait_dma2 semaphore(%arg11 : memref<!tpu.dma_semaphore, #tpu.memory_space<semaphore_mem>>) src(%arg7 : memref<64x512xf32, #tpu.memory_space<vmem>>) dst(%dma_wait3A_99 : memref<64x512xf32, #tpu.memory_space<hbm>>)
    %dma_wait3A_100 = arith.constant 0 : i32
    %dma_wait3A_101 = tpu.memref_slice %arg4[%mul3A_74, %dma_wait3A_100] : memref<8192x512xf32, #tpu.memory_space<hbm>> -> memref<64x512xf32, #tpu.memory_space<hbm>>
    %dma_wait3A_102 = arith.constant 0 : i32
    %dma_wait3A_103 = tpu.memref_slice %arg4[%mul3A_74, %dma_wait3A_102] : memref<8192x512xf32, #tpu.memory_space<hbm>> -> memref<64x512xf32, #tpu.memory_space<hbm>>
    tpu.wait_dma2 semaphore(%arg10 : memref<!tpu.dma_semaphore, #tpu.memory_space<semaphore_mem>>) src(%arg6 : memref<64x512xf32, #tpu.memory_space<vmem>>) dst(%dma_wait3A_103 : memref<64x512xf32, #tpu.memory_space<hbm>>)
    return
  }
}

#map = affine_map<(d0, d1) -> (0, 0)>
#map1 = affine_map<(d0, d1) -> (0)>
module attributes {stable_mosaic.version = 14 : i64} {
  func.func @sc_gather(%arg0: i32, %arg1: i32, %arg2: memref<32768x512xf32, #tpu.memory_space<hbm>>, %arg3: memref<8192xi32, #tpu.memory_space<hbm>>, %arg4: memref<8192x512xf32, #tpu.memory_space<hbm>>, %arg5: memref<256xi32, #tpu.memory_space<vmem>>, %arg6: memref<64x512xf32, #tpu.memory_space<vmem>>, %arg7: memref<64x512xf32, #tpu.memory_space<vmem>>, %arg8: memref<!tpu.dma_semaphore, #tpu.memory_space<semaphore_mem>>, %arg9: memref<!tpu.dma_semaphore, #tpu.memory_space<semaphore_mem>>, %arg10: memref<!tpu.dma_semaphore, #tpu.memory_space<semaphore_mem>>, %arg11: memref<!tpu.dma_semaphore, #tpu.memory_space<semaphore_mem>>) attributes {dimension_semantics = [#tpu.dimension_semantics<core_parallel>, #tpu.dimension_semantics<subcore_parallel>], iteration_bounds = array<i64: 2, 16>, scalar_prefetch = 0 : i64, scratch_operands = 7 : i64, tpu.core_type = #tpu.core_type<sc_vector_subcore>, window_params = [{transform_indices = #map}, {transform_indices = #map1}, {transform_indices = #map}]} {
    %mul3A = arith.constant 2 : i32
    %mul3A_0 = arith.muli %arg1, %mul3A : i32
    %add3A = arith.addi %mul3A_0, %arg0 : i32
    %mul3A_1 = arith.constant 256 : i32
    %mul3A_2 = arith.muli %add3A, %mul3A_1 : i32
    "tpu.region"() ({
      %run_scoped3A = tpu.sem_alloc : memref<!tpu.dma_semaphore, #tpu.memory_space<semaphore_mem>>
      %dma_start3A_104 = tpu.memref_slice %arg3[%mul3A_2] : memref<8192xi32, #tpu.memory_space<hbm>> -> memref<256xi32, #tpu.memory_space<hbm>>
      %dma_start3A_105 = tpu.memref_slice %arg3[%mul3A_2] : memref<8192xi32, #tpu.memory_space<hbm>> -> memref<256xi32, #tpu.memory_space<hbm>>
      tpu.enqueue_dma source(%dma_start3A_105 : memref<256xi32, #tpu.memory_space<hbm>>) target(%arg5 : memref<256xi32, #tpu.memory_space<vmem>>) target_semaphore(%run_scoped3A : memref<!tpu.dma_semaphore, #tpu.memory_space<semaphore_mem>>)
      %dma_wait3A_106 = tpu.memref_slice %arg3[%mul3A_2] : memref<8192xi32, #tpu.memory_space<hbm>> -> memref<256xi32, #tpu.memory_space<hbm>>
      %dma_wait3A_107 = tpu.memref_slice %arg3[%mul3A_2] : memref<8192xi32, #tpu.memory_space<hbm>> -> memref<256xi32, #tpu.memory_space<hbm>>
      tpu.wait_dma2 semaphore(%run_scoped3A : memref<!tpu.dma_semaphore, #tpu.memory_space<semaphore_mem>>) src(%dma_wait3A_107 : memref<256xi32, #tpu.memory_space<hbm>>) dst(%arg5 : memref<256xi32, #tpu.memory_space<vmem>>)
      tpu.yield
    }) : () -> ()
    %dma_start3A = arith.constant 0 : i32
    %dma_start3A_3 = tpu.memref_slice %arg5[%dma_start3A] : memref<256xi32, #tpu.memory_space<vmem>> -> memref<64xi32, #tpu.memory_space<vmem>>
    %dma_start3A_4 = arith.constant 0 : i32
    %dma_start3A_5 = arith.constant 0 : i32
    %dma_start3A_6 = tpu.memref_slice %arg2[%dma_start3A_4, %dma_start3A_5] : memref<32768x512xf32, #tpu.memory_space<hbm>> -> memref<32768x512xf32, #tpu.memory_space<hbm>>
    tpu.enqueue_indirect_dma source(%dma_start3A_6 : memref<32768x512xf32, #tpu.memory_space<hbm>>) target(%arg6 : memref<64x512xf32, #tpu.memory_space<vmem>>) offsets(%dma_start3A_3 : memref<64xi32, #tpu.memory_space<vmem>>) semaphore(%arg8 : memref<!tpu.dma_semaphore, #tpu.memory_space<semaphore_mem>>)
    %dma_start3A_7 = arith.constant 64 : i32
    %dma_start3A_8 = tpu.memref_slice %arg5[%dma_start3A_7] : memref<256xi32, #tpu.memory_space<vmem>> -> memref<64xi32, #tpu.memory_space<vmem>>
    %dma_start3A_9 = arith.constant 0 : i32
    %dma_start3A_10 = arith.constant 0 : i32
    %dma_start3A_11 = tpu.memref_slice %arg2[%dma_start3A_9, %dma_start3A_10] : memref<32768x512xf32, #tpu.memory_space<hbm>> -> memref<32768x512xf32, #tpu.memory_space<hbm>>
    tpu.enqueue_indirect_dma source(%dma_start3A_11 : memref<32768x512xf32, #tpu.memory_space<hbm>>) target(%arg7 : memref<64x512xf32, #tpu.memory_space<vmem>>) offsets(%dma_start3A_8 : memref<64xi32, #tpu.memory_space<vmem>>) semaphore(%arg9 : memref<!tpu.dma_semaphore, #tpu.memory_space<semaphore_mem>>)
    %dma_wait3A = arith.constant 0 : i32
    %dma_wait3A_12 = tpu.memref_slice %arg5[%dma_wait3A] : memref<256xi32, #tpu.memory_space<vmem>> -> memref<64xi32, #tpu.memory_space<vmem>>
    %dma_wait3A_13 = arith.constant 0 : i32
    %dma_wait3A_14 = arith.constant 0 : i32
    %dma_wait3A_15 = tpu.memref_slice %arg2[%dma_wait3A_13, %dma_wait3A_14] : memref<32768x512xf32, #tpu.memory_space<hbm>> -> memref<32768x512xf32, #tpu.memory_space<hbm>>
    tpu.wait_indirect_dma semaphore(%arg8 : memref<!tpu.dma_semaphore, #tpu.memory_space<semaphore_mem>>) src(%dma_wait3A_15 : memref<32768x512xf32, #tpu.memory_space<hbm>>) dst(%arg6 : memref<64x512xf32, #tpu.memory_space<vmem>>)
    %mul3A_16 = arith.constant 4 : i32
    %mul3A_17 = arith.muli %add3A, %mul3A_16 : i32
    %add3A_18 = arith.constant 1 : i32
    %add3A_19 = arith.addi %mul3A_17, %add3A_18 : i32
    %sub3A = arith.constant 1 : i32
    %sub3A_20 = arith.subi %add3A_19, %sub3A : i32
    %mul3A_21 = arith.constant 64 : i32
    %mul3A_22 = arith.muli %sub3A_20, %mul3A_21 : i32
    %dma_start3A_23 = arith.constant 0 : i32
    %dma_start3A_24 = tpu.memref_slice %arg4[%mul3A_22, %dma_start3A_23] : memref<8192x512xf32, #tpu.memory_space<hbm>> -> memref<64x512xf32, #tpu.memory_space<hbm>>
    %dma_start3A_25 = arith.constant 0 : i32
    %dma_start3A_26 = tpu.memref_slice %arg4[%mul3A_22, %dma_start3A_25] : memref<8192x512xf32, #tpu.memory_space<hbm>> -> memref<64x512xf32, #tpu.memory_space<hbm>>
    tpu.enqueue_dma source(%arg6 : memref<64x512xf32, #tpu.memory_space<vmem>>) target(%dma_start3A_26 : memref<64x512xf32, #tpu.memory_space<hbm>>) target_semaphore(%arg10 : memref<!tpu.dma_semaphore, #tpu.memory_space<semaphore_mem>>)
    %dma_wait3A_27 = arith.constant 0 : i32
    %dma_wait3A_28 = tpu.memref_slice %arg4[%mul3A_22, %dma_wait3A_27] : memref<8192x512xf32, #tpu.memory_space<hbm>> -> memref<64x512xf32, #tpu.memory_space<hbm>>
    %dma_wait3A_29 = arith.constant 0 : i32
    %dma_wait3A_30 = tpu.memref_slice %arg4[%mul3A_22, %dma_wait3A_29] : memref<8192x512xf32, #tpu.memory_space<hbm>> -> memref<64x512xf32, #tpu.memory_space<hbm>>
    tpu.wait_dma2 semaphore(%arg10 : memref<!tpu.dma_semaphore, #tpu.memory_space<semaphore_mem>>) src(%arg6 : memref<64x512xf32, #tpu.memory_space<vmem>>) dst(%dma_wait3A_30 : memref<64x512xf32, #tpu.memory_space<hbm>>)
    %dma_start3A_31 = arith.constant 128 : i32
    %dma_start3A_32 = tpu.memref_slice %arg5[%dma_start3A_31] : memref<256xi32, #tpu.memory_space<vmem>> -> memref<64xi32, #tpu.memory_space<vmem>>
    %dma_start3A_33 = arith.constant 0 : i32
    %dma_start3A_34 = arith.constant 0 : i32
    %dma_start3A_35 = tpu.memref_slice %arg2[%dma_start3A_33, %dma_start3A_34] : memref<32768x512xf32, #tpu.memory_space<hbm>> -> memref<32768x512xf32, #tpu.memory_space<hbm>>
    tpu.enqueue_indirect_dma source(%dma_start3A_35 : memref<32768x512xf32, #tpu.memory_space<hbm>>) target(%arg6 : memref<64x512xf32, #tpu.memory_space<vmem>>) offsets(%dma_start3A_32 : memref<64xi32, #tpu.memory_space<vmem>>) semaphore(%arg8 : memref<!tpu.dma_semaphore, #tpu.memory_space<semaphore_mem>>)
    %dma_wait3A_36 = arith.constant 64 : i32
    %dma_wait3A_37 = tpu.memref_slice %arg5[%dma_wait3A_36] : memref<256xi32, #tpu.memory_space<vmem>> -> memref<64xi32, #tpu.memory_space<vmem>>
    %dma_wait3A_38 = arith.constant 0 : i32
    %dma_wait3A_39 = arith.constant 0 : i32
    %dma_wait3A_40 = tpu.memref_slice %arg2[%dma_wait3A_38, %dma_wait3A_39] : memref<32768x512xf32, #tpu.memory_space<hbm>> -> memref<32768x512xf32, #tpu.memory_space<hbm>>
    tpu.wait_indirect_dma semaphore(%arg9 : memref<!tpu.dma_semaphore, #tpu.memory_space<semaphore_mem>>) src(%dma_wait3A_40 : memref<32768x512xf32, #tpu.memory_space<hbm>>) dst(%arg7 : memref<64x512xf32, #tpu.memory_space<vmem>>)
    %mul3A_41 = arith.constant 4 : i32
    %mul3A_42 = arith.muli %add3A, %mul3A_41 : i32
    %add3A_43 = arith.constant 2 : i32
    %add3A_44 = arith.addi %mul3A_42, %add3A_43 : i32
    %sub3A_45 = arith.constant 1 : i32
    %sub3A_46 = arith.subi %add3A_44, %sub3A_45 : i32
    %mul3A_47 = arith.constant 64 : i32
    %mul3A_48 = arith.muli %sub3A_46, %mul3A_47 : i32
    %dma_start3A_49 = arith.constant 0 : i32
    %dma_start3A_50 = tpu.memref_slice %arg4[%mul3A_48, %dma_start3A_49] : memref<8192x512xf32, #tpu.memory_space<hbm>> -> memref<64x512xf32, #tpu.memory_space<hbm>>
    %dma_start3A_51 = arith.constant 0 : i32
    %dma_start3A_52 = tpu.memref_slice %arg4[%mul3A_48, %dma_start3A_51] : memref<8192x512xf32, #tpu.memory_space<hbm>> -> memref<64x512xf32, #tpu.memory_space<hbm>>
    tpu.enqueue_dma source(%arg7 : memref<64x512xf32, #tpu.memory_space<vmem>>) target(%dma_start3A_52 : memref<64x512xf32, #tpu.memory_space<hbm>>) target_semaphore(%arg11 : memref<!tpu.dma_semaphore, #tpu.memory_space<semaphore_mem>>)
    %dma_wait3A_53 = arith.constant 0 : i32
    %dma_wait3A_54 = tpu.memref_slice %arg4[%mul3A_48, %dma_wait3A_53] : memref<8192x512xf32, #tpu.memory_space<hbm>> -> memref<64x512xf32, #tpu.memory_space<hbm>>
    %dma_wait3A_55 = arith.constant 0 : i32
    %dma_wait3A_56 = tpu.memref_slice %arg4[%mul3A_48, %dma_wait3A_55] : memref<8192x512xf32, #tpu.memory_space<hbm>> -> memref<64x512xf32, #tpu.memory_space<hbm>>
    tpu.wait_dma2 semaphore(%arg11 : memref<!tpu.dma_semaphore, #tpu.memory_space<semaphore_mem>>) src(%arg7 : memref<64x512xf32, #tpu.memory_space<vmem>>) dst(%dma_wait3A_56 : memref<64x512xf32, #tpu.memory_space<hbm>>)
    %dma_start3A_57 = arith.constant 192 : i32
    %dma_start3A_58 = tpu.memref_slice %arg5[%dma_start3A_57] : memref<256xi32, #tpu.memory_space<vmem>> -> memref<64xi32, #tpu.memory_space<vmem>>
    %dma_start3A_59 = arith.constant 0 : i32
    %dma_start3A_60 = arith.constant 0 : i32
    %dma_start3A_61 = tpu.memref_slice %arg2[%dma_start3A_59, %dma_start3A_60] : memref<32768x512xf32, #tpu.memory_space<hbm>> -> memref<32768x512xf32, #tpu.memory_space<hbm>>
    tpu.enqueue_indirect_dma source(%dma_start3A_61 : memref<32768x512xf32, #tpu.memory_space<hbm>>) target(%arg7 : memref<64x512xf32, #tpu.memory_space<vmem>>) offsets(%dma_start3A_58 : memref<64xi32, #tpu.memory_space<vmem>>) semaphore(%arg9 : memref<!tpu.dma_semaphore, #tpu.memory_space<semaphore_mem>>)
    %dma_wait3A_62 = arith.constant 128 : i32
    %dma_wait3A_63 = tpu.memref_slice %arg5[%dma_wait3A_62] : memref<256xi32, #tpu.memory_space<vmem>> -> memref<64xi32, #tpu.memory_space<vmem>>
    %dma_wait3A_64 = arith.constant 0 : i32
    %dma_wait3A_65 = arith.constant 0 : i32
    %dma_wait3A_66 = tpu.memref_slice %arg2[%dma_wait3A_64, %dma_wait3A_65] : memref<32768x512xf32, #tpu.memory_space<hbm>> -> memref<32768x512xf32, #tpu.memory_space<hbm>>
    tpu.wait_indirect_dma semaphore(%arg8 : memref<!tpu.dma_semaphore, #tpu.memory_space<semaphore_mem>>) src(%dma_wait3A_66 : memref<32768x512xf32, #tpu.memory_space<hbm>>) dst(%arg6 : memref<64x512xf32, #tpu.memory_space<vmem>>)
    %mul3A_67 = arith.constant 4 : i32
    %mul3A_68 = arith.muli %add3A, %mul3A_67 : i32
    %add3A_69 = arith.constant 3 : i32
    %add3A_70 = arith.addi %mul3A_68, %add3A_69 : i32
    %sub3A_71 = arith.constant 1 : i32
    %sub3A_72 = arith.subi %add3A_70, %sub3A_71 : i32
    %mul3A_73 = arith.constant 64 : i32
    %mul3A_74 = arith.muli %sub3A_72, %mul3A_73 : i32
    %dma_start3A_75 = arith.constant 0 : i32
    %dma_start3A_76 = tpu.memref_slice %arg4[%mul3A_74, %dma_start3A_75] : memref<8192x512xf32, #tpu.memory_space<hbm>> -> memref<64x512xf32, #tpu.memory_space<hbm>>
    %dma_start3A_77 = arith.constant 0 : i32
    %dma_start3A_78 = tpu.memref_slice %arg4[%mul3A_74, %dma_start3A_77] : memref<8192x512xf32, #tpu.memory_space<hbm>> -> memref<64x512xf32, #tpu.memory_space<hbm>>
    tpu.enqueue_dma source(%arg6 : memref<64x512xf32, #tpu.memory_space<vmem>>) target(%dma_start3A_78 : memref<64x512xf32, #tpu.memory_space<hbm>>) target_semaphore(%arg10 : memref<!tpu.dma_semaphore, #tpu.memory_space<semaphore_mem>>)
    %dma_wait3A_79 = arith.constant 192 : i32
    %dma_wait3A_80 = tpu.memref_slice %arg5[%dma_wait3A_79] : memref<256xi32, #tpu.memory_space<vmem>> -> memref<64xi32, #tpu.memory_space<vmem>>
    %dma_wait3A_81 = arith.constant 0 : i32
    %dma_wait3A_82 = arith.constant 0 : i32
    %dma_wait3A_83 = tpu.memref_slice %arg2[%dma_wait3A_81, %dma_wait3A_82] : memref<32768x512xf32, #tpu.memory_space<hbm>> -> memref<32768x512xf32, #tpu.memory_space<hbm>>
    tpu.wait_indirect_dma semaphore(%arg9 : memref<!tpu.dma_semaphore, #tpu.memory_space<semaphore_mem>>) src(%dma_wait3A_83 : memref<32768x512xf32, #tpu.memory_space<hbm>>) dst(%arg7 : memref<64x512xf32, #tpu.memory_space<vmem>>)
    %mul3A_84 = arith.constant 4 : i32
    %mul3A_85 = arith.muli %add3A, %mul3A_84 : i32
    %add3A_86 = arith.constant 4 : i32
    %add3A_87 = arith.addi %mul3A_85, %add3A_86 : i32
    %sub3A_88 = arith.constant 1 : i32
    %sub3A_89 = arith.subi %add3A_87, %sub3A_88 : i32
    %mul3A_90 = arith.constant 64 : i32
    %mul3A_91 = arith.muli %sub3A_89, %mul3A_90 : i32
    %dma_start3A_92 = arith.constant 0 : i32
    %dma_start3A_93 = tpu.memref_slice %arg4[%mul3A_91, %dma_start3A_92] : memref<8192x512xf32, #tpu.memory_space<hbm>> -> memref<64x512xf32, #tpu.memory_space<hbm>>
    %dma_start3A_94 = arith.constant 0 : i32
    %dma_start3A_95 = tpu.memref_slice %arg4[%mul3A_91, %dma_start3A_94] : memref<8192x512xf32, #tpu.memory_space<hbm>> -> memref<64x512xf32, #tpu.memory_space<hbm>>
    tpu.enqueue_dma source(%arg7 : memref<64x512xf32, #tpu.memory_space<vmem>>) target(%dma_start3A_95 : memref<64x512xf32, #tpu.memory_space<hbm>>) target_semaphore(%arg11 : memref<!tpu.dma_semaphore, #tpu.memory_space<semaphore_mem>>)
    %dma_wait3A_96 = arith.constant 0 : i32
    %dma_wait3A_97 = tpu.memref_slice %arg4[%mul3A_91, %dma_wait3A_96] : memref<8192x512xf32, #tpu.memory_space<hbm>> -> memref<64x512xf32, #tpu.memory_space<hbm>>
    %dma_wait3A_98 = arith.constant 0 : i32
    %dma_wait3A_99 = tpu.memref_slice %arg4[%mul3A_91, %dma_wait3A_98] : memref<8192x512xf32, #tpu.memory_space<hbm>> -> memref<64x512xf32, #tpu.memory_space<hbm>>
    tpu.wait_dma2 semaphore(%arg11 : memref<!tpu.dma_semaphore, #tpu.memory_space<semaphore_mem>>) src(%arg7 : memref<64x512xf32, #tpu.memory_space<vmem>>) dst(%dma_wait3A_99 : memref<64x512xf32, #tpu.memory_space<hbm>>)
    %dma_wait3A_100 = arith.constant 0 : i32
    %dma_wait3A_101 = tpu.memref_slice %arg4[%mul3A_74, %dma_wait3A_100] : memref<8192x512xf32, #tpu.memory_space<hbm>> -> memref<64x512xf32, #tpu.memory_space<hbm>>
    %dma_wait3A_102 = arith.constant 0 : i32
    %dma_wait3A_103 = tpu.memref_slice %arg4[%mul3A_74, %dma_wait3A_102] : memref<8192x512xf32, #tpu.memory_space<hbm>> -> memref<64x512xf32, #tpu.memory_space<hbm>>
    tpu.wait_dma2 semaphore(%arg10 : memref<!tpu.dma_semaphore, #tpu.memory_space<semaphore_mem>>) src(%arg6 : memref<64x512xf32, #tpu.memory_space<vmem>>) dst(%dma_wait3A_103 : memref<64x512xf32, #tpu.memory_space<hbm>>)
    return
  }
}

#map = affine_map<(d0, d1) -> (0, 0)>
#map1 = affine_map<(d0, d1) -> (0)>
module attributes {stable_mosaic.version = 14 : i64} {
  func.func @sc_gather(%arg0: i32, %arg1: i32, %arg2: memref<32768x512xf32, #tpu.memory_space<hbm>>, %arg3: memref<8192xi32, #tpu.memory_space<hbm>>, %arg4: memref<8192x512xf32, #tpu.memory_space<hbm>>, %arg5: memref<256xi32, #tpu.memory_space<vmem>>, %arg6: memref<64x512xf32, #tpu.memory_space<vmem>>, %arg7: memref<64x512xf32, #tpu.memory_space<vmem>>, %arg8: memref<!tpu.dma_semaphore, #tpu.memory_space<semaphore_mem>>, %arg9: memref<!tpu.dma_semaphore, #tpu.memory_space<semaphore_mem>>, %arg10: memref<!tpu.dma_semaphore, #tpu.memory_space<semaphore_mem>>, %arg11: memref<!tpu.dma_semaphore, #tpu.memory_space<semaphore_mem>>) attributes {dimension_semantics = [#tpu.dimension_semantics<core_parallel>, #tpu.dimension_semantics<subcore_parallel>], iteration_bounds = array<i64: 2, 16>, scalar_prefetch = 0 : i64, scratch_operands = 7 : i64, tpu.core_type = #tpu.core_type<sc_vector_subcore>, window_params = [{transform_indices = #map}, {transform_indices = #map1}, {transform_indices = #map}]} {
    %mul3A = arith.constant 2 : i32
    %mul3A_0 = arith.muli %arg1, %mul3A : i32
    %add3A = arith.addi %mul3A_0, %arg0 : i32
    %mul3A_1 = arith.constant 256 : i32
    %mul3A_2 = arith.muli %add3A, %mul3A_1 : i32
    "tpu.region"() ({
      %run_scoped3A = tpu.sem_alloc : memref<!tpu.dma_semaphore, #tpu.memory_space<semaphore_mem>>
      %dma_start3A_104 = tpu.memref_slice %arg3[%mul3A_2] : memref<8192xi32, #tpu.memory_space<hbm>> -> memref<256xi32, #tpu.memory_space<hbm>>
      %dma_start3A_105 = tpu.memref_slice %arg3[%mul3A_2] : memref<8192xi32, #tpu.memory_space<hbm>> -> memref<256xi32, #tpu.memory_space<hbm>>
      tpu.enqueue_dma source(%dma_start3A_105 : memref<256xi32, #tpu.memory_space<hbm>>) target(%arg5 : memref<256xi32, #tpu.memory_space<vmem>>) target_semaphore(%run_scoped3A : memref<!tpu.dma_semaphore, #tpu.memory_space<semaphore_mem>>)
      %dma_wait3A_106 = tpu.memref_slice %arg3[%mul3A_2] : memref<8192xi32, #tpu.memory_space<hbm>> -> memref<256xi32, #tpu.memory_space<hbm>>
      %dma_wait3A_107 = tpu.memref_slice %arg3[%mul3A_2] : memref<8192xi32, #tpu.memory_space<hbm>> -> memref<256xi32, #tpu.memory_space<hbm>>
      tpu.wait_dma2 semaphore(%run_scoped3A : memref<!tpu.dma_semaphore, #tpu.memory_space<semaphore_mem>>) src(%dma_wait3A_107 : memref<256xi32, #tpu.memory_space<hbm>>) dst(%arg5 : memref<256xi32, #tpu.memory_space<vmem>>)
      tpu.yield
    }) : () -> ()
    %dma_start3A = arith.constant 0 : i32
    %dma_start3A_3 = tpu.memref_slice %arg5[%dma_start3A] : memref<256xi32, #tpu.memory_space<vmem>> -> memref<64xi32, #tpu.memory_space<vmem>>
    %dma_start3A_4 = arith.constant 0 : i32
    %dma_start3A_5 = arith.constant 0 : i32
    %dma_start3A_6 = tpu.memref_slice %arg2[%dma_start3A_4, %dma_start3A_5] : memref<32768x512xf32, #tpu.memory_space<hbm>> -> memref<32768x512xf32, #tpu.memory_space<hbm>>
    tpu.enqueue_indirect_dma source(%dma_start3A_6 : memref<32768x512xf32, #tpu.memory_space<hbm>>) target(%arg6 : memref<64x512xf32, #tpu.memory_space<vmem>>) offsets(%dma_start3A_3 : memref<64xi32, #tpu.memory_space<vmem>>) semaphore(%arg8 : memref<!tpu.dma_semaphore, #tpu.memory_space<semaphore_mem>>)
    %dma_start3A_7 = arith.constant 64 : i32
    %dma_start3A_8 = tpu.memref_slice %arg5[%dma_start3A_7] : memref<256xi32, #tpu.memory_space<vmem>> -> memref<64xi32, #tpu.memory_space<vmem>>
    %dma_start3A_9 = arith.constant 0 : i32
    %dma_start3A_10 = arith.constant 0 : i32
    %dma_start3A_11 = tpu.memref_slice %arg2[%dma_start3A_9, %dma_start3A_10] : memref<32768x512xf32, #tpu.memory_space<hbm>> -> memref<32768x512xf32, #tpu.memory_space<hbm>>
    tpu.enqueue_indirect_dma source(%dma_start3A_11 : memref<32768x512xf32, #tpu.memory_space<hbm>>) target(%arg7 : memref<64x512xf32, #tpu.memory_space<vmem>>) offsets(%dma_start3A_8 : memref<64xi32, #tpu.memory_space<vmem>>) semaphore(%arg9 : memref<!tpu.dma_semaphore, #tpu.memory_space<semaphore_mem>>)
    %dma_wait3A = arith.constant 0 : i32
    %dma_wait3A_12 = tpu.memref_slice %arg5[%dma_wait3A] : memref<256xi32, #tpu.memory_space<vmem>> -> memref<64xi32, #tpu.memory_space<vmem>>
    %dma_wait3A_13 = arith.constant 0 : i32
    %dma_wait3A_14 = arith.constant 0 : i32
    %dma_wait3A_15 = tpu.memref_slice %arg2[%dma_wait3A_13, %dma_wait3A_14] : memref<32768x512xf32, #tpu.memory_space<hbm>> -> memref<32768x512xf32, #tpu.memory_space<hbm>>
    tpu.wait_indirect_dma semaphore(%arg8 : memref<!tpu.dma_semaphore, #tpu.memory_space<semaphore_mem>>) src(%dma_wait3A_15 : memref<32768x512xf32, #tpu.memory_space<hbm>>) dst(%arg6 : memref<64x512xf32, #tpu.memory_space<vmem>>)
    %mul3A_16 = arith.constant 4 : i32
    %mul3A_17 = arith.muli %add3A, %mul3A_16 : i32
    %add3A_18 = arith.constant 1 : i32
    %add3A_19 = arith.addi %mul3A_17, %add3A_18 : i32
    %sub3A = arith.constant 1 : i32
    %sub3A_20 = arith.subi %add3A_19, %sub3A : i32
    %mul3A_21 = arith.constant 64 : i32
    %mul3A_22 = arith.muli %sub3A_20, %mul3A_21 : i32
    %dma_start3A_23 = arith.constant 0 : i32
    %dma_start3A_24 = tpu.memref_slice %arg4[%mul3A_22, %dma_start3A_23] : memref<8192x512xf32, #tpu.memory_space<hbm>> -> memref<64x512xf32, #tpu.memory_space<hbm>>
    %dma_start3A_25 = arith.constant 0 : i32
    %dma_start3A_26 = tpu.memref_slice %arg4[%mul3A_22, %dma_start3A_25] : memref<8192x512xf32, #tpu.memory_space<hbm>> -> memref<64x512xf32, #tpu.memory_space<hbm>>
    tpu.enqueue_dma source(%arg6 : memref<64x512xf32, #tpu.memory_space<vmem>>) target(%dma_start3A_26 : memref<64x512xf32, #tpu.memory_space<hbm>>) target_semaphore(%arg10 : memref<!tpu.dma_semaphore, #tpu.memory_space<semaphore_mem>>)
    %dma_wait3A_27 = arith.constant 0 : i32
    %dma_wait3A_28 = tpu.memref_slice %arg4[%mul3A_22, %dma_wait3A_27] : memref<8192x512xf32, #tpu.memory_space<hbm>> -> memref<64x512xf32, #tpu.memory_space<hbm>>
    %dma_wait3A_29 = arith.constant 0 : i32
    %dma_wait3A_30 = tpu.memref_slice %arg4[%mul3A_22, %dma_wait3A_29] : memref<8192x512xf32, #tpu.memory_space<hbm>> -> memref<64x512xf32, #tpu.memory_space<hbm>>
    tpu.wait_dma2 semaphore(%arg10 : memref<!tpu.dma_semaphore, #tpu.memory_space<semaphore_mem>>) src(%arg6 : memref<64x512xf32, #tpu.memory_space<vmem>>) dst(%dma_wait3A_30 : memref<64x512xf32, #tpu.memory_space<hbm>>)
    %dma_start3A_31 = arith.constant 128 : i32
    %dma_start3A_32 = tpu.memref_slice %arg5[%dma_start3A_31] : memref<256xi32, #tpu.memory_space<vmem>> -> memref<64xi32, #tpu.memory_space<vmem>>
    %dma_start3A_33 = arith.constant 0 : i32
    %dma_start3A_34 = arith.constant 0 : i32
    %dma_start3A_35 = tpu.memref_slice %arg2[%dma_start3A_33, %dma_start3A_34] : memref<32768x512xf32, #tpu.memory_space<hbm>> -> memref<32768x512xf32, #tpu.memory_space<hbm>>
    tpu.enqueue_indirect_dma source(%dma_start3A_35 : memref<32768x512xf32, #tpu.memory_space<hbm>>) target(%arg6 : memref<64x512xf32, #tpu.memory_space<vmem>>) offsets(%dma_start3A_32 : memref<64xi32, #tpu.memory_space<vmem>>) semaphore(%arg8 : memref<!tpu.dma_semaphore, #tpu.memory_space<semaphore_mem>>)
    %dma_wait3A_36 = arith.constant 64 : i32
    %dma_wait3A_37 = tpu.memref_slice %arg5[%dma_wait3A_36] : memref<256xi32, #tpu.memory_space<vmem>> -> memref<64xi32, #tpu.memory_space<vmem>>
    %dma_wait3A_38 = arith.constant 0 : i32
    %dma_wait3A_39 = arith.constant 0 : i32
    %dma_wait3A_40 = tpu.memref_slice %arg2[%dma_wait3A_38, %dma_wait3A_39] : memref<32768x512xf32, #tpu.memory_space<hbm>> -> memref<32768x512xf32, #tpu.memory_space<hbm>>
    tpu.wait_indirect_dma semaphore(%arg9 : memref<!tpu.dma_semaphore, #tpu.memory_space<semaphore_mem>>) src(%dma_wait3A_40 : memref<32768x512xf32, #tpu.memory_space<hbm>>) dst(%arg7 : memref<64x512xf32, #tpu.memory_space<vmem>>)
    %mul3A_41 = arith.constant 4 : i32
    %mul3A_42 = arith.muli %add3A, %mul3A_41 : i32
    %add3A_43 = arith.constant 2 : i32
    %add3A_44 = arith.addi %mul3A_42, %add3A_43 : i32
    %sub3A_45 = arith.constant 1 : i32
    %sub3A_46 = arith.subi %add3A_44, %sub3A_45 : i32
    %mul3A_47 = arith.constant 64 : i32
    %mul3A_48 = arith.muli %sub3A_46, %mul3A_47 : i32
    %dma_start3A_49 = arith.constant 0 : i32
    %dma_start3A_50 = tpu.memref_slice %arg4[%mul3A_48, %dma_start3A_49] : memref<8192x512xf32, #tpu.memory_space<hbm>> -> memref<64x512xf32, #tpu.memory_space<hbm>>
    %dma_start3A_51 = arith.constant 0 : i32
    %dma_start3A_52 = tpu.memref_slice %arg4[%mul3A_48, %dma_start3A_51] : memref<8192x512xf32, #tpu.memory_space<hbm>> -> memref<64x512xf32, #tpu.memory_space<hbm>>
    tpu.enqueue_dma source(%arg7 : memref<64x512xf32, #tpu.memory_space<vmem>>) target(%dma_start3A_52 : memref<64x512xf32, #tpu.memory_space<hbm>>) target_semaphore(%arg11 : memref<!tpu.dma_semaphore, #tpu.memory_space<semaphore_mem>>)
    %dma_wait3A_53 = arith.constant 0 : i32
    %dma_wait3A_54 = tpu.memref_slice %arg4[%mul3A_48, %dma_wait3A_53] : memref<8192x512xf32, #tpu.memory_space<hbm>> -> memref<64x512xf32, #tpu.memory_space<hbm>>
    %dma_wait3A_55 = arith.constant 0 : i32
    %dma_wait3A_56 = tpu.memref_slice %arg4[%mul3A_48, %dma_wait3A_55] : memref<8192x512xf32, #tpu.memory_space<hbm>> -> memref<64x512xf32, #tpu.memory_space<hbm>>
    tpu.wait_dma2 semaphore(%arg11 : memref<!tpu.dma_semaphore, #tpu.memory_space<semaphore_mem>>) src(%arg7 : memref<64x512xf32, #tpu.memory_space<vmem>>) dst(%dma_wait3A_56 : memref<64x512xf32, #tpu.memory_space<hbm>>)
    %dma_start3A_57 = arith.constant 192 : i32
    %dma_start3A_58 = tpu.memref_slice %arg5[%dma_start3A_57] : memref<256xi32, #tpu.memory_space<vmem>> -> memref<64xi32, #tpu.memory_space<vmem>>
    %dma_start3A_59 = arith.constant 0 : i32
    %dma_start3A_60 = arith.constant 0 : i32
    %dma_start3A_61 = tpu.memref_slice %arg2[%dma_start3A_59, %dma_start3A_60] : memref<32768x512xf32, #tpu.memory_space<hbm>> -> memref<32768x512xf32, #tpu.memory_space<hbm>>
    tpu.enqueue_indirect_dma source(%dma_start3A_61 : memref<32768x512xf32, #tpu.memory_space<hbm>>) target(%arg7 : memref<64x512xf32, #tpu.memory_space<vmem>>) offsets(%dma_start3A_58 : memref<64xi32, #tpu.memory_space<vmem>>) semaphore(%arg9 : memref<!tpu.dma_semaphore, #tpu.memory_space<semaphore_mem>>)
    %dma_wait3A_62 = arith.constant 128 : i32
    %dma_wait3A_63 = tpu.memref_slice %arg5[%dma_wait3A_62] : memref<256xi32, #tpu.memory_space<vmem>> -> memref<64xi32, #tpu.memory_space<vmem>>
    %dma_wait3A_64 = arith.constant 0 : i32
    %dma_wait3A_65 = arith.constant 0 : i32
    %dma_wait3A_66 = tpu.memref_slice %arg2[%dma_wait3A_64, %dma_wait3A_65] : memref<32768x512xf32, #tpu.memory_space<hbm>> -> memref<32768x512xf32, #tpu.memory_space<hbm>>
    tpu.wait_indirect_dma semaphore(%arg8 : memref<!tpu.dma_semaphore, #tpu.memory_space<semaphore_mem>>) src(%dma_wait3A_66 : memref<32768x512xf32, #tpu.memory_space<hbm>>) dst(%arg6 : memref<64x512xf32, #tpu.memory_space<vmem>>)
    %mul3A_67 = arith.constant 4 : i32
    %mul3A_68 = arith.muli %add3A, %mul3A_67 : i32
    %add3A_69 = arith.constant 3 : i32
    %add3A_70 = arith.addi %mul3A_68, %add3A_69 : i32
    %sub3A_71 = arith.constant 1 : i32
    %sub3A_72 = arith.subi %add3A_70, %sub3A_71 : i32
    %mul3A_73 = arith.constant 64 : i32
    %mul3A_74 = arith.muli %sub3A_72, %mul3A_73 : i32
    %dma_start3A_75 = arith.constant 0 : i32
    %dma_start3A_76 = tpu.memref_slice %arg4[%mul3A_74, %dma_start3A_75] : memref<8192x512xf32, #tpu.memory_space<hbm>> -> memref<64x512xf32, #tpu.memory_space<hbm>>
    %dma_start3A_77 = arith.constant 0 : i32
    %dma_start3A_78 = tpu.memref_slice %arg4[%mul3A_74, %dma_start3A_77] : memref<8192x512xf32, #tpu.memory_space<hbm>> -> memref<64x512xf32, #tpu.memory_space<hbm>>
    tpu.enqueue_dma source(%arg6 : memref<64x512xf32, #tpu.memory_space<vmem>>) target(%dma_start3A_78 : memref<64x512xf32, #tpu.memory_space<hbm>>) target_semaphore(%arg10 : memref<!tpu.dma_semaphore, #tpu.memory_space<semaphore_mem>>)
    %dma_wait3A_79 = arith.constant 192 : i32
    %dma_wait3A_80 = tpu.memref_slice %arg5[%dma_wait3A_79] : memref<256xi32, #tpu.memory_space<vmem>> -> memref<64xi32, #tpu.memory_space<vmem>>
    %dma_wait3A_81 = arith.constant 0 : i32
    %dma_wait3A_82 = arith.constant 0 : i32
    %dma_wait3A_83 = tpu.memref_slice %arg2[%dma_wait3A_81, %dma_wait3A_82] : memref<32768x512xf32, #tpu.memory_space<hbm>> -> memref<32768x512xf32, #tpu.memory_space<hbm>>
    tpu.wait_indirect_dma semaphore(%arg9 : memref<!tpu.dma_semaphore, #tpu.memory_space<semaphore_mem>>) src(%dma_wait3A_83 : memref<32768x512xf32, #tpu.memory_space<hbm>>) dst(%arg7 : memref<64x512xf32, #tpu.memory_space<vmem>>)
    %mul3A_84 = arith.constant 4 : i32
    %mul3A_85 = arith.muli %add3A, %mul3A_84 : i32
    %add3A_86 = arith.constant 4 : i32
    %add3A_87 = arith.addi %mul3A_85, %add3A_86 : i32
    %sub3A_88 = arith.constant 1 : i32
    %sub3A_89 = arith.subi %add3A_87, %sub3A_88 : i32
    %mul3A_90 = arith.constant 64 : i32
    %mul3A_91 = arith.muli %sub3A_89, %mul3A_90 : i32
    %dma_start3A_92 = arith.constant 0 : i32
    %dma_start3A_93 = tpu.memref_slice %arg4[%mul3A_91, %dma_start3A_92] : memref<8192x512xf32, #tpu.memory_space<hbm>> -> memref<64x512xf32, #tpu.memory_space<hbm>>
    %dma_start3A_94 = arith.constant 0 : i32
    %dma_start3A_95 = tpu.memref_slice %arg4[%mul3A_91, %dma_start3A_94] : memref<8192x512xf32, #tpu.memory_space<hbm>> -> memref<64x512xf32, #tpu.memory_space<hbm>>
    tpu.enqueue_dma source(%arg7 : memref<64x512xf32, #tpu.memory_space<vmem>>) target(%dma_start3A_95 : memref<64x512xf32, #tpu.memory_space<hbm>>) target_semaphore(%arg11 : memref<!tpu.dma_semaphore, #tpu.memory_space<semaphore_mem>>)
    %dma_wait3A_96 = arith.constant 0 : i32
    %dma_wait3A_97 = tpu.memref_slice %arg4[%mul3A_91, %dma_wait3A_96] : memref<8192x512xf32, #tpu.memory_space<hbm>> -> memref<64x512xf32, #tpu.memory_space<hbm>>
    %dma_wait3A_98 = arith.constant 0 : i32
    %dma_wait3A_99 = tpu.memref_slice %arg4[%mul3A_91, %dma_wait3A_98] : memref<8192x512xf32, #tpu.memory_space<hbm>> -> memref<64x512xf32, #tpu.memory_space<hbm>>
    tpu.wait_dma2 semaphore(%arg11 : memref<!tpu.dma_semaphore, #tpu.memory_space<semaphore_mem>>) src(%arg7 : memref<64x512xf32, #tpu.memory_space<vmem>>) dst(%dma_wait3A_99 : memref<64x512xf32, #tpu.memory_space<hbm>>)
    %dma_wait3A_100 = arith.constant 0 : i32
    %dma_wait3A_101 = tpu.memref_slice %arg4[%mul3A_74, %dma_wait3A_100] : memref<8192x512xf32, #tpu.memory_space<hbm>> -> memref<64x512xf32, #tpu.memory_space<hbm>>
    %dma_wait3A_102 = arith.constant 0 : i32
    %dma_wait3A_103 = tpu.memref_slice %arg4[%mul3A_74, %dma_wait3A_102] : memref<8192x512xf32, #tpu.memory_space<hbm>> -> memref<64x512xf32, #tpu.memory_space<hbm>>
    tpu.wait_dma2 semaphore(%arg10 : memref<!tpu.dma_semaphore, #tpu.memory_space<semaphore_mem>>) src(%arg6 : memref<64x512xf32, #tpu.memory_space<vmem>>) dst(%dma_wait3A_103 : memref<64x512xf32, #tpu.memory_space<hbm>>)
    return
  }
}

#map = affine_map<(d0, d1) -> (0, 0)>
#map1 = affine_map<(d0, d1) -> (0)>
module attributes {stable_mosaic.version = 14 : i64} {
  func.func @sc_gather(%arg0: i32, %arg1: i32, %arg2: memref<32768x512xf32, #tpu.memory_space<hbm>>, %arg3: memref<4096xi32, #tpu.memory_space<hbm>>, %arg4: memref<4096x512xf32, #tpu.memory_space<hbm>>, %arg5: memref<128xi32, #tpu.memory_space<vmem>>, %arg6: memref<64x512xf32, #tpu.memory_space<vmem>>, %arg7: memref<64x512xf32, #tpu.memory_space<vmem>>, %arg8: memref<!tpu.dma_semaphore, #tpu.memory_space<semaphore_mem>>, %arg9: memref<!tpu.dma_semaphore, #tpu.memory_space<semaphore_mem>>, %arg10: memref<!tpu.dma_semaphore, #tpu.memory_space<semaphore_mem>>, %arg11: memref<!tpu.dma_semaphore, #tpu.memory_space<semaphore_mem>>) attributes {dimension_semantics = [#tpu.dimension_semantics<core_parallel>, #tpu.dimension_semantics<subcore_parallel>], iteration_bounds = array<i64: 2, 16>, scalar_prefetch = 0 : i64, scratch_operands = 7 : i64, tpu.core_type = #tpu.core_type<sc_vector_subcore>, window_params = [{transform_indices = #map}, {transform_indices = #map1}, {transform_indices = #map}]} {
    %mul3A = arith.constant 2 : i32
    %mul3A_0 = arith.muli %arg1, %mul3A : i32
    %add3A = arith.addi %mul3A_0, %arg0 : i32
    %mul3A_1 = arith.constant 128 : i32
    %mul3A_2 = arith.muli %add3A, %mul3A_1 : i32
    "tpu.region"() ({
      %run_scoped3A = tpu.sem_alloc : memref<!tpu.dma_semaphore, #tpu.memory_space<semaphore_mem>>
      %dma_start3A_52 = tpu.memref_slice %arg3[%mul3A_2] : memref<4096xi32, #tpu.memory_space<hbm>> -> memref<128xi32, #tpu.memory_space<hbm>>
      %dma_start3A_53 = tpu.memref_slice %arg3[%mul3A_2] : memref<4096xi32, #tpu.memory_space<hbm>> -> memref<128xi32, #tpu.memory_space<hbm>>
      tpu.enqueue_dma source(%dma_start3A_53 : memref<128xi32, #tpu.memory_space<hbm>>) target(%arg5 : memref<128xi32, #tpu.memory_space<vmem>>) target_semaphore(%run_scoped3A : memref<!tpu.dma_semaphore, #tpu.memory_space<semaphore_mem>>)
      %dma_wait3A_54 = tpu.memref_slice %arg3[%mul3A_2] : memref<4096xi32, #tpu.memory_space<hbm>> -> memref<128xi32, #tpu.memory_space<hbm>>
      %dma_wait3A_55 = tpu.memref_slice %arg3[%mul3A_2] : memref<4096xi32, #tpu.memory_space<hbm>> -> memref<128xi32, #tpu.memory_space<hbm>>
      tpu.wait_dma2 semaphore(%run_scoped3A : memref<!tpu.dma_semaphore, #tpu.memory_space<semaphore_mem>>) src(%dma_wait3A_55 : memref<128xi32, #tpu.memory_space<hbm>>) dst(%arg5 : memref<128xi32, #tpu.memory_space<vmem>>)
      tpu.yield
    }) : () -> ()
    %dma_start3A = arith.constant 0 : i32
    %dma_start3A_3 = tpu.memref_slice %arg5[%dma_start3A] : memref<128xi32, #tpu.memory_space<vmem>> -> memref<64xi32, #tpu.memory_space<vmem>>
    %dma_start3A_4 = arith.constant 0 : i32
    %dma_start3A_5 = arith.constant 0 : i32
    %dma_start3A_6 = tpu.memref_slice %arg2[%dma_start3A_4, %dma_start3A_5] : memref<32768x512xf32, #tpu.memory_space<hbm>> -> memref<32768x512xf32, #tpu.memory_space<hbm>>
    tpu.enqueue_indirect_dma source(%dma_start3A_6 : memref<32768x512xf32, #tpu.memory_space<hbm>>) target(%arg6 : memref<64x512xf32, #tpu.memory_space<vmem>>) offsets(%dma_start3A_3 : memref<64xi32, #tpu.memory_space<vmem>>) semaphore(%arg8 : memref<!tpu.dma_semaphore, #tpu.memory_space<semaphore_mem>>)
    %dma_start3A_7 = arith.constant 64 : i32
    %dma_start3A_8 = tpu.memref_slice %arg5[%dma_start3A_7] : memref<128xi32, #tpu.memory_space<vmem>> -> memref<64xi32, #tpu.memory_space<vmem>>
    %dma_start3A_9 = arith.constant 0 : i32
    %dma_start3A_10 = arith.constant 0 : i32
    %dma_start3A_11 = tpu.memref_slice %arg2[%dma_start3A_9, %dma_start3A_10] : memref<32768x512xf32, #tpu.memory_space<hbm>> -> memref<32768x512xf32, #tpu.memory_space<hbm>>
    tpu.enqueue_indirect_dma source(%dma_start3A_11 : memref<32768x512xf32, #tpu.memory_space<hbm>>) target(%arg7 : memref<64x512xf32, #tpu.memory_space<vmem>>) offsets(%dma_start3A_8 : memref<64xi32, #tpu.memory_space<vmem>>) semaphore(%arg9 : memref<!tpu.dma_semaphore, #tpu.memory_space<semaphore_mem>>)
    %dma_wait3A = arith.constant 0 : i32
    %dma_wait3A_12 = tpu.memref_slice %arg5[%dma_wait3A] : memref<128xi32, #tpu.memory_space<vmem>> -> memref<64xi32, #tpu.memory_space<vmem>>
    %dma_wait3A_13 = arith.constant 0 : i32
    %dma_wait3A_14 = arith.constant 0 : i32
    %dma_wait3A_15 = tpu.memref_slice %arg2[%dma_wait3A_13, %dma_wait3A_14] : memref<32768x512xf32, #tpu.memory_space<hbm>> -> memref<32768x512xf32, #tpu.memory_space<hbm>>
    tpu.wait_indirect_dma semaphore(%arg8 : memref<!tpu.dma_semaphore, #tpu.memory_space<semaphore_mem>>) src(%dma_wait3A_15 : memref<32768x512xf32, #tpu.memory_space<hbm>>) dst(%arg6 : memref<64x512xf32, #tpu.memory_space<vmem>>)
    %mul3A_16 = arith.constant 2 : i32
    %mul3A_17 = arith.muli %add3A, %mul3A_16 : i32
    %add3A_18 = arith.constant 1 : i32
    %add3A_19 = arith.addi %mul3A_17, %add3A_18 : i32
    %sub3A = arith.constant 1 : i32
    %sub3A_20 = arith.subi %add3A_19, %sub3A : i32
    %mul3A_21 = arith.constant 64 : i32
    %mul3A_22 = arith.muli %sub3A_20, %mul3A_21 : i32
    %dma_start3A_23 = arith.constant 0 : i32
    %dma_start3A_24 = tpu.memref_slice %arg4[%mul3A_22, %dma_start3A_23] : memref<4096x512xf32, #tpu.memory_space<hbm>> -> memref<64x512xf32, #tpu.memory_space<hbm>>
    %dma_start3A_25 = arith.constant 0 : i32
    %dma_start3A_26 = tpu.memref_slice %arg4[%mul3A_22, %dma_start3A_25] : memref<4096x512xf32, #tpu.memory_space<hbm>> -> memref<64x512xf32, #tpu.memory_space<hbm>>
    tpu.enqueue_dma source(%arg6 : memref<64x512xf32, #tpu.memory_space<vmem>>) target(%dma_start3A_26 : memref<64x512xf32, #tpu.memory_space<hbm>>) target_semaphore(%arg10 : memref<!tpu.dma_semaphore, #tpu.memory_space<semaphore_mem>>)
    %dma_wait3A_27 = arith.constant 64 : i32
    %dma_wait3A_28 = tpu.memref_slice %arg5[%dma_wait3A_27] : memref<128xi32, #tpu.memory_space<vmem>> -> memref<64xi32, #tpu.memory_space<vmem>>
    %dma_wait3A_29 = arith.constant 0 : i32
    %dma_wait3A_30 = arith.constant 0 : i32
    %dma_wait3A_31 = tpu.memref_slice %arg2[%dma_wait3A_29, %dma_wait3A_30] : memref<32768x512xf32, #tpu.memory_space<hbm>> -> memref<32768x512xf32, #tpu.memory_space<hbm>>
    tpu.wait_indirect_dma semaphore(%arg9 : memref<!tpu.dma_semaphore, #tpu.memory_space<semaphore_mem>>) src(%dma_wait3A_31 : memref<32768x512xf32, #tpu.memory_space<hbm>>) dst(%arg7 : memref<64x512xf32, #tpu.memory_space<vmem>>)
    %mul3A_32 = arith.constant 2 : i32
    %mul3A_33 = arith.muli %add3A, %mul3A_32 : i32
    %add3A_34 = arith.constant 2 : i32
    %add3A_35 = arith.addi %mul3A_33, %add3A_34 : i32
    %sub3A_36 = arith.constant 1 : i32
    %sub3A_37 = arith.subi %add3A_35, %sub3A_36 : i32
    %mul3A_38 = arith.constant 64 : i32
    %mul3A_39 = arith.muli %sub3A_37, %mul3A_38 : i32
    %dma_start3A_40 = arith.constant 0 : i32
    %dma_start3A_41 = tpu.memref_slice %arg4[%mul3A_39, %dma_start3A_40] : memref<4096x512xf32, #tpu.memory_space<hbm>> -> memref<64x512xf32, #tpu.memory_space<hbm>>
    %dma_start3A_42 = arith.constant 0 : i32
    %dma_start3A_43 = tpu.memref_slice %arg4[%mul3A_39, %dma_start3A_42] : memref<4096x512xf32, #tpu.memory_space<hbm>> -> memref<64x512xf32, #tpu.memory_space<hbm>>
    tpu.enqueue_dma source(%arg7 : memref<64x512xf32, #tpu.memory_space<vmem>>) target(%dma_start3A_43 : memref<64x512xf32, #tpu.memory_space<hbm>>) target_semaphore(%arg11 : memref<!tpu.dma_semaphore, #tpu.memory_space<semaphore_mem>>)
    %dma_wait3A_44 = arith.constant 0 : i32
    %dma_wait3A_45 = tpu.memref_slice %arg4[%mul3A_39, %dma_wait3A_44] : memref<4096x512xf32, #tpu.memory_space<hbm>> -> memref<64x512xf32, #tpu.memory_space<hbm>>
    %dma_wait3A_46 = arith.constant 0 : i32
    %dma_wait3A_47 = tpu.memref_slice %arg4[%mul3A_39, %dma_wait3A_46] : memref<4096x512xf32, #tpu.memory_space<hbm>> -> memref<64x512xf32, #tpu.memory_space<hbm>>
    tpu.wait_dma2 semaphore(%arg11 : memref<!tpu.dma_semaphore, #tpu.memory_space<semaphore_mem>>) src(%arg7 : memref<64x512xf32, #tpu.memory_space<vmem>>) dst(%dma_wait3A_47 : memref<64x512xf32, #tpu.memory_space<hbm>>)
    %dma_wait3A_48 = arith.constant 0 : i32
    %dma_wait3A_49 = tpu.memref_slice %arg4[%mul3A_22, %dma_wait3A_48] : memref<4096x512xf32, #tpu.memory_space<hbm>> -> memref<64x512xf32, #tpu.memory_space<hbm>>
    %dma_wait3A_50 = arith.constant 0 : i32
    %dma_wait3A_51 = tpu.memref_slice %arg4[%mul3A_22, %dma_wait3A_50] : memref<4096x512xf32, #tpu.memory_space<hbm>> -> memref<64x512xf32, #tpu.memory_space<hbm>>
    tpu.wait_dma2 semaphore(%arg10 : memref<!tpu.dma_semaphore, #tpu.memory_space<semaphore_mem>>) src(%arg6 : memref<64x512xf32, #tpu.memory_space<vmem>>) dst(%dma_wait3A_51 : memref<64x512xf32, #tpu.memory_space<hbm>>)
    return
  }
}

#map = affine_map<(d0, d1) -> (0, 0)>
#map1 = affine_map<(d0, d1) -> (0)>
module attributes {stable_mosaic.version = 14 : i64} {
  func.func @sc_gather(%arg0: i32, %arg1: i32, %arg2: memref<32768x512xf32, #tpu.memory_space<hbm>>, %arg3: memref<4096xi32, #tpu.memory_space<hbm>>, %arg4: memref<4096x512xf32, #tpu.memory_space<hbm>>, %arg5: memref<128xi32, #tpu.memory_space<vmem>>, %arg6: memref<64x512xf32, #tpu.memory_space<vmem>>, %arg7: memref<64x512xf32, #tpu.memory_space<vmem>>, %arg8: memref<!tpu.dma_semaphore, #tpu.memory_space<semaphore_mem>>, %arg9: memref<!tpu.dma_semaphore, #tpu.memory_space<semaphore_mem>>, %arg10: memref<!tpu.dma_semaphore, #tpu.memory_space<semaphore_mem>>, %arg11: memref<!tpu.dma_semaphore, #tpu.memory_space<semaphore_mem>>) attributes {dimension_semantics = [#tpu.dimension_semantics<core_parallel>, #tpu.dimension_semantics<subcore_parallel>], iteration_bounds = array<i64: 2, 16>, scalar_prefetch = 0 : i64, scratch_operands = 7 : i64, tpu.core_type = #tpu.core_type<sc_vector_subcore>, window_params = [{transform_indices = #map}, {transform_indices = #map1}, {transform_indices = #map}]} {
    %mul3A = arith.constant 2 : i32
    %mul3A_0 = arith.muli %arg1, %mul3A : i32
    %add3A = arith.addi %mul3A_0, %arg0 : i32
    %mul3A_1 = arith.constant 128 : i32
    %mul3A_2 = arith.muli %add3A, %mul3A_1 : i32
    "tpu.region"() ({
      %run_scoped3A = tpu.sem_alloc : memref<!tpu.dma_semaphore, #tpu.memory_space<semaphore_mem>>
      %dma_start3A_52 = tpu.memref_slice %arg3[%mul3A_2] : memref<4096xi32, #tpu.memory_space<hbm>> -> memref<128xi32, #tpu.memory_space<hbm>>
      %dma_start3A_53 = tpu.memref_slice %arg3[%mul3A_2] : memref<4096xi32, #tpu.memory_space<hbm>> -> memref<128xi32, #tpu.memory_space<hbm>>
      tpu.enqueue_dma source(%dma_start3A_53 : memref<128xi32, #tpu.memory_space<hbm>>) target(%arg5 : memref<128xi32, #tpu.memory_space<vmem>>) target_semaphore(%run_scoped3A : memref<!tpu.dma_semaphore, #tpu.memory_space<semaphore_mem>>)
      %dma_wait3A_54 = tpu.memref_slice %arg3[%mul3A_2] : memref<4096xi32, #tpu.memory_space<hbm>> -> memref<128xi32, #tpu.memory_space<hbm>>
      %dma_wait3A_55 = tpu.memref_slice %arg3[%mul3A_2] : memref<4096xi32, #tpu.memory_space<hbm>> -> memref<128xi32, #tpu.memory_space<hbm>>
      tpu.wait_dma2 semaphore(%run_scoped3A : memref<!tpu.dma_semaphore, #tpu.memory_space<semaphore_mem>>) src(%dma_wait3A_55 : memref<128xi32, #tpu.memory_space<hbm>>) dst(%arg5 : memref<128xi32, #tpu.memory_space<vmem>>)
      tpu.yield
    }) : () -> ()
    %dma_start3A = arith.constant 0 : i32
    %dma_start3A_3 = tpu.memref_slice %arg5[%dma_start3A] : memref<128xi32, #tpu.memory_space<vmem>> -> memref<64xi32, #tpu.memory_space<vmem>>
    %dma_start3A_4 = arith.constant 0 : i32
    %dma_start3A_5 = arith.constant 0 : i32
    %dma_start3A_6 = tpu.memref_slice %arg2[%dma_start3A_4, %dma_start3A_5] : memref<32768x512xf32, #tpu.memory_space<hbm>> -> memref<32768x512xf32, #tpu.memory_space<hbm>>
    tpu.enqueue_indirect_dma source(%dma_start3A_6 : memref<32768x512xf32, #tpu.memory_space<hbm>>) target(%arg6 : memref<64x512xf32, #tpu.memory_space<vmem>>) offsets(%dma_start3A_3 : memref<64xi32, #tpu.memory_space<vmem>>) semaphore(%arg8 : memref<!tpu.dma_semaphore, #tpu.memory_space<semaphore_mem>>)
    %dma_start3A_7 = arith.constant 64 : i32
    %dma_start3A_8 = tpu.memref_slice %arg5[%dma_start3A_7] : memref<128xi32, #tpu.memory_space<vmem>> -> memref<64xi32, #tpu.memory_space<vmem>>
    %dma_start3A_9 = arith.constant 0 : i32
    %dma_start3A_10 = arith.constant 0 : i32
    %dma_start3A_11 = tpu.memref_slice %arg2[%dma_start3A_9, %dma_start3A_10] : memref<32768x512xf32, #tpu.memory_space<hbm>> -> memref<32768x512xf32, #tpu.memory_space<hbm>>
    tpu.enqueue_indirect_dma source(%dma_start3A_11 : memref<32768x512xf32, #tpu.memory_space<hbm>>) target(%arg7 : memref<64x512xf32, #tpu.memory_space<vmem>>) offsets(%dma_start3A_8 : memref<64xi32, #tpu.memory_space<vmem>>) semaphore(%arg9 : memref<!tpu.dma_semaphore, #tpu.memory_space<semaphore_mem>>)
    %dma_wait3A = arith.constant 0 : i32
    %dma_wait3A_12 = tpu.memref_slice %arg5[%dma_wait3A] : memref<128xi32, #tpu.memory_space<vmem>> -> memref<64xi32, #tpu.memory_space<vmem>>
    %dma_wait3A_13 = arith.constant 0 : i32
    %dma_wait3A_14 = arith.constant 0 : i32
    %dma_wait3A_15 = tpu.memref_slice %arg2[%dma_wait3A_13, %dma_wait3A_14] : memref<32768x512xf32, #tpu.memory_space<hbm>> -> memref<32768x512xf32, #tpu.memory_space<hbm>>
    tpu.wait_indirect_dma semaphore(%arg8 : memref<!tpu.dma_semaphore, #tpu.memory_space<semaphore_mem>>) src(%dma_wait3A_15 : memref<32768x512xf32, #tpu.memory_space<hbm>>) dst(%arg6 : memref<64x512xf32, #tpu.memory_space<vmem>>)
    %mul3A_16 = arith.constant 2 : i32
    %mul3A_17 = arith.muli %add3A, %mul3A_16 : i32
    %add3A_18 = arith.constant 1 : i32
    %add3A_19 = arith.addi %mul3A_17, %add3A_18 : i32
    %sub3A = arith.constant 1 : i32
    %sub3A_20 = arith.subi %add3A_19, %sub3A : i32
    %mul3A_21 = arith.constant 64 : i32
    %mul3A_22 = arith.muli %sub3A_20, %mul3A_21 : i32
    %dma_start3A_23 = arith.constant 0 : i32
    %dma_start3A_24 = tpu.memref_slice %arg4[%mul3A_22, %dma_start3A_23] : memref<4096x512xf32, #tpu.memory_space<hbm>> -> memref<64x512xf32, #tpu.memory_space<hbm>>
    %dma_start3A_25 = arith.constant 0 : i32
    %dma_start3A_26 = tpu.memref_slice %arg4[%mul3A_22, %dma_start3A_25] : memref<4096x512xf32, #tpu.memory_space<hbm>> -> memref<64x512xf32, #tpu.memory_space<hbm>>
    tpu.enqueue_dma source(%arg6 : memref<64x512xf32, #tpu.memory_space<vmem>>) target(%dma_start3A_26 : memref<64x512xf32, #tpu.memory_space<hbm>>) target_semaphore(%arg10 : memref<!tpu.dma_semaphore, #tpu.memory_space<semaphore_mem>>)
    %dma_wait3A_27 = arith.constant 64 : i32
    %dma_wait3A_28 = tpu.memref_slice %arg5[%dma_wait3A_27] : memref<128xi32, #tpu.memory_space<vmem>> -> memref<64xi32, #tpu.memory_space<vmem>>
    %dma_wait3A_29 = arith.constant 0 : i32
    %dma_wait3A_30 = arith.constant 0 : i32
    %dma_wait3A_31 = tpu.memref_slice %arg2[%dma_wait3A_29, %dma_wait3A_30] : memref<32768x512xf32, #tpu.memory_space<hbm>> -> memref<32768x512xf32, #tpu.memory_space<hbm>>
    tpu.wait_indirect_dma semaphore(%arg9 : memref<!tpu.dma_semaphore, #tpu.memory_space<semaphore_mem>>) src(%dma_wait3A_31 : memref<32768x512xf32, #tpu.memory_space<hbm>>) dst(%arg7 : memref<64x512xf32, #tpu.memory_space<vmem>>)
    %mul3A_32 = arith.constant 2 : i32
    %mul3A_33 = arith.muli %add3A, %mul3A_32 : i32
    %add3A_34 = arith.constant 2 : i32
    %add3A_35 = arith.addi %mul3A_33, %add3A_34 : i32
    %sub3A_36 = arith.constant 1 : i32
    %sub3A_37 = arith.subi %add3A_35, %sub3A_36 : i32
    %mul3A_38 = arith.constant 64 : i32
    %mul3A_39 = arith.muli %sub3A_37, %mul3A_38 : i32
    %dma_start3A_40 = arith.constant 0 : i32
    %dma_start3A_41 = tpu.memref_slice %arg4[%mul3A_39, %dma_start3A_40] : memref<4096x512xf32, #tpu.memory_space<hbm>> -> memref<64x512xf32, #tpu.memory_space<hbm>>
    %dma_start3A_42 = arith.constant 0 : i32
    %dma_start3A_43 = tpu.memref_slice %arg4[%mul3A_39, %dma_start3A_42] : memref<4096x512xf32, #tpu.memory_space<hbm>> -> memref<64x512xf32, #tpu.memory_space<hbm>>
    tpu.enqueue_dma source(%arg7 : memref<64x512xf32, #tpu.memory_space<vmem>>) target(%dma_start3A_43 : memref<64x512xf32, #tpu.memory_space<hbm>>) target_semaphore(%arg11 : memref<!tpu.dma_semaphore, #tpu.memory_space<semaphore_mem>>)
    %dma_wait3A_44 = arith.constant 0 : i32
    %dma_wait3A_45 = tpu.memref_slice %arg4[%mul3A_39, %dma_wait3A_44] : memref<4096x512xf32, #tpu.memory_space<hbm>> -> memref<64x512xf32, #tpu.memory_space<hbm>>
    %dma_wait3A_46 = arith.constant 0 : i32
    %dma_wait3A_47 = tpu.memref_slice %arg4[%mul3A_39, %dma_wait3A_46] : memref<4096x512xf32, #tpu.memory_space<hbm>> -> memref<64x512xf32, #tpu.memory_space<hbm>>
    tpu.wait_dma2 semaphore(%arg11 : memref<!tpu.dma_semaphore, #tpu.memory_space<semaphore_mem>>) src(%arg7 : memref<64x512xf32, #tpu.memory_space<vmem>>) dst(%dma_wait3A_47 : memref<64x512xf32, #tpu.memory_space<hbm>>)
    %dma_wait3A_48 = arith.constant 0 : i32
    %dma_wait3A_49 = tpu.memref_slice %arg4[%mul3A_22, %dma_wait3A_48] : memref<4096x512xf32, #tpu.memory_space<hbm>> -> memref<64x512xf32, #tpu.memory_space<hbm>>
    %dma_wait3A_50 = arith.constant 0 : i32
    %dma_wait3A_51 = tpu.memref_slice %arg4[%mul3A_22, %dma_wait3A_50] : memref<4096x512xf32, #tpu.memory_space<hbm>> -> memref<64x512xf32, #tpu.memory_space<hbm>>
    tpu.wait_dma2 semaphore(%arg10 : memref<!tpu.dma_semaphore, #tpu.memory_space<semaphore_mem>>) src(%arg6 : memref<64x512xf32, #tpu.memory_space<vmem>>) dst(%dma_wait3A_51 : memref<64x512xf32, #tpu.memory_space<hbm>>)
    return
  }
}

module attributes {stable_mosaic.version = 14 : i64} {
  func.func @_tc_body(%arg0: i32, %arg1: memref<1024x512xf32, #tpu.memory_space<vmem>>, %arg2: memref<1024x512xf32, #tpu.memory_space<vmem>>, %arg3: memref<1x1024xi32, #tpu.memory_space<vmem>>, %arg4: memref<512x64xf32, #tpu.memory_space<vmem>>, %arg5: memref<1x64xf32, #tpu.memory_space<vmem>>, %arg6: memref<64x512xf32, #tpu.memory_space<vmem>>, %arg7: memref<1x512xf32, #tpu.memory_space<vmem>>, %arg8: memref<1024x512xf32, #tpu.memory_space<vmem>>, %arg9: memref<1x512xf32, #tpu.memory_space<vmem>>, %arg10: memref<1024x512xf32, #tpu.memory_space<vmem>>) attributes {dimension_semantics = [#tpu.dimension_semantics<arbitrary>], iteration_bounds = array<i64: 4>, scalar_prefetch = 0 : i64, scratch_operands = 0 : i64, tpu.core_type = #tpu.core_type<tc>, window_params = [{transform_indices = @transform_0, window_bounds = array<i64: 1024, 512>}, {transform_indices = @transform_1, window_bounds = array<i64: 1024, 512>}, {transform_indices = @transform_2, window_bounds = array<i64: 1, 1024>}, {pipeline_mode = #tpu.pipeline_mode<synchronous>, transform_indices = @transform_3, window_bounds = array<i64: 512, 64>}, {pipeline_mode = #tpu.pipeline_mode<synchronous>, transform_indices = @transform_4, window_bounds = array<i64: 1, 64>}, {pipeline_mode = #tpu.pipeline_mode<synchronous>, transform_indices = @transform_5, window_bounds = array<i64: 64, 512>}, {pipeline_mode = #tpu.pipeline_mode<synchronous>, transform_indices = @transform_6, window_bounds = array<i64: 1, 512>}, {pipeline_mode = #tpu.pipeline_mode<synchronous>, transform_indices = @transform_7, window_bounds = array<i64: 1024, 512>}, {pipeline_mode = #tpu.pipeline_mode<synchronous>, transform_indices = @transform_8, window_bounds = array<i64: 1, 512>}, {transform_indices = @transform_9, window_bounds = array<i64: 1024, 512>}]} {
    %get3A = arith.constant 0 : index
    %get3A_0 = arith.constant 0 : index
    %get3A_1 = vector.load %arg1[%get3A, %get3A_0] : memref<1024x512xf32, #tpu.memory_space<vmem>>, vector<1024x512xf32>
    %get3A_2 = arith.constant 0 : index
    %get3A_3 = arith.constant 0 : index
    %get3A_4 = vector.load %arg2[%get3A_2, %get3A_3] : memref<1024x512xf32, #tpu.memory_space<vmem>>, vector<1024x512xf32>
    %get3A_5 = arith.constant 0 : index
    %get3A_6 = arith.constant 0 : index
    %get3A_7 = vector.load %arg4[%get3A_5, %get3A_6] : memref<512x64xf32, #tpu.memory_space<vmem>>, vector<512x64xf32>
    %dot_general3A = arith.constant dense<0.000000e+00> : vector<1024x64xf32>
    %dot_general3A_8 = tpu.matmul %get3A_4, %get3A_7, %dot_general3A {dimension_numbers = #tpu.dot_dimension_numbers<[1], [0], [0], [1], [0, 0, 1, 1], [], []>, transpose_lhs_hint = false} : vector<1024x512xf32>, vector<512x64xf32>, vector<1024x64xf32> -> vector<1024x64xf32>
    %get3A_9 = arith.constant 0 : index
    %get3A_10 = arith.constant 0 : index
    %get3A_11 = vector.load %arg5[%get3A_9, %get3A_10] : memref<1x64xf32, #tpu.memory_space<vmem>>, vector<1x64xf32>
    %add3A = vector.broadcast %get3A_11 : vector<1x64xf32> to vector<1024x64xf32>
    %add3A_12 = arith.addf %dot_general3A_8, %add3A : vector<1024x64xf32>
    %max3A = arith.constant 0.000000e+00 : f32
    %max3A_13 = vector.broadcast %max3A : f32 to vector<1024x64xf32>
    %max3A_14 = arith.maximumf %add3A_12, %max3A_13 : vector<1024x64xf32>
    %get3A_15 = arith.constant 0 : index
    %get3A_16 = arith.constant 0 : index
    %get3A_17 = vector.load %arg6[%get3A_15, %get3A_16] : memref<64x512xf32, #tpu.memory_space<vmem>>, vector<64x512xf32>
    %dot_general3A_18 = arith.constant dense<0.000000e+00> : vector<1024x512xf32>
    %dot_general3A_19 = tpu.matmul %max3A_14, %get3A_17, %dot_general3A_18 {dimension_numbers = #tpu.dot_dimension_numbers<[1], [0], [0], [1], [0, 0, 1, 1], [], []>, transpose_lhs_hint = false} : vector<1024x64xf32>, vector<64x512xf32>, vector<1024x512xf32> -> vector<1024x512xf32>
    %get3A_20 = arith.constant 0 : index
    %get3A_21 = arith.constant 0 : index
    %get3A_22 = vector.load %arg7[%get3A_20, %get3A_21] : memref<1x512xf32, #tpu.memory_space<vmem>>, vector<1x512xf32>
    %add3A_23 = vector.broadcast %get3A_22 : vector<1x512xf32> to vector<1024x512xf32>
    %add3A_24 = arith.addf %dot_general3A_19, %add3A_23 : vector<1024x512xf32>
    %get3A_25 = arith.constant 0 : index
    %get3A_26 = arith.constant 0 : index
    %get3A_27 = vector.load %arg8[%get3A_25, %get3A_26] : memref<1024x512xf32, #tpu.memory_space<vmem>>, vector<512x512xf32>
    %dot_general3A_28 = arith.constant dense<0.000000e+00> : vector<1024x512xf32>
    %dot_general3A_29 = tpu.matmul %get3A_1, %get3A_27, %dot_general3A_28 {dimension_numbers = #tpu.dot_dimension_numbers<[1], [0], [0], [1], [0, 0, 1, 1], [], []>, transpose_lhs_hint = false} : vector<1024x512xf32>, vector<512x512xf32>, vector<1024x512xf32> -> vector<1024x512xf32>
    %get3A_30 = arith.constant 512 : index
    %get3A_31 = arith.constant 0 : index
    %get3A_32 = vector.load %arg8[%get3A_30, %get3A_31] : memref<1024x512xf32, #tpu.memory_space<vmem>>, vector<512x512xf32>
    %dot_general3A_33 = arith.constant dense<0.000000e+00> : vector<1024x512xf32>
    %dot_general3A_34 = tpu.matmul %get3A_4, %get3A_32, %dot_general3A_33 {dimension_numbers = #tpu.dot_dimension_numbers<[1], [0], [0], [1], [0, 0, 1, 1], [], []>, transpose_lhs_hint = false} : vector<1024x512xf32>, vector<512x512xf32>, vector<1024x512xf32> -> vector<1024x512xf32>
    %add3A_35 = arith.addf %dot_general3A_29, %dot_general3A_34 : vector<1024x512xf32>
    %get3A_36 = arith.constant 0 : index
    %get3A_37 = arith.constant 0 : index
    %get3A_38 = vector.load %arg9[%get3A_36, %get3A_37] : memref<1x512xf32, #tpu.memory_space<vmem>>, vector<1x512xf32>
    %add3A_39 = vector.broadcast %get3A_38 : vector<1x512xf32> to vector<1024x512xf32>
    %add3A_40 = arith.addf %add3A_35, %add3A_39 : vector<1024x512xf32>
    %logistic3A = arith.negf %add3A_40 : vector<1024x512xf32>
    %logistic3A_41 = math.exp %logistic3A : vector<1024x512xf32>
    %logistic3A_42 = arith.constant 1.000000e+00 : f32
    %logistic3A_43 = vector.broadcast %logistic3A_42 : f32 to vector<1024x512xf32>
    %logistic3A_44 = arith.addf %logistic3A_43, %logistic3A_41 : vector<1024x512xf32>
    %logistic3A_45 = arith.divf %logistic3A_43, %logistic3A_44 : vector<1024x512xf32>
    %add3A_46 = arith.constant 0 : i32
    %add3A_47 = arith.addi %add3A_46, %arg0 : i32
    %mul3A = arith.constant 1024 : i32
    %mul3A_48 = arith.muli %add3A_47, %mul3A : i32
    %iota3A = tpu.iota {dimensions = array<i32: 0>} : vector<1024x1xi32>
    %add3A_49 = vector.broadcast %mul3A_48 : i32 to vector<1024x1xi32>
    %add3A_50 = arith.addi %add3A_49, %iota3A : vector<1024x1xi32>
    %jit3A = arith.constant 8192 : i32
    %eq3A = arith.constant 0 : i32
    %eq3A_51 = arith.cmpi eq, %jit3A, %eq3A : i32
    %jit3A_52 = arith.constant 1 : i32
    %select_n3A = arith.select %eq3A_51, %jit3A_52, %jit3A : i32
    %rem3A = vector.broadcast %select_n3A : i32 to vector<1024x1xi32>
    %rem3A_53 = arith.remsi %add3A_50, %rem3A : vector<1024x1xi32>
    %ne3A = arith.constant 0 : i32
    %ne3A_54 = vector.broadcast %ne3A : i32 to vector<1024x1xi32>
    %ne3A_55 = arith.cmpi ne, %rem3A_53, %ne3A_54 : vector<1024x1xi32>
    %lt3A = arith.constant 0 : i32
    %lt3A_56 = vector.broadcast %lt3A : i32 to vector<1024x1xi32>
    %lt3A_57 = arith.cmpi slt, %rem3A_53, %lt3A_56 : vector<1024x1xi32>
    %lt3A_58 = arith.constant 0 : i32
    %lt3A_59 = arith.cmpi slt, %select_n3A, %lt3A_58 : i32
    %ne3A_60 = vector.broadcast %lt3A_59 : i1 to vector<1024x1xi1>
    %ne3A_61 = vector.broadcast %ne3A_60 : vector<1024x1xi1> to vector<1024x1xi1>
    %ne3A_62 = arith.xori %lt3A_57, %ne3A_61 : vector<1024x1xi1>
    %and3A = arith.andi %ne3A_62, %ne3A_55 : vector<1024x1xi1>
    %add3A_63 = vector.broadcast %select_n3A : i32 to vector<1024x1xi32>
    %add3A_64 = arith.addi %rem3A_53, %add3A_63 : vector<1024x1xi32>
    %select_n3A_65 = arith.select %and3A, %add3A_64, %rem3A_53 : vector<1024x1xi1>, vector<1024x1xi32>
    %get3A_66 = arith.constant 0 : index
    %get3A_67 = arith.constant 0 : index
    %get3A_68 = vector.load %arg3[%get3A_66, %get3A_67] : memref<1x1024xi32, #tpu.memory_space<vmem>>, vector<1x1024xi32>
    %reshape3A = vector.shape_cast %get3A_68 : vector<1x1024xi32> to vector<1024x1xi32>
    %jit3A_69 = arith.constant 8192 : i32
    %div3A = vector.broadcast %jit3A_69 : i32 to vector<1024x1xi32>
    %div3A_70 = arith.divsi %add3A_50, %div3A : vector<1024x1xi32>
    %sign3A = arith.constant 0 : i32
    %sign3A_71 = vector.broadcast %sign3A : i32 to vector<1024x1xi32>
    %sign3A_72 = arith.cmpi sgt, %add3A_50, %sign3A_71 : vector<1024x1xi32>
    %sign3A_73 = arith.extui %sign3A_72 : vector<1024x1xi1> to vector<1024x1xi32>
    %sign3A_74 = arith.constant 0 : i32
    %sign3A_75 = vector.broadcast %sign3A_74 : i32 to vector<1024x1xi32>
    %sign3A_76 = arith.cmpi slt, %add3A_50, %sign3A_75 : vector<1024x1xi32>
    %sign3A_77 = arith.extui %sign3A_76 : vector<1024x1xi1> to vector<1024x1xi32>
    %sign3A_78 = arith.subi %sign3A_73, %sign3A_77 : vector<1024x1xi32>
    %sign3A_79 = arith.constant 0 : i32
    %sign3A_80 = arith.cmpi sgt, %jit3A_69, %sign3A_79 : i32
    %sign3A_81 = arith.extui %sign3A_80 : i1 to i32
    %sign3A_82 = arith.constant 0 : i32
    %sign3A_83 = arith.cmpi slt, %jit3A_69, %sign3A_82 : i32
    %sign3A_84 = arith.extui %sign3A_83 : i1 to i32
    %sign3A_85 = arith.subi %sign3A_81, %sign3A_84 : i32
    %ne3A_86 = vector.broadcast %sign3A_85 : i32 to vector<1024x1xi32>
    %ne3A_87 = arith.cmpi ne, %sign3A_78, %ne3A_86 : vector<1024x1xi32>
    %rem3A_88 = vector.broadcast %jit3A_69 : i32 to vector<1024x1xi32>
    %rem3A_89 = arith.remsi %add3A_50, %rem3A_88 : vector<1024x1xi32>
    %ne3A_90 = arith.constant 0 : i32
    %ne3A_91 = vector.broadcast %ne3A_90 : i32 to vector<1024x1xi32>
    %ne3A_92 = arith.cmpi ne, %rem3A_89, %ne3A_91 : vector<1024x1xi32>
    %and3A_93 = arith.andi %ne3A_87, %ne3A_92 : vector<1024x1xi1>
    %sub3A = arith.constant 1 : i32
    %sub3A_94 = vector.broadcast %sub3A : i32 to vector<1024x1xi32>
    %sub3A_95 = arith.subi %div3A_70, %sub3A_94 : vector<1024x1xi32>
    %select_n3A_96 = arith.select %and3A_93, %sub3A_95, %div3A_70 : vector<1024x1xi1>, vector<1024x1xi32>
    %mul3A_97 = arith.constant 8192 : i32
    %mul3A_98 = vector.broadcast %mul3A_97 : i32 to vector<1024x1xi32>
    %mul3A_99 = arith.muli %select_n3A_96, %mul3A_98 : vector<1024x1xi32>
    %sub3A_100 = arith.subi %reshape3A, %mul3A_99 : vector<1024x1xi32>
    %ge3A = arith.constant 1 : i32
    %ge3A_101 = vector.broadcast %ge3A : i32 to vector<1024x1xi32>
    %ge3A_102 = arith.cmpi sge, %select_n3A_65, %ge3A_101 : vector<1024x1xi32>
    %ne3A_103 = arith.constant 0 : i32
    %ne3A_104 = vector.broadcast %ne3A_103 : i32 to vector<1024x1xi32>
    %ne3A_105 = arith.cmpi ne, %sub3A_100, %ne3A_104 : vector<1024x1xi32>
    %and3A_106 = arith.andi %ge3A_102, %ne3A_105 : vector<1024x1xi1>
    %convert_element_type3A = arith.extui %and3A_106 : vector<1024x1xi1> to vector<1024x1xi32>
    %convert_element_type3A_107 = arith.sitofp %convert_element_type3A : vector<1024x1xi32> to vector<1024x1xf32>
    %mul3A_108 = arith.mulf %logistic3A_45, %add3A_24 : vector<1024x512xf32>
    %mul3A_109 = vector.broadcast %convert_element_type3A_107 : vector<1024x1xf32> to vector<1024x512xf32>
    %mul3A_110 = arith.mulf %mul3A_108, %mul3A_109 : vector<1024x512xf32>
    %add3A_111 = arith.addf %get3A_1, %mul3A_110 : vector<1024x512xf32>
    %swap3A = arith.constant 0 : index
    %swap3A_112 = arith.constant 0 : index
    %swap3A_113 = vector.load %arg10[%swap3A, %swap3A_112] : memref<1024x512xf32, #tpu.memory_space<vmem>>, vector<1024x512xf32>
    tpu.vector_store %arg10[%swap3A, %swap3A_112], %add3A_111 {strides = array<i32>} : memref<1024x512xf32, #tpu.memory_space<vmem>>, vector<1024x512xf32>,
    return
  }
  func.func @transform_0(%arg0: i32) -> (i32, i32) {
    %add3A = arith.constant 0 : i32
    %add3A_0 = arith.addi %add3A, %arg0 : i32
    %c0_i32 = arith.constant 0 : i32
    %c0_i32_1 = arith.constant 0 : i32
    return %add3A_0, %c0_i32 : i32, i32
  }
  func.func @transform_1(%arg0: i32) -> (i32, i32) {
    %c0_i32 = arith.constant 0 : i32
    %c0_i32_0 = arith.constant 0 : i32
    return %arg0, %c0_i32 : i32, i32
  }
  func.func @transform_2(%arg0: i32) -> (i32, i32) {
    %add3A = arith.constant 0 : i32
    %add3A_0 = arith.addi %add3A, %arg0 : i32
    %c0_i32 = arith.constant 0 : i32
    %c0_i32_1 = arith.constant 0 : i32
    return %c0_i32, %add3A_0 : i32, i32
  }
  func.func @transform_3(%arg0: i32) -> (i32, i32) {
    %c0_i32 = arith.constant 0 : i32
    %c0_i32_0 = arith.constant 0 : i32
    %c0_i32_1 = arith.constant 0 : i32
    return %c0_i32, %c0_i32_0 : i32, i32
  }
  func.func @transform_4(%arg0: i32) -> (i32, i32) {
    %c0_i32 = arith.constant 0 : i32
    %c0_i32_0 = arith.constant 0 : i32
    %c0_i32_1 = arith.constant 0 : i32
    return %c0_i32, %c0_i32_0 : i32, i32
  }
  func.func @transform_5(%arg0: i32) -> (i32, i32) {
    %c0_i32 = arith.constant 0 : i32
    %c0_i32_0 = arith.constant 0 : i32
    %c0_i32_1 = arith.constant 0 : i32
    return %c0_i32, %c0_i32_0 : i32, i32
  }
  func.func @transform_6(%arg0: i32) -> (i32, i32) {
    %c0_i32 = arith.constant 0 : i32
    %c0_i32_0 = arith.constant 0 : i32
    %c0_i32_1 = arith.constant 0 : i32
    return %c0_i32, %c0_i32_0 : i32, i32
  }
  func.func @transform_7(%arg0: i32) -> (i32, i32) {
    %c0_i32 = arith.constant 0 : i32
    %c0_i32_0 = arith.constant 0 : i32
    %c0_i32_1 = arith.constant 0 : i32
    return %c0_i32, %c0_i32_0 : i32, i32
  }
  func.func @transform_8(%arg0: i32) -> (i32, i32) {
    %c0_i32 = arith.constant 0 : i32
    %c0_i32_0 = arith.constant 0 : i32
    %c0_i32_1 = arith.constant 0 : i32
    return %c0_i32, %c0_i32_0 : i32, i32
  }
  func.func @transform_9(%arg0: i32) -> (i32, i32) {
    %add3A = arith.constant 0 : i32
    %add3A_0 = arith.addi %add3A, %arg0 : i32
    %c0_i32 = arith.constant 0 : i32
    %c0_i32_1 = arith.constant 0 : i32
    return %add3A_0, %c0_i32 : i32, i32
  }
}

module attributes {stable_mosaic.version = 14 : i64} {
  func.func @_tc_body(%arg0: i32, %arg1: memref<1024x512xf32, #tpu.memory_space<vmem>>, %arg2: memref<1024x512xf32, #tpu.memory_space<vmem>>, %arg3: memref<1x1024xi32, #tpu.memory_space<vmem>>, %arg4: memref<512x64xf32, #tpu.memory_space<vmem>>, %arg5: memref<1x64xf32, #tpu.memory_space<vmem>>, %arg6: memref<64x512xf32, #tpu.memory_space<vmem>>, %arg7: memref<1x512xf32, #tpu.memory_space<vmem>>, %arg8: memref<1024x512xf32, #tpu.memory_space<vmem>>, %arg9: memref<1x512xf32, #tpu.memory_space<vmem>>, %arg10: memref<8x128xf32, #tpu.memory_space<vmem>>, %arg11: memref<1024x512xf32, #tpu.memory_space<vmem>>) attributes {dimension_semantics = [#tpu.dimension_semantics<arbitrary>], iteration_bounds = array<i64: 8>, scalar_prefetch = 0 : i64, scratch_operands = 0 : i64, tpu.core_type = #tpu.core_type<tc>, window_params = [{transform_indices = @transform_0, window_bounds = array<i64: 1024, 512>}, {transform_indices = @transform_1, window_bounds = array<i64: 1024, 512>}, {transform_indices = @transform_2, window_bounds = array<i64: 1, 1024>}, {pipeline_mode = #tpu.pipeline_mode<synchronous>, transform_indices = @transform_3, window_bounds = array<i64: 512, 64>}, {pipeline_mode = #tpu.pipeline_mode<synchronous>, transform_indices = @transform_4, window_bounds = array<i64: 1, 64>}, {pipeline_mode = #tpu.pipeline_mode<synchronous>, transform_indices = @transform_5, window_bounds = array<i64: 64, 512>}, {pipeline_mode = #tpu.pipeline_mode<synchronous>, transform_indices = @transform_6, window_bounds = array<i64: 1, 512>}, {pipeline_mode = #tpu.pipeline_mode<synchronous>, transform_indices = @transform_7, window_bounds = array<i64: 1024, 512>}, {pipeline_mode = #tpu.pipeline_mode<synchronous>, transform_indices = @transform_8, window_bounds = array<i64: 1, 512>}, {transform_indices = @transform_9, window_bounds = array<i64: 8, 128>}, {transform_indices = @transform_10, window_bounds = array<i64: 1024, 512>}]} {
    %get3A = arith.constant 0 : index
    %get3A_0 = arith.constant 0 : index
    %get3A_1 = vector.load %arg1[%get3A, %get3A_0] : memref<1024x512xf32, #tpu.memory_space<vmem>>, vector<1024x512xf32>
    %get3A_2 = arith.constant 0 : index
    %get3A_3 = arith.constant 0 : index
    %get3A_4 = vector.load %arg2[%get3A_2, %get3A_3] : memref<1024x512xf32, #tpu.memory_space<vmem>>, vector<1024x512xf32>
    %get3A_5 = arith.constant 0 : index
    %get3A_6 = arith.constant 0 : index
    %get3A_7 = vector.load %arg4[%get3A_5, %get3A_6] : memref<512x64xf32, #tpu.memory_space<vmem>>, vector<512x64xf32>
    %dot_general3A = arith.constant dense<0.000000e+00> : vector<1024x64xf32>
    %dot_general3A_8 = tpu.matmul %get3A_4, %get3A_7, %dot_general3A {dimension_numbers = #tpu.dot_dimension_numbers<[1], [0], [0], [1], [0, 0, 1, 1], [], []>, transpose_lhs_hint = false} : vector<1024x512xf32>, vector<512x64xf32>, vector<1024x64xf32> -> vector<1024x64xf32>
    %get3A_9 = arith.constant 0 : index
    %get3A_10 = arith.constant 0 : index
    %get3A_11 = vector.load %arg5[%get3A_9, %get3A_10] : memref<1x64xf32, #tpu.memory_space<vmem>>, vector<1x64xf32>
    %add3A = vector.broadcast %get3A_11 : vector<1x64xf32> to vector<1024x64xf32>
    %add3A_12 = arith.addf %dot_general3A_8, %add3A : vector<1024x64xf32>
    %max3A = arith.constant 0.000000e+00 : f32
    %max3A_13 = vector.broadcast %max3A : f32 to vector<1024x64xf32>
    %max3A_14 = arith.maximumf %add3A_12, %max3A_13 : vector<1024x64xf32>
    %get3A_15 = arith.constant 0 : index
    %get3A_16 = arith.constant 0 : index
    %get3A_17 = vector.load %arg6[%get3A_15, %get3A_16] : memref<64x512xf32, #tpu.memory_space<vmem>>, vector<64x512xf32>
    %dot_general3A_18 = arith.constant dense<0.000000e+00> : vector<1024x512xf32>
    %dot_general3A_19 = tpu.matmul %max3A_14, %get3A_17, %dot_general3A_18 {dimension_numbers = #tpu.dot_dimension_numbers<[1], [0], [0], [1], [0, 0, 1, 1], [], []>, transpose_lhs_hint = false} : vector<1024x64xf32>, vector<64x512xf32>, vector<1024x512xf32> -> vector<1024x512xf32>
    %get3A_20 = arith.constant 0 : index
    %get3A_21 = arith.constant 0 : index
    %get3A_22 = vector.load %arg7[%get3A_20, %get3A_21] : memref<1x512xf32, #tpu.memory_space<vmem>>, vector<1x512xf32>
    %add3A_23 = vector.broadcast %get3A_22 : vector<1x512xf32> to vector<1024x512xf32>
    %add3A_24 = arith.addf %dot_general3A_19, %add3A_23 : vector<1024x512xf32>
    %get3A_25 = arith.constant 0 : index
    %get3A_26 = arith.constant 0 : index
    %get3A_27 = vector.load %arg8[%get3A_25, %get3A_26] : memref<1024x512xf32, #tpu.memory_space<vmem>>, vector<512x512xf32>
    %dot_general3A_28 = arith.constant dense<0.000000e+00> : vector<1024x512xf32>
    %dot_general3A_29 = tpu.matmul %get3A_1, %get3A_27, %dot_general3A_28 {dimension_numbers = #tpu.dot_dimension_numbers<[1], [0], [0], [1], [0, 0, 1, 1], [], []>, transpose_lhs_hint = false} : vector<1024x512xf32>, vector<512x512xf32>, vector<1024x512xf32> -> vector<1024x512xf32>
    %get3A_30 = arith.constant 512 : index
    %get3A_31 = arith.constant 0 : index
    %get3A_32 = vector.load %arg8[%get3A_30, %get3A_31] : memref<1024x512xf32, #tpu.memory_space<vmem>>, vector<512x512xf32>
    %dot_general3A_33 = arith.constant dense<0.000000e+00> : vector<1024x512xf32>
    %dot_general3A_34 = tpu.matmul %get3A_4, %get3A_32, %dot_general3A_33 {dimension_numbers = #tpu.dot_dimension_numbers<[1], [0], [0], [1], [0, 0, 1, 1], [], []>, transpose_lhs_hint = false} : vector<1024x512xf32>, vector<512x512xf32>, vector<1024x512xf32> -> vector<1024x512xf32>
    %add3A_35 = arith.addf %dot_general3A_29, %dot_general3A_34 : vector<1024x512xf32>
    %get3A_36 = arith.constant 0 : index
    %get3A_37 = arith.constant 0 : index
    %get3A_38 = vector.load %arg9[%get3A_36, %get3A_37] : memref<1x512xf32, #tpu.memory_space<vmem>>, vector<1x512xf32>
    %add3A_39 = vector.broadcast %get3A_38 : vector<1x512xf32> to vector<1024x512xf32>
    %add3A_40 = arith.addf %add3A_35, %add3A_39 : vector<1024x512xf32>
    %logistic3A = arith.negf %add3A_40 : vector<1024x512xf32>
    %logistic3A_41 = math.exp %logistic3A : vector<1024x512xf32>
    %logistic3A_42 = arith.constant 1.000000e+00 : f32
    %logistic3A_43 = vector.broadcast %logistic3A_42 : f32 to vector<1024x512xf32>
    %logistic3A_44 = arith.addf %logistic3A_43, %logistic3A_41 : vector<1024x512xf32>
    %logistic3A_45 = arith.divf %logistic3A_43, %logistic3A_44 : vector<1024x512xf32>
    %add3A_46 = arith.constant 4 : i32
    %add3A_47 = arith.addi %add3A_46, %arg0 : i32
    %mul3A = arith.constant 1024 : i32
    %mul3A_48 = arith.muli %add3A_47, %mul3A : i32
    %iota3A = tpu.iota {dimensions = array<i32: 0>} : vector<1024x1xi32>
    %add3A_49 = vector.broadcast %mul3A_48 : i32 to vector<1024x1xi32>
    %add3A_50 = arith.addi %add3A_49, %iota3A : vector<1024x1xi32>
    %jit3A = arith.constant 8192 : i32
    %eq3A = arith.constant 0 : i32
    %eq3A_51 = arith.cmpi eq, %jit3A, %eq3A : i32
    %jit3A_52 = arith.constant 1 : i32
    %select_n3A = arith.select %eq3A_51, %jit3A_52, %jit3A : i32
    %rem3A = vector.broadcast %select_n3A : i32 to vector<1024x1xi32>
    %rem3A_53 = arith.remsi %add3A_50, %rem3A : vector<1024x1xi32>
    %ne3A = arith.constant 0 : i32
    %ne3A_54 = vector.broadcast %ne3A : i32 to vector<1024x1xi32>
    %ne3A_55 = arith.cmpi ne, %rem3A_53, %ne3A_54 : vector<1024x1xi32>
    %lt3A = arith.constant 0 : i32
    %lt3A_56 = vector.broadcast %lt3A : i32 to vector<1024x1xi32>
    %lt3A_57 = arith.cmpi slt, %rem3A_53, %lt3A_56 : vector<1024x1xi32>
    %lt3A_58 = arith.constant 0 : i32
    %lt3A_59 = arith.cmpi slt, %select_n3A, %lt3A_58 : i32
    %ne3A_60 = vector.broadcast %lt3A_59 : i1 to vector<1024x1xi1>
    %ne3A_61 = vector.broadcast %ne3A_60 : vector<1024x1xi1> to vector<1024x1xi1>
    %ne3A_62 = arith.xori %lt3A_57, %ne3A_61 : vector<1024x1xi1>
    %and3A = arith.andi %ne3A_62, %ne3A_55 : vector<1024x1xi1>
    %add3A_63 = vector.broadcast %select_n3A : i32 to vector<1024x1xi32>
    %add3A_64 = arith.addi %rem3A_53, %add3A_63 : vector<1024x1xi32>
    %select_n3A_65 = arith.select %and3A, %add3A_64, %rem3A_53 : vector<1024x1xi1>, vector<1024x1xi32>
    %get3A_66 = arith.constant 0 : index
    %get3A_67 = arith.constant 0 : index
    %get3A_68 = vector.load %arg3[%get3A_66, %get3A_67] : memref<1x1024xi32, #tpu.memory_space<vmem>>, vector<1x1024xi32>
    %reshape3A = vector.shape_cast %get3A_68 : vector<1x1024xi32> to vector<1024x1xi32>
    %jit3A_69 = arith.constant 8192 : i32
    %div3A = vector.broadcast %jit3A_69 : i32 to vector<1024x1xi32>
    %div3A_70 = arith.divsi %add3A_50, %div3A : vector<1024x1xi32>
    %sign3A = arith.constant 0 : i32
    %sign3A_71 = vector.broadcast %sign3A : i32 to vector<1024x1xi32>
    %sign3A_72 = arith.cmpi sgt, %add3A_50, %sign3A_71 : vector<1024x1xi32>
    %sign3A_73 = arith.extui %sign3A_72 : vector<1024x1xi1> to vector<1024x1xi32>
    %sign3A_74 = arith.constant 0 : i32
    %sign3A_75 = vector.broadcast %sign3A_74 : i32 to vector<1024x1xi32>
    %sign3A_76 = arith.cmpi slt, %add3A_50, %sign3A_75 : vector<1024x1xi32>
    %sign3A_77 = arith.extui %sign3A_76 : vector<1024x1xi1> to vector<1024x1xi32>
    %sign3A_78 = arith.subi %sign3A_73, %sign3A_77 : vector<1024x1xi32>
    %sign3A_79 = arith.constant 0 : i32
    %sign3A_80 = arith.cmpi sgt, %jit3A_69, %sign3A_79 : i32
    %sign3A_81 = arith.extui %sign3A_80 : i1 to i32
    %sign3A_82 = arith.constant 0 : i32
    %sign3A_83 = arith.cmpi slt, %jit3A_69, %sign3A_82 : i32
    %sign3A_84 = arith.extui %sign3A_83 : i1 to i32
    %sign3A_85 = arith.subi %sign3A_81, %sign3A_84 : i32
    %ne3A_86 = vector.broadcast %sign3A_85 : i32 to vector<1024x1xi32>
    %ne3A_87 = arith.cmpi ne, %sign3A_78, %ne3A_86 : vector<1024x1xi32>
    %rem3A_88 = vector.broadcast %jit3A_69 : i32 to vector<1024x1xi32>
    %rem3A_89 = arith.remsi %add3A_50, %rem3A_88 : vector<1024x1xi32>
    %ne3A_90 = arith.constant 0 : i32
    %ne3A_91 = vector.broadcast %ne3A_90 : i32 to vector<1024x1xi32>
    %ne3A_92 = arith.cmpi ne, %rem3A_89, %ne3A_91 : vector<1024x1xi32>
    %and3A_93 = arith.andi %ne3A_87, %ne3A_92 : vector<1024x1xi1>
    %sub3A = arith.constant 1 : i32
    %sub3A_94 = vector.broadcast %sub3A : i32 to vector<1024x1xi32>
    %sub3A_95 = arith.subi %div3A_70, %sub3A_94 : vector<1024x1xi32>
    %select_n3A_96 = arith.select %and3A_93, %sub3A_95, %div3A_70 : vector<1024x1xi1>, vector<1024x1xi32>
    %mul3A_97 = arith.constant 8192 : i32
    %mul3A_98 = vector.broadcast %mul3A_97 : i32 to vector<1024x1xi32>
    %mul3A_99 = arith.muli %select_n3A_96, %mul3A_98 : vector<1024x1xi32>
    %sub3A_100 = arith.subi %reshape3A, %mul3A_99 : vector<1024x1xi32>
    %ge3A = arith.constant 1 : i32
    %ge3A_101 = vector.broadcast %ge3A : i32 to vector<1024x1xi32>
    %ge3A_102 = arith.cmpi sge, %select_n3A_65, %ge3A_101 : vector<1024x1xi32>
    %ne3A_103 = arith.constant 0 : i32
    %ne3A_104 = vector.broadcast %ne3A_103 : i32 to vector<1024x1xi32>
    %ne3A_105 = arith.cmpi ne, %sub3A_100, %ne3A_104 : vector<1024x1xi32>
    %and3A_106 = arith.andi %ge3A_102, %ne3A_105 : vector<1024x1xi1>
    %convert_element_type3A = arith.extui %and3A_106 : vector<1024x1xi1> to vector<1024x1xi32>
    %convert_element_type3A_107 = arith.sitofp %convert_element_type3A : vector<1024x1xi32> to vector<1024x1xf32>
    %mul3A_108 = arith.mulf %logistic3A_45, %add3A_24 : vector<1024x512xf32>
    %mul3A_109 = vector.broadcast %convert_element_type3A_107 : vector<1024x1xf32> to vector<1024x512xf32>
    %mul3A_110 = arith.mulf %mul3A_108, %mul3A_109 : vector<1024x512xf32>
    %add3A_111 = arith.addf %get3A_1, %mul3A_110 : vector<1024x512xf32>
    %swap3A = arith.constant 0 : index
    %swap3A_112 = arith.constant 0 : index
    %swap3A_113 = vector.load %arg11[%swap3A, %swap3A_112] : memref<1024x512xf32, #tpu.memory_space<vmem>>, vector<1024x512xf32>
    tpu.vector_store %arg11[%swap3A, %swap3A_112], %add3A_111 {strides = array<i32>} : memref<1024x512xf32, #tpu.memory_space<vmem>>, vector<1024x512xf32>,
    return
  }
  func.func @transform_0(%arg0: i32) -> (i32, i32) {
    %add3A = arith.constant 4 : i32
    %add3A_0 = arith.addi %add3A, %arg0 : i32
    %c0_i32 = arith.constant 0 : i32
    %c0_i32_1 = arith.constant 0 : i32
    return %add3A_0, %c0_i32 : i32, i32
  }
  func.func @transform_1(%arg0: i32) -> (i32, i32) {
    %c0_i32 = arith.constant 0 : i32
    %c0_i32_0 = arith.constant 0 : i32
    return %arg0, %c0_i32 : i32, i32
  }
  func.func @transform_2(%arg0: i32) -> (i32, i32) {
    %add3A = arith.constant 4 : i32
    %add3A_0 = arith.addi %add3A, %arg0 : i32
    %c0_i32 = arith.constant 0 : i32
    %c0_i32_1 = arith.constant 0 : i32
    return %c0_i32, %add3A_0 : i32, i32
  }
  func.func @transform_3(%arg0: i32) -> (i32, i32) {
    %c0_i32 = arith.constant 0 : i32
    %c0_i32_0 = arith.constant 0 : i32
    %c0_i32_1 = arith.constant 0 : i32
    return %c0_i32, %c0_i32_0 : i32, i32
  }
  func.func @transform_4(%arg0: i32) -> (i32, i32) {
    %c0_i32 = arith.constant 0 : i32
    %c0_i32_0 = arith.constant 0 : i32
    %c0_i32_1 = arith.constant 0 : i32
    return %c0_i32, %c0_i32_0 : i32, i32
  }
  func.func @transform_5(%arg0: i32) -> (i32, i32) {
    %c0_i32 = arith.constant 0 : i32
    %c0_i32_0 = arith.constant 0 : i32
    %c0_i32_1 = arith.constant 0 : i32
    return %c0_i32, %c0_i32_0 : i32, i32
  }
  func.func @transform_6(%arg0: i32) -> (i32, i32) {
    %c0_i32 = arith.constant 0 : i32
    %c0_i32_0 = arith.constant 0 : i32
    %c0_i32_1 = arith.constant 0 : i32
    return %c0_i32, %c0_i32_0 : i32, i32
  }
  func.func @transform_7(%arg0: i32) -> (i32, i32) {
    %c0_i32 = arith.constant 0 : i32
    %c0_i32_0 = arith.constant 0 : i32
    %c0_i32_1 = arith.constant 0 : i32
    return %c0_i32, %c0_i32_0 : i32, i32
  }
  func.func @transform_8(%arg0: i32) -> (i32, i32) {
    %c0_i32 = arith.constant 0 : i32
    %c0_i32_0 = arith.constant 0 : i32
    %c0_i32_1 = arith.constant 0 : i32
    return %c0_i32, %c0_i32_0 : i32, i32
  }
  func.func @transform_9(%arg0: i32) -> (i32, i32) {
    %c0_i32 = arith.constant 0 : i32
    %c0_i32_0 = arith.constant 0 : i32
    %c0_i32_1 = arith.constant 0 : i32
    return %c0_i32, %c0_i32_0 : i32, i32
  }
  func.func @transform_10(%arg0: i32) -> (i32, i32) {
    %add3A = arith.constant 4 : i32
    %add3A_0 = arith.addi %add3A, %arg0 : i32
    %c0_i32 = arith.constant 0 : i32
    %c0_i32_1 = arith.constant 0 : i32
    return %add3A_0, %c0_i32 : i32, i32
  }
}

module attributes {stable_mosaic.version = 14 : i64} {
  func.func @_tc_body(%arg0: i32, %arg1: memref<1024x512xf32, #tpu.memory_space<vmem>>, %arg2: memref<1024x512xf32, #tpu.memory_space<vmem>>, %arg3: memref<1x1024xi32, #tpu.memory_space<vmem>>, %arg4: memref<512x64xf32, #tpu.memory_space<vmem>>, %arg5: memref<1x64xf32, #tpu.memory_space<vmem>>, %arg6: memref<64x512xf32, #tpu.memory_space<vmem>>, %arg7: memref<1x512xf32, #tpu.memory_space<vmem>>, %arg8: memref<1024x512xf32, #tpu.memory_space<vmem>>, %arg9: memref<1x512xf32, #tpu.memory_space<vmem>>, %arg10: memref<8x128xf32, #tpu.memory_space<vmem>>, %arg11: memref<1024x512xf32, #tpu.memory_space<vmem>>) attributes {dimension_semantics = [#tpu.dimension_semantics<arbitrary>], iteration_bounds = array<i64: 8>, scalar_prefetch = 0 : i64, scratch_operands = 0 : i64, tpu.core_type = #tpu.core_type<tc>, window_params = [{transform_indices = @transform_0, window_bounds = array<i64: 1024, 512>}, {transform_indices = @transform_1, window_bounds = array<i64: 1024, 512>}, {transform_indices = @transform_2, window_bounds = array<i64: 1, 1024>}, {pipeline_mode = #tpu.pipeline_mode<synchronous>, transform_indices = @transform_3, window_bounds = array<i64: 512, 64>}, {pipeline_mode = #tpu.pipeline_mode<synchronous>, transform_indices = @transform_4, window_bounds = array<i64: 1, 64>}, {pipeline_mode = #tpu.pipeline_mode<synchronous>, transform_indices = @transform_5, window_bounds = array<i64: 64, 512>}, {pipeline_mode = #tpu.pipeline_mode<synchronous>, transform_indices = @transform_6, window_bounds = array<i64: 1, 512>}, {pipeline_mode = #tpu.pipeline_mode<synchronous>, transform_indices = @transform_7, window_bounds = array<i64: 1024, 512>}, {pipeline_mode = #tpu.pipeline_mode<synchronous>, transform_indices = @transform_8, window_bounds = array<i64: 1, 512>}, {transform_indices = @transform_9, window_bounds = array<i64: 8, 128>}, {transform_indices = @transform_10, window_bounds = array<i64: 1024, 512>}]} {
    %get3A = arith.constant 0 : index
    %get3A_0 = arith.constant 0 : index
    %get3A_1 = vector.load %arg1[%get3A, %get3A_0] : memref<1024x512xf32, #tpu.memory_space<vmem>>, vector<1024x512xf32>
    %get3A_2 = arith.constant 0 : index
    %get3A_3 = arith.constant 0 : index
    %get3A_4 = vector.load %arg2[%get3A_2, %get3A_3] : memref<1024x512xf32, #tpu.memory_space<vmem>>, vector<1024x512xf32>
    %get3A_5 = arith.constant 0 : index
    %get3A_6 = arith.constant 0 : index
    %get3A_7 = vector.load %arg4[%get3A_5, %get3A_6] : memref<512x64xf32, #tpu.memory_space<vmem>>, vector<512x64xf32>
    %dot_general3A = arith.constant dense<0.000000e+00> : vector<1024x64xf32>
    %dot_general3A_8 = tpu.matmul %get3A_4, %get3A_7, %dot_general3A {dimension_numbers = #tpu.dot_dimension_numbers<[1], [0], [0], [1], [0, 0, 1, 1], [], []>, transpose_lhs_hint = false} : vector<1024x512xf32>, vector<512x64xf32>, vector<1024x64xf32> -> vector<1024x64xf32>
    %get3A_9 = arith.constant 0 : index
    %get3A_10 = arith.constant 0 : index
    %get3A_11 = vector.load %arg5[%get3A_9, %get3A_10] : memref<1x64xf32, #tpu.memory_space<vmem>>, vector<1x64xf32>
    %add3A = vector.broadcast %get3A_11 : vector<1x64xf32> to vector<1024x64xf32>
    %add3A_12 = arith.addf %dot_general3A_8, %add3A : vector<1024x64xf32>
    %max3A = arith.constant 0.000000e+00 : f32
    %max3A_13 = vector.broadcast %max3A : f32 to vector<1024x64xf32>
    %max3A_14 = arith.maximumf %add3A_12, %max3A_13 : vector<1024x64xf32>
    %get3A_15 = arith.constant 0 : index
    %get3A_16 = arith.constant 0 : index
    %get3A_17 = vector.load %arg6[%get3A_15, %get3A_16] : memref<64x512xf32, #tpu.memory_space<vmem>>, vector<64x512xf32>
    %dot_general3A_18 = arith.constant dense<0.000000e+00> : vector<1024x512xf32>
    %dot_general3A_19 = tpu.matmul %max3A_14, %get3A_17, %dot_general3A_18 {dimension_numbers = #tpu.dot_dimension_numbers<[1], [0], [0], [1], [0, 0, 1, 1], [], []>, transpose_lhs_hint = false} : vector<1024x64xf32>, vector<64x512xf32>, vector<1024x512xf32> -> vector<1024x512xf32>
    %get3A_20 = arith.constant 0 : index
    %get3A_21 = arith.constant 0 : index
    %get3A_22 = vector.load %arg7[%get3A_20, %get3A_21] : memref<1x512xf32, #tpu.memory_space<vmem>>, vector<1x512xf32>
    %add3A_23 = vector.broadcast %get3A_22 : vector<1x512xf32> to vector<1024x512xf32>
    %add3A_24 = arith.addf %dot_general3A_19, %add3A_23 : vector<1024x512xf32>
    %get3A_25 = arith.constant 0 : index
    %get3A_26 = arith.constant 0 : index
    %get3A_27 = vector.load %arg8[%get3A_25, %get3A_26] : memref<1024x512xf32, #tpu.memory_space<vmem>>, vector<512x512xf32>
    %dot_general3A_28 = arith.constant dense<0.000000e+00> : vector<1024x512xf32>
    %dot_general3A_29 = tpu.matmul %get3A_1, %get3A_27, %dot_general3A_28 {dimension_numbers = #tpu.dot_dimension_numbers<[1], [0], [0], [1], [0, 0, 1, 1], [], []>, transpose_lhs_hint = false} : vector<1024x512xf32>, vector<512x512xf32>, vector<1024x512xf32> -> vector<1024x512xf32>
    %get3A_30 = arith.constant 512 : index
    %get3A_31 = arith.constant 0 : index
    %get3A_32 = vector.load %arg8[%get3A_30, %get3A_31] : memref<1024x512xf32, #tpu.memory_space<vmem>>, vector<512x512xf32>
    %dot_general3A_33 = arith.constant dense<0.000000e+00> : vector<1024x512xf32>
    %dot_general3A_34 = tpu.matmul %get3A_4, %get3A_32, %dot_general3A_33 {dimension_numbers = #tpu.dot_dimension_numbers<[1], [0], [0], [1], [0, 0, 1, 1], [], []>, transpose_lhs_hint = false} : vector<1024x512xf32>, vector<512x512xf32>, vector<1024x512xf32> -> vector<1024x512xf32>
    %add3A_35 = arith.addf %dot_general3A_29, %dot_general3A_34 : vector<1024x512xf32>
    %get3A_36 = arith.constant 0 : index
    %get3A_37 = arith.constant 0 : index
    %get3A_38 = vector.load %arg9[%get3A_36, %get3A_37] : memref<1x512xf32, #tpu.memory_space<vmem>>, vector<1x512xf32>
    %add3A_39 = vector.broadcast %get3A_38 : vector<1x512xf32> to vector<1024x512xf32>
    %add3A_40 = arith.addf %add3A_35, %add3A_39 : vector<1024x512xf32>
    %logistic3A = arith.negf %add3A_40 : vector<1024x512xf32>
    %logistic3A_41 = math.exp %logistic3A : vector<1024x512xf32>
    %logistic3A_42 = arith.constant 1.000000e+00 : f32
    %logistic3A_43 = vector.broadcast %logistic3A_42 : f32 to vector<1024x512xf32>
    %logistic3A_44 = arith.addf %logistic3A_43, %logistic3A_41 : vector<1024x512xf32>
    %logistic3A_45 = arith.divf %logistic3A_43, %logistic3A_44 : vector<1024x512xf32>
    %add3A_46 = arith.constant 12 : i32
    %add3A_47 = arith.addi %add3A_46, %arg0 : i32
    %mul3A = arith.constant 1024 : i32
    %mul3A_48 = arith.muli %add3A_47, %mul3A : i32
    %iota3A = tpu.iota {dimensions = array<i32: 0>} : vector<1024x1xi32>
    %add3A_49 = vector.broadcast %mul3A_48 : i32 to vector<1024x1xi32>
    %add3A_50 = arith.addi %add3A_49, %iota3A : vector<1024x1xi32>
    %jit3A = arith.constant 8192 : i32
    %eq3A = arith.constant 0 : i32
    %eq3A_51 = arith.cmpi eq, %jit3A, %eq3A : i32
    %jit3A_52 = arith.constant 1 : i32
    %select_n3A = arith.select %eq3A_51, %jit3A_52, %jit3A : i32
    %rem3A = vector.broadcast %select_n3A : i32 to vector<1024x1xi32>
    %rem3A_53 = arith.remsi %add3A_50, %rem3A : vector<1024x1xi32>
    %ne3A = arith.constant 0 : i32
    %ne3A_54 = vector.broadcast %ne3A : i32 to vector<1024x1xi32>
    %ne3A_55 = arith.cmpi ne, %rem3A_53, %ne3A_54 : vector<1024x1xi32>
    %lt3A = arith.constant 0 : i32
    %lt3A_56 = vector.broadcast %lt3A : i32 to vector<1024x1xi32>
    %lt3A_57 = arith.cmpi slt, %rem3A_53, %lt3A_56 : vector<1024x1xi32>
    %lt3A_58 = arith.constant 0 : i32
    %lt3A_59 = arith.cmpi slt, %select_n3A, %lt3A_58 : i32
    %ne3A_60 = vector.broadcast %lt3A_59 : i1 to vector<1024x1xi1>
    %ne3A_61 = vector.broadcast %ne3A_60 : vector<1024x1xi1> to vector<1024x1xi1>
    %ne3A_62 = arith.xori %lt3A_57, %ne3A_61 : vector<1024x1xi1>
    %and3A = arith.andi %ne3A_62, %ne3A_55 : vector<1024x1xi1>
    %add3A_63 = vector.broadcast %select_n3A : i32 to vector<1024x1xi32>
    %add3A_64 = arith.addi %rem3A_53, %add3A_63 : vector<1024x1xi32>
    %select_n3A_65 = arith.select %and3A, %add3A_64, %rem3A_53 : vector<1024x1xi1>, vector<1024x1xi32>
    %get3A_66 = arith.constant 0 : index
    %get3A_67 = arith.constant 0 : index
    %get3A_68 = vector.load %arg3[%get3A_66, %get3A_67] : memref<1x1024xi32, #tpu.memory_space<vmem>>, vector<1x1024xi32>
    %reshape3A = vector.shape_cast %get3A_68 : vector<1x1024xi32> to vector<1024x1xi32>
    %jit3A_69 = arith.constant 8192 : i32
    %div3A = vector.broadcast %jit3A_69 : i32 to vector<1024x1xi32>
    %div3A_70 = arith.divsi %add3A_50, %div3A : vector<1024x1xi32>
    %sign3A = arith.constant 0 : i32
    %sign3A_71 = vector.broadcast %sign3A : i32 to vector<1024x1xi32>
    %sign3A_72 = arith.cmpi sgt, %add3A_50, %sign3A_71 : vector<1024x1xi32>
    %sign3A_73 = arith.extui %sign3A_72 : vector<1024x1xi1> to vector<1024x1xi32>
    %sign3A_74 = arith.constant 0 : i32
    %sign3A_75 = vector.broadcast %sign3A_74 : i32 to vector<1024x1xi32>
    %sign3A_76 = arith.cmpi slt, %add3A_50, %sign3A_75 : vector<1024x1xi32>
    %sign3A_77 = arith.extui %sign3A_76 : vector<1024x1xi1> to vector<1024x1xi32>
    %sign3A_78 = arith.subi %sign3A_73, %sign3A_77 : vector<1024x1xi32>
    %sign3A_79 = arith.constant 0 : i32
    %sign3A_80 = arith.cmpi sgt, %jit3A_69, %sign3A_79 : i32
    %sign3A_81 = arith.extui %sign3A_80 : i1 to i32
    %sign3A_82 = arith.constant 0 : i32
    %sign3A_83 = arith.cmpi slt, %jit3A_69, %sign3A_82 : i32
    %sign3A_84 = arith.extui %sign3A_83 : i1 to i32
    %sign3A_85 = arith.subi %sign3A_81, %sign3A_84 : i32
    %ne3A_86 = vector.broadcast %sign3A_85 : i32 to vector<1024x1xi32>
    %ne3A_87 = arith.cmpi ne, %sign3A_78, %ne3A_86 : vector<1024x1xi32>
    %rem3A_88 = vector.broadcast %jit3A_69 : i32 to vector<1024x1xi32>
    %rem3A_89 = arith.remsi %add3A_50, %rem3A_88 : vector<1024x1xi32>
    %ne3A_90 = arith.constant 0 : i32
    %ne3A_91 = vector.broadcast %ne3A_90 : i32 to vector<1024x1xi32>
    %ne3A_92 = arith.cmpi ne, %rem3A_89, %ne3A_91 : vector<1024x1xi32>
    %and3A_93 = arith.andi %ne3A_87, %ne3A_92 : vector<1024x1xi1>
    %sub3A = arith.constant 1 : i32
    %sub3A_94 = vector.broadcast %sub3A : i32 to vector<1024x1xi32>
    %sub3A_95 = arith.subi %div3A_70, %sub3A_94 : vector<1024x1xi32>
    %select_n3A_96 = arith.select %and3A_93, %sub3A_95, %div3A_70 : vector<1024x1xi1>, vector<1024x1xi32>
    %mul3A_97 = arith.constant 8192 : i32
    %mul3A_98 = vector.broadcast %mul3A_97 : i32 to vector<1024x1xi32>
    %mul3A_99 = arith.muli %select_n3A_96, %mul3A_98 : vector<1024x1xi32>
    %sub3A_100 = arith.subi %reshape3A, %mul3A_99 : vector<1024x1xi32>
    %ge3A = arith.constant 1 : i32
    %ge3A_101 = vector.broadcast %ge3A : i32 to vector<1024x1xi32>
    %ge3A_102 = arith.cmpi sge, %select_n3A_65, %ge3A_101 : vector<1024x1xi32>
    %ne3A_103 = arith.constant 0 : i32
    %ne3A_104 = vector.broadcast %ne3A_103 : i32 to vector<1024x1xi32>
    %ne3A_105 = arith.cmpi ne, %sub3A_100, %ne3A_104 : vector<1024x1xi32>
    %and3A_106 = arith.andi %ge3A_102, %ne3A_105 : vector<1024x1xi1>
    %convert_element_type3A = arith.extui %and3A_106 : vector<1024x1xi1> to vector<1024x1xi32>
    %convert_element_type3A_107 = arith.sitofp %convert_element_type3A : vector<1024x1xi32> to vector<1024x1xf32>
    %mul3A_108 = arith.mulf %logistic3A_45, %add3A_24 : vector<1024x512xf32>
    %mul3A_109 = vector.broadcast %convert_element_type3A_107 : vector<1024x1xf32> to vector<1024x512xf32>
    %mul3A_110 = arith.mulf %mul3A_108, %mul3A_109 : vector<1024x512xf32>
    %add3A_111 = arith.addf %get3A_1, %mul3A_110 : vector<1024x512xf32>
    %swap3A = arith.constant 0 : index
    %swap3A_112 = arith.constant 0 : index
    %swap3A_113 = vector.load %arg11[%swap3A, %swap3A_112] : memref<1024x512xf32, #tpu.memory_space<vmem>>, vector<1024x512xf32>
    tpu.vector_store %arg11[%swap3A, %swap3A_112], %add3A_111 {strides = array<i32>} : memref<1024x512xf32, #tpu.memory_space<vmem>>, vector<1024x512xf32>,
    return
  }
  func.func @transform_0(%arg0: i32) -> (i32, i32) {
    %add3A = arith.constant 12 : i32
    %add3A_0 = arith.addi %add3A, %arg0 : i32
    %c0_i32 = arith.constant 0 : i32
    %c0_i32_1 = arith.constant 0 : i32
    return %add3A_0, %c0_i32 : i32, i32
  }
  func.func @transform_1(%arg0: i32) -> (i32, i32) {
    %c0_i32 = arith.constant 0 : i32
    %c0_i32_0 = arith.constant 0 : i32
    return %arg0, %c0_i32 : i32, i32
  }
  func.func @transform_2(%arg0: i32) -> (i32, i32) {
    %add3A = arith.constant 12 : i32
    %add3A_0 = arith.addi %add3A, %arg0 : i32
    %c0_i32 = arith.constant 0 : i32
    %c0_i32_1 = arith.constant 0 : i32
    return %c0_i32, %add3A_0 : i32, i32
  }
  func.func @transform_3(%arg0: i32) -> (i32, i32) {
    %c0_i32 = arith.constant 0 : i32
    %c0_i32_0 = arith.constant 0 : i32
    %c0_i32_1 = arith.constant 0 : i32
    return %c0_i32, %c0_i32_0 : i32, i32
  }
  func.func @transform_4(%arg0: i32) -> (i32, i32) {
    %c0_i32 = arith.constant 0 : i32
    %c0_i32_0 = arith.constant 0 : i32
    %c0_i32_1 = arith.constant 0 : i32
    return %c0_i32, %c0_i32_0 : i32, i32
  }
  func.func @transform_5(%arg0: i32) -> (i32, i32) {
    %c0_i32 = arith.constant 0 : i32
    %c0_i32_0 = arith.constant 0 : i32
    %c0_i32_1 = arith.constant 0 : i32
    return %c0_i32, %c0_i32_0 : i32, i32
  }
  func.func @transform_6(%arg0: i32) -> (i32, i32) {
    %c0_i32 = arith.constant 0 : i32
    %c0_i32_0 = arith.constant 0 : i32
    %c0_i32_1 = arith.constant 0 : i32
    return %c0_i32, %c0_i32_0 : i32, i32
  }
  func.func @transform_7(%arg0: i32) -> (i32, i32) {
    %c0_i32 = arith.constant 0 : i32
    %c0_i32_0 = arith.constant 0 : i32
    %c0_i32_1 = arith.constant 0 : i32
    return %c0_i32, %c0_i32_0 : i32, i32
  }
  func.func @transform_8(%arg0: i32) -> (i32, i32) {
    %c0_i32 = arith.constant 0 : i32
    %c0_i32_0 = arith.constant 0 : i32
    %c0_i32_1 = arith.constant 0 : i32
    return %c0_i32, %c0_i32_0 : i32, i32
  }
  func.func @transform_9(%arg0: i32) -> (i32, i32) {
    %c0_i32 = arith.constant 0 : i32
    %c0_i32_0 = arith.constant 0 : i32
    %c0_i32_1 = arith.constant 0 : i32
    return %c0_i32, %c0_i32_0 : i32, i32
  }
  func.func @transform_10(%arg0: i32) -> (i32, i32) {
    %add3A = arith.constant 12 : i32
    %add3A_0 = arith.addi %add3A, %arg0 : i32
    %c0_i32 = arith.constant 0 : i32
    %c0_i32_1 = arith.constant 0 : i32
    return %add3A_0, %c0_i32 : i32, i32
  }
}

module attributes {stable_mosaic.version = 14 : i64} {
  func.func @_tc_body(%arg0: i32, %arg1: memref<1024x512xf32, #tpu.memory_space<vmem>>, %arg2: memref<1024x512xf32, #tpu.memory_space<vmem>>, %arg3: memref<1x1024xi32, #tpu.memory_space<vmem>>, %arg4: memref<512x64xf32, #tpu.memory_space<vmem>>, %arg5: memref<1x64xf32, #tpu.memory_space<vmem>>, %arg6: memref<64x512xf32, #tpu.memory_space<vmem>>, %arg7: memref<1x512xf32, #tpu.memory_space<vmem>>, %arg8: memref<1024x512xf32, #tpu.memory_space<vmem>>, %arg9: memref<1x512xf32, #tpu.memory_space<vmem>>, %arg10: memref<8x128xf32, #tpu.memory_space<vmem>>, %arg11: memref<1024x512xf32, #tpu.memory_space<vmem>>) attributes {dimension_semantics = [#tpu.dimension_semantics<arbitrary>], iteration_bounds = array<i64: 8>, scalar_prefetch = 0 : i64, scratch_operands = 0 : i64, tpu.core_type = #tpu.core_type<tc>, window_params = [{transform_indices = @transform_0, window_bounds = array<i64: 1024, 512>}, {transform_indices = @transform_1, window_bounds = array<i64: 1024, 512>}, {transform_indices = @transform_2, window_bounds = array<i64: 1, 1024>}, {pipeline_mode = #tpu.pipeline_mode<synchronous>, transform_indices = @transform_3, window_bounds = array<i64: 512, 64>}, {pipeline_mode = #tpu.pipeline_mode<synchronous>, transform_indices = @transform_4, window_bounds = array<i64: 1, 64>}, {pipeline_mode = #tpu.pipeline_mode<synchronous>, transform_indices = @transform_5, window_bounds = array<i64: 64, 512>}, {pipeline_mode = #tpu.pipeline_mode<synchronous>, transform_indices = @transform_6, window_bounds = array<i64: 1, 512>}, {pipeline_mode = #tpu.pipeline_mode<synchronous>, transform_indices = @transform_7, window_bounds = array<i64: 1024, 512>}, {pipeline_mode = #tpu.pipeline_mode<synchronous>, transform_indices = @transform_8, window_bounds = array<i64: 1, 512>}, {transform_indices = @transform_9, window_bounds = array<i64: 8, 128>}, {transform_indices = @transform_10, window_bounds = array<i64: 1024, 512>}]} {
    %get3A = arith.constant 0 : index
    %get3A_0 = arith.constant 0 : index
    %get3A_1 = vector.load %arg1[%get3A, %get3A_0] : memref<1024x512xf32, #tpu.memory_space<vmem>>, vector<1024x512xf32>
    %get3A_2 = arith.constant 0 : index
    %get3A_3 = arith.constant 0 : index
    %get3A_4 = vector.load %arg2[%get3A_2, %get3A_3] : memref<1024x512xf32, #tpu.memory_space<vmem>>, vector<1024x512xf32>
    %get3A_5 = arith.constant 0 : index
    %get3A_6 = arith.constant 0 : index
    %get3A_7 = vector.load %arg4[%get3A_5, %get3A_6] : memref<512x64xf32, #tpu.memory_space<vmem>>, vector<512x64xf32>
    %dot_general3A = arith.constant dense<0.000000e+00> : vector<1024x64xf32>
    %dot_general3A_8 = tpu.matmul %get3A_4, %get3A_7, %dot_general3A {dimension_numbers = #tpu.dot_dimension_numbers<[1], [0], [0], [1], [0, 0, 1, 1], [], []>, transpose_lhs_hint = false} : vector<1024x512xf32>, vector<512x64xf32>, vector<1024x64xf32> -> vector<1024x64xf32>
    %get3A_9 = arith.constant 0 : index
    %get3A_10 = arith.constant 0 : index
    %get3A_11 = vector.load %arg5[%get3A_9, %get3A_10] : memref<1x64xf32, #tpu.memory_space<vmem>>, vector<1x64xf32>
    %add3A = vector.broadcast %get3A_11 : vector<1x64xf32> to vector<1024x64xf32>
    %add3A_12 = arith.addf %dot_general3A_8, %add3A : vector<1024x64xf32>
    %max3A = arith.constant 0.000000e+00 : f32
    %max3A_13 = vector.broadcast %max3A : f32 to vector<1024x64xf32>
    %max3A_14 = arith.maximumf %add3A_12, %max3A_13 : vector<1024x64xf32>
    %get3A_15 = arith.constant 0 : index
    %get3A_16 = arith.constant 0 : index
    %get3A_17 = vector.load %arg6[%get3A_15, %get3A_16] : memref<64x512xf32, #tpu.memory_space<vmem>>, vector<64x512xf32>
    %dot_general3A_18 = arith.constant dense<0.000000e+00> : vector<1024x512xf32>
    %dot_general3A_19 = tpu.matmul %max3A_14, %get3A_17, %dot_general3A_18 {dimension_numbers = #tpu.dot_dimension_numbers<[1], [0], [0], [1], [0, 0, 1, 1], [], []>, transpose_lhs_hint = false} : vector<1024x64xf32>, vector<64x512xf32>, vector<1024x512xf32> -> vector<1024x512xf32>
    %get3A_20 = arith.constant 0 : index
    %get3A_21 = arith.constant 0 : index
    %get3A_22 = vector.load %arg7[%get3A_20, %get3A_21] : memref<1x512xf32, #tpu.memory_space<vmem>>, vector<1x512xf32>
    %add3A_23 = vector.broadcast %get3A_22 : vector<1x512xf32> to vector<1024x512xf32>
    %add3A_24 = arith.addf %dot_general3A_19, %add3A_23 : vector<1024x512xf32>
    %get3A_25 = arith.constant 0 : index
    %get3A_26 = arith.constant 0 : index
    %get3A_27 = vector.load %arg8[%get3A_25, %get3A_26] : memref<1024x512xf32, #tpu.memory_space<vmem>>, vector<512x512xf32>
    %dot_general3A_28 = arith.constant dense<0.000000e+00> : vector<1024x512xf32>
    %dot_general3A_29 = tpu.matmul %get3A_1, %get3A_27, %dot_general3A_28 {dimension_numbers = #tpu.dot_dimension_numbers<[1], [0], [0], [1], [0, 0, 1, 1], [], []>, transpose_lhs_hint = false} : vector<1024x512xf32>, vector<512x512xf32>, vector<1024x512xf32> -> vector<1024x512xf32>
    %get3A_30 = arith.constant 512 : index
    %get3A_31 = arith.constant 0 : index
    %get3A_32 = vector.load %arg8[%get3A_30, %get3A_31] : memref<1024x512xf32, #tpu.memory_space<vmem>>, vector<512x512xf32>
    %dot_general3A_33 = arith.constant dense<0.000000e+00> : vector<1024x512xf32>
    %dot_general3A_34 = tpu.matmul %get3A_4, %get3A_32, %dot_general3A_33 {dimension_numbers = #tpu.dot_dimension_numbers<[1], [0], [0], [1], [0, 0, 1, 1], [], []>, transpose_lhs_hint = false} : vector<1024x512xf32>, vector<512x512xf32>, vector<1024x512xf32> -> vector<1024x512xf32>
    %add3A_35 = arith.addf %dot_general3A_29, %dot_general3A_34 : vector<1024x512xf32>
    %get3A_36 = arith.constant 0 : index
    %get3A_37 = arith.constant 0 : index
    %get3A_38 = vector.load %arg9[%get3A_36, %get3A_37] : memref<1x512xf32, #tpu.memory_space<vmem>>, vector<1x512xf32>
    %add3A_39 = vector.broadcast %get3A_38 : vector<1x512xf32> to vector<1024x512xf32>
    %add3A_40 = arith.addf %add3A_35, %add3A_39 : vector<1024x512xf32>
    %logistic3A = arith.negf %add3A_40 : vector<1024x512xf32>
    %logistic3A_41 = math.exp %logistic3A : vector<1024x512xf32>
    %logistic3A_42 = arith.constant 1.000000e+00 : f32
    %logistic3A_43 = vector.broadcast %logistic3A_42 : f32 to vector<1024x512xf32>
    %logistic3A_44 = arith.addf %logistic3A_43, %logistic3A_41 : vector<1024x512xf32>
    %logistic3A_45 = arith.divf %logistic3A_43, %logistic3A_44 : vector<1024x512xf32>
    %add3A_46 = arith.constant 20 : i32
    %add3A_47 = arith.addi %add3A_46, %arg0 : i32
    %mul3A = arith.constant 1024 : i32
    %mul3A_48 = arith.muli %add3A_47, %mul3A : i32
    %iota3A = tpu.iota {dimensions = array<i32: 0>} : vector<1024x1xi32>
    %add3A_49 = vector.broadcast %mul3A_48 : i32 to vector<1024x1xi32>
    %add3A_50 = arith.addi %add3A_49, %iota3A : vector<1024x1xi32>
    %jit3A = arith.constant 8192 : i32
    %eq3A = arith.constant 0 : i32
    %eq3A_51 = arith.cmpi eq, %jit3A, %eq3A : i32
    %jit3A_52 = arith.constant 1 : i32
    %select_n3A = arith.select %eq3A_51, %jit3A_52, %jit3A : i32
    %rem3A = vector.broadcast %select_n3A : i32 to vector<1024x1xi32>
    %rem3A_53 = arith.remsi %add3A_50, %rem3A : vector<1024x1xi32>
    %ne3A = arith.constant 0 : i32
    %ne3A_54 = vector.broadcast %ne3A : i32 to vector<1024x1xi32>
    %ne3A_55 = arith.cmpi ne, %rem3A_53, %ne3A_54 : vector<1024x1xi32>
    %lt3A = arith.constant 0 : i32
    %lt3A_56 = vector.broadcast %lt3A : i32 to vector<1024x1xi32>
    %lt3A_57 = arith.cmpi slt, %rem3A_53, %lt3A_56 : vector<1024x1xi32>
    %lt3A_58 = arith.constant 0 : i32
    %lt3A_59 = arith.cmpi slt, %select_n3A, %lt3A_58 : i32
    %ne3A_60 = vector.broadcast %lt3A_59 : i1 to vector<1024x1xi1>
    %ne3A_61 = vector.broadcast %ne3A_60 : vector<1024x1xi1> to vector<1024x1xi1>
    %ne3A_62 = arith.xori %lt3A_57, %ne3A_61 : vector<1024x1xi1>
    %and3A = arith.andi %ne3A_62, %ne3A_55 : vector<1024x1xi1>
    %add3A_63 = vector.broadcast %select_n3A : i32 to vector<1024x1xi32>
    %add3A_64 = arith.addi %rem3A_53, %add3A_63 : vector<1024x1xi32>
    %select_n3A_65 = arith.select %and3A, %add3A_64, %rem3A_53 : vector<1024x1xi1>, vector<1024x1xi32>
    %get3A_66 = arith.constant 0 : index
    %get3A_67 = arith.constant 0 : index
    %get3A_68 = vector.load %arg3[%get3A_66, %get3A_67] : memref<1x1024xi32, #tpu.memory_space<vmem>>, vector<1x1024xi32>
    %reshape3A = vector.shape_cast %get3A_68 : vector<1x1024xi32> to vector<1024x1xi32>
    %jit3A_69 = arith.constant 8192 : i32
    %div3A = vector.broadcast %jit3A_69 : i32 to vector<1024x1xi32>
    %div3A_70 = arith.divsi %add3A_50, %div3A : vector<1024x1xi32>
    %sign3A = arith.constant 0 : i32
    %sign3A_71 = vector.broadcast %sign3A : i32 to vector<1024x1xi32>
    %sign3A_72 = arith.cmpi sgt, %add3A_50, %sign3A_71 : vector<1024x1xi32>
    %sign3A_73 = arith.extui %sign3A_72 : vector<1024x1xi1> to vector<1024x1xi32>
    %sign3A_74 = arith.constant 0 : i32
    %sign3A_75 = vector.broadcast %sign3A_74 : i32 to vector<1024x1xi32>
    %sign3A_76 = arith.cmpi slt, %add3A_50, %sign3A_75 : vector<1024x1xi32>
    %sign3A_77 = arith.extui %sign3A_76 : vector<1024x1xi1> to vector<1024x1xi32>
    %sign3A_78 = arith.subi %sign3A_73, %sign3A_77 : vector<1024x1xi32>
    %sign3A_79 = arith.constant 0 : i32
    %sign3A_80 = arith.cmpi sgt, %jit3A_69, %sign3A_79 : i32
    %sign3A_81 = arith.extui %sign3A_80 : i1 to i32
    %sign3A_82 = arith.constant 0 : i32
    %sign3A_83 = arith.cmpi slt, %jit3A_69, %sign3A_82 : i32
    %sign3A_84 = arith.extui %sign3A_83 : i1 to i32
    %sign3A_85 = arith.subi %sign3A_81, %sign3A_84 : i32
    %ne3A_86 = vector.broadcast %sign3A_85 : i32 to vector<1024x1xi32>
    %ne3A_87 = arith.cmpi ne, %sign3A_78, %ne3A_86 : vector<1024x1xi32>
    %rem3A_88 = vector.broadcast %jit3A_69 : i32 to vector<1024x1xi32>
    %rem3A_89 = arith.remsi %add3A_50, %rem3A_88 : vector<1024x1xi32>
    %ne3A_90 = arith.constant 0 : i32
    %ne3A_91 = vector.broadcast %ne3A_90 : i32 to vector<1024x1xi32>
    %ne3A_92 = arith.cmpi ne, %rem3A_89, %ne3A_91 : vector<1024x1xi32>
    %and3A_93 = arith.andi %ne3A_87, %ne3A_92 : vector<1024x1xi1>
    %sub3A = arith.constant 1 : i32
    %sub3A_94 = vector.broadcast %sub3A : i32 to vector<1024x1xi32>
    %sub3A_95 = arith.subi %div3A_70, %sub3A_94 : vector<1024x1xi32>
    %select_n3A_96 = arith.select %and3A_93, %sub3A_95, %div3A_70 : vector<1024x1xi1>, vector<1024x1xi32>
    %mul3A_97 = arith.constant 8192 : i32
    %mul3A_98 = vector.broadcast %mul3A_97 : i32 to vector<1024x1xi32>
    %mul3A_99 = arith.muli %select_n3A_96, %mul3A_98 : vector<1024x1xi32>
    %sub3A_100 = arith.subi %reshape3A, %mul3A_99 : vector<1024x1xi32>
    %ge3A = arith.constant 1 : i32
    %ge3A_101 = vector.broadcast %ge3A : i32 to vector<1024x1xi32>
    %ge3A_102 = arith.cmpi sge, %select_n3A_65, %ge3A_101 : vector<1024x1xi32>
    %ne3A_103 = arith.constant 0 : i32
    %ne3A_104 = vector.broadcast %ne3A_103 : i32 to vector<1024x1xi32>
    %ne3A_105 = arith.cmpi ne, %sub3A_100, %ne3A_104 : vector<1024x1xi32>
    %and3A_106 = arith.andi %ge3A_102, %ne3A_105 : vector<1024x1xi1>
    %convert_element_type3A = arith.extui %and3A_106 : vector<1024x1xi1> to vector<1024x1xi32>
    %convert_element_type3A_107 = arith.sitofp %convert_element_type3A : vector<1024x1xi32> to vector<1024x1xf32>
    %mul3A_108 = arith.mulf %logistic3A_45, %add3A_24 : vector<1024x512xf32>
    %mul3A_109 = vector.broadcast %convert_element_type3A_107 : vector<1024x1xf32> to vector<1024x512xf32>
    %mul3A_110 = arith.mulf %mul3A_108, %mul3A_109 : vector<1024x512xf32>
    %add3A_111 = arith.addf %get3A_1, %mul3A_110 : vector<1024x512xf32>
    %swap3A = arith.constant 0 : index
    %swap3A_112 = arith.constant 0 : index
    %swap3A_113 = vector.load %arg11[%swap3A, %swap3A_112] : memref<1024x512xf32, #tpu.memory_space<vmem>>, vector<1024x512xf32>
    tpu.vector_store %arg11[%swap3A, %swap3A_112], %add3A_111 {strides = array<i32>} : memref<1024x512xf32, #tpu.memory_space<vmem>>, vector<1024x512xf32>,
    return
  }
  func.func @transform_0(%arg0: i32) -> (i32, i32) {
    %add3A = arith.constant 20 : i32
    %add3A_0 = arith.addi %add3A, %arg0 : i32
    %c0_i32 = arith.constant 0 : i32
    %c0_i32_1 = arith.constant 0 : i32
    return %add3A_0, %c0_i32 : i32, i32
  }
  func.func @transform_1(%arg0: i32) -> (i32, i32) {
    %c0_i32 = arith.constant 0 : i32
    %c0_i32_0 = arith.constant 0 : i32
    return %arg0, %c0_i32 : i32, i32
  }
  func.func @transform_2(%arg0: i32) -> (i32, i32) {
    %add3A = arith.constant 20 : i32
    %add3A_0 = arith.addi %add3A, %arg0 : i32
    %c0_i32 = arith.constant 0 : i32
    %c0_i32_1 = arith.constant 0 : i32
    return %c0_i32, %add3A_0 : i32, i32
  }
  func.func @transform_3(%arg0: i32) -> (i32, i32) {
    %c0_i32 = arith.constant 0 : i32
    %c0_i32_0 = arith.constant 0 : i32
    %c0_i32_1 = arith.constant 0 : i32
    return %c0_i32, %c0_i32_0 : i32, i32
  }
  func.func @transform_4(%arg0: i32) -> (i32, i32) {
    %c0_i32 = arith.constant 0 : i32
    %c0_i32_0 = arith.constant 0 : i32
    %c0_i32_1 = arith.constant 0 : i32
    return %c0_i32, %c0_i32_0 : i32, i32
  }
  func.func @transform_5(%arg0: i32) -> (i32, i32) {
    %c0_i32 = arith.constant 0 : i32
    %c0_i32_0 = arith.constant 0 : i32
    %c0_i32_1 = arith.constant 0 : i32
    return %c0_i32, %c0_i32_0 : i32, i32
  }
  func.func @transform_6(%arg0: i32) -> (i32, i32) {
    %c0_i32 = arith.constant 0 : i32
    %c0_i32_0 = arith.constant 0 : i32
    %c0_i32_1 = arith.constant 0 : i32
    return %c0_i32, %c0_i32_0 : i32, i32
  }
  func.func @transform_7(%arg0: i32) -> (i32, i32) {
    %c0_i32 = arith.constant 0 : i32
    %c0_i32_0 = arith.constant 0 : i32
    %c0_i32_1 = arith.constant 0 : i32
    return %c0_i32, %c0_i32_0 : i32, i32
  }
  func.func @transform_8(%arg0: i32) -> (i32, i32) {
    %c0_i32 = arith.constant 0 : i32
    %c0_i32_0 = arith.constant 0 : i32
    %c0_i32_1 = arith.constant 0 : i32
    return %c0_i32, %c0_i32_0 : i32, i32
  }
  func.func @transform_9(%arg0: i32) -> (i32, i32) {
    %c0_i32 = arith.constant 0 : i32
    %c0_i32_0 = arith.constant 0 : i32
    %c0_i32_1 = arith.constant 0 : i32
    return %c0_i32, %c0_i32_0 : i32, i32
  }
  func.func @transform_10(%arg0: i32) -> (i32, i32) {
    %add3A = arith.constant 20 : i32
    %add3A_0 = arith.addi %add3A, %arg0 : i32
    %c0_i32 = arith.constant 0 : i32
    %c0_i32_1 = arith.constant 0 : i32
    return %add3A_0, %c0_i32 : i32, i32
  }
}

module attributes {stable_mosaic.version = 14 : i64} {
  func.func @_tc_body(%arg0: i32, %arg1: memref<1024x512xf32, #tpu.memory_space<vmem>>, %arg2: memref<1024x512xf32, #tpu.memory_space<vmem>>, %arg3: memref<1x1024xi32, #tpu.memory_space<vmem>>, %arg4: memref<512x64xf32, #tpu.memory_space<vmem>>, %arg5: memref<1x64xf32, #tpu.memory_space<vmem>>, %arg6: memref<64x512xf32, #tpu.memory_space<vmem>>, %arg7: memref<1x512xf32, #tpu.memory_space<vmem>>, %arg8: memref<1024x512xf32, #tpu.memory_space<vmem>>, %arg9: memref<1x512xf32, #tpu.memory_space<vmem>>, %arg10: memref<8x128xf32, #tpu.memory_space<vmem>>, %arg11: memref<1024x512xf32, #tpu.memory_space<vmem>>) attributes {dimension_semantics = [#tpu.dimension_semantics<arbitrary>], iteration_bounds = array<i64: 4>, scalar_prefetch = 0 : i64, scratch_operands = 0 : i64, tpu.core_type = #tpu.core_type<tc>, window_params = [{transform_indices = @transform_0, window_bounds = array<i64: 1024, 512>}, {transform_indices = @transform_1, window_bounds = array<i64: 1024, 512>}, {transform_indices = @transform_2, window_bounds = array<i64: 1, 1024>}, {pipeline_mode = #tpu.pipeline_mode<synchronous>, transform_indices = @transform_3, window_bounds = array<i64: 512, 64>}, {pipeline_mode = #tpu.pipeline_mode<synchronous>, transform_indices = @transform_4, window_bounds = array<i64: 1, 64>}, {pipeline_mode = #tpu.pipeline_mode<synchronous>, transform_indices = @transform_5, window_bounds = array<i64: 64, 512>}, {pipeline_mode = #tpu.pipeline_mode<synchronous>, transform_indices = @transform_6, window_bounds = array<i64: 1, 512>}, {pipeline_mode = #tpu.pipeline_mode<synchronous>, transform_indices = @transform_7, window_bounds = array<i64: 1024, 512>}, {pipeline_mode = #tpu.pipeline_mode<synchronous>, transform_indices = @transform_8, window_bounds = array<i64: 1, 512>}, {transform_indices = @transform_9, window_bounds = array<i64: 8, 128>}, {transform_indices = @transform_10, window_bounds = array<i64: 1024, 512>}]} {
    %get3A = arith.constant 0 : index
    %get3A_0 = arith.constant 0 : index
    %get3A_1 = vector.load %arg1[%get3A, %get3A_0] : memref<1024x512xf32, #tpu.memory_space<vmem>>, vector<1024x512xf32>
    %get3A_2 = arith.constant 0 : index
    %get3A_3 = arith.constant 0 : index
    %get3A_4 = vector.load %arg2[%get3A_2, %get3A_3] : memref<1024x512xf32, #tpu.memory_space<vmem>>, vector<1024x512xf32>
    %get3A_5 = arith.constant 0 : index
    %get3A_6 = arith.constant 0 : index
    %get3A_7 = vector.load %arg4[%get3A_5, %get3A_6] : memref<512x64xf32, #tpu.memory_space<vmem>>, vector<512x64xf32>
    %dot_general3A = arith.constant dense<0.000000e+00> : vector<1024x64xf32>
    %dot_general3A_8 = tpu.matmul %get3A_4, %get3A_7, %dot_general3A {dimension_numbers = #tpu.dot_dimension_numbers<[1], [0], [0], [1], [0, 0, 1, 1], [], []>, transpose_lhs_hint = false} : vector<1024x512xf32>, vector<512x64xf32>, vector<1024x64xf32> -> vector<1024x64xf32>
    %get3A_9 = arith.constant 0 : index
    %get3A_10 = arith.constant 0 : index
    %get3A_11 = vector.load %arg5[%get3A_9, %get3A_10] : memref<1x64xf32, #tpu.memory_space<vmem>>, vector<1x64xf32>
    %add3A = vector.broadcast %get3A_11 : vector<1x64xf32> to vector<1024x64xf32>
    %add3A_12 = arith.addf %dot_general3A_8, %add3A : vector<1024x64xf32>
    %max3A = arith.constant 0.000000e+00 : f32
    %max3A_13 = vector.broadcast %max3A : f32 to vector<1024x64xf32>
    %max3A_14 = arith.maximumf %add3A_12, %max3A_13 : vector<1024x64xf32>
    %get3A_15 = arith.constant 0 : index
    %get3A_16 = arith.constant 0 : index
    %get3A_17 = vector.load %arg6[%get3A_15, %get3A_16] : memref<64x512xf32, #tpu.memory_space<vmem>>, vector<64x512xf32>
    %dot_general3A_18 = arith.constant dense<0.000000e+00> : vector<1024x512xf32>
    %dot_general3A_19 = tpu.matmul %max3A_14, %get3A_17, %dot_general3A_18 {dimension_numbers = #tpu.dot_dimension_numbers<[1], [0], [0], [1], [0, 0, 1, 1], [], []>, transpose_lhs_hint = false} : vector<1024x64xf32>, vector<64x512xf32>, vector<1024x512xf32> -> vector<1024x512xf32>
    %get3A_20 = arith.constant 0 : index
    %get3A_21 = arith.constant 0 : index
    %get3A_22 = vector.load %arg7[%get3A_20, %get3A_21] : memref<1x512xf32, #tpu.memory_space<vmem>>, vector<1x512xf32>
    %add3A_23 = vector.broadcast %get3A_22 : vector<1x512xf32> to vector<1024x512xf32>
    %add3A_24 = arith.addf %dot_general3A_19, %add3A_23 : vector<1024x512xf32>
    %get3A_25 = arith.constant 0 : index
    %get3A_26 = arith.constant 0 : index
    %get3A_27 = vector.load %arg8[%get3A_25, %get3A_26] : memref<1024x512xf32, #tpu.memory_space<vmem>>, vector<512x512xf32>
    %dot_general3A_28 = arith.constant dense<0.000000e+00> : vector<1024x512xf32>
    %dot_general3A_29 = tpu.matmul %get3A_1, %get3A_27, %dot_general3A_28 {dimension_numbers = #tpu.dot_dimension_numbers<[1], [0], [0], [1], [0, 0, 1, 1], [], []>, transpose_lhs_hint = false} : vector<1024x512xf32>, vector<512x512xf32>, vector<1024x512xf32> -> vector<1024x512xf32>
    %get3A_30 = arith.constant 512 : index
    %get3A_31 = arith.constant 0 : index
    %get3A_32 = vector.load %arg8[%get3A_30, %get3A_31] : memref<1024x512xf32, #tpu.memory_space<vmem>>, vector<512x512xf32>
    %dot_general3A_33 = arith.constant dense<0.000000e+00> : vector<1024x512xf32>
    %dot_general3A_34 = tpu.matmul %get3A_4, %get3A_32, %dot_general3A_33 {dimension_numbers = #tpu.dot_dimension_numbers<[1], [0], [0], [1], [0, 0, 1, 1], [], []>, transpose_lhs_hint = false} : vector<1024x512xf32>, vector<512x512xf32>, vector<1024x512xf32> -> vector<1024x512xf32>
    %add3A_35 = arith.addf %dot_general3A_29, %dot_general3A_34 : vector<1024x512xf32>
    %get3A_36 = arith.constant 0 : index
    %get3A_37 = arith.constant 0 : index
    %get3A_38 = vector.load %arg9[%get3A_36, %get3A_37] : memref<1x512xf32, #tpu.memory_space<vmem>>, vector<1x512xf32>
    %add3A_39 = vector.broadcast %get3A_38 : vector<1x512xf32> to vector<1024x512xf32>
    %add3A_40 = arith.addf %add3A_35, %add3A_39 : vector<1024x512xf32>
    %logistic3A = arith.negf %add3A_40 : vector<1024x512xf32>
    %logistic3A_41 = math.exp %logistic3A : vector<1024x512xf32>
    %logistic3A_42 = arith.constant 1.000000e+00 : f32
    %logistic3A_43 = vector.broadcast %logistic3A_42 : f32 to vector<1024x512xf32>
    %logistic3A_44 = arith.addf %logistic3A_43, %logistic3A_41 : vector<1024x512xf32>
    %logistic3A_45 = arith.divf %logistic3A_43, %logistic3A_44 : vector<1024x512xf32>
    %add3A_46 = arith.constant 28 : i32
    %add3A_47 = arith.addi %add3A_46, %arg0 : i32
    %mul3A = arith.constant 1024 : i32
    %mul3A_48 = arith.muli %add3A_47, %mul3A : i32
    %iota3A = tpu.iota {dimensions = array<i32: 0>} : vector<1024x1xi32>
    %add3A_49 = vector.broadcast %mul3A_48 : i32 to vector<1024x1xi32>
    %add3A_50 = arith.addi %add3A_49, %iota3A : vector<1024x1xi32>
    %jit3A = arith.constant 8192 : i32
    %eq3A = arith.constant 0 : i32
    %eq3A_51 = arith.cmpi eq, %jit3A, %eq3A : i32
    %jit3A_52 = arith.constant 1 : i32
    %select_n3A = arith.select %eq3A_51, %jit3A_52, %jit3A : i32
    %rem3A = vector.broadcast %select_n3A : i32 to vector<1024x1xi32>
    %rem3A_53 = arith.remsi %add3A_50, %rem3A : vector<1024x1xi32>
    %ne3A = arith.constant 0 : i32
    %ne3A_54 = vector.broadcast %ne3A : i32 to vector<1024x1xi32>
    %ne3A_55 = arith.cmpi ne, %rem3A_53, %ne3A_54 : vector<1024x1xi32>
    %lt3A = arith.constant 0 : i32
    %lt3A_56 = vector.broadcast %lt3A : i32 to vector<1024x1xi32>
    %lt3A_57 = arith.cmpi slt, %rem3A_53, %lt3A_56 : vector<1024x1xi32>
    %lt3A_58 = arith.constant 0 : i32
    %lt3A_59 = arith.cmpi slt, %select_n3A, %lt3A_58 : i32
    %ne3A_60 = vector.broadcast %lt3A_59 : i1 to vector<1024x1xi1>
    %ne3A_61 = vector.broadcast %ne3A_60 : vector<1024x1xi1> to vector<1024x1xi1>
    %ne3A_62 = arith.xori %lt3A_57, %ne3A_61 : vector<1024x1xi1>
    %and3A = arith.andi %ne3A_62, %ne3A_55 : vector<1024x1xi1>
    %add3A_63 = vector.broadcast %select_n3A : i32 to vector<1024x1xi32>
    %add3A_64 = arith.addi %rem3A_53, %add3A_63 : vector<1024x1xi32>
    %select_n3A_65 = arith.select %and3A, %add3A_64, %rem3A_53 : vector<1024x1xi1>, vector<1024x1xi32>
    %get3A_66 = arith.constant 0 : index
    %get3A_67 = arith.constant 0 : index
    %get3A_68 = vector.load %arg3[%get3A_66, %get3A_67] : memref<1x1024xi32, #tpu.memory_space<vmem>>, vector<1x1024xi32>
    %reshape3A = vector.shape_cast %get3A_68 : vector<1x1024xi32> to vector<1024x1xi32>
    %jit3A_69 = arith.constant 8192 : i32
    %div3A = vector.broadcast %jit3A_69 : i32 to vector<1024x1xi32>
    %div3A_70 = arith.divsi %add3A_50, %div3A : vector<1024x1xi32>
    %sign3A = arith.constant 0 : i32
    %sign3A_71 = vector.broadcast %sign3A : i32 to vector<1024x1xi32>
    %sign3A_72 = arith.cmpi sgt, %add3A_50, %sign3A_71 : vector<1024x1xi32>
    %sign3A_73 = arith.extui %sign3A_72 : vector<1024x1xi1> to vector<1024x1xi32>
    %sign3A_74 = arith.constant 0 : i32
    %sign3A_75 = vector.broadcast %sign3A_74 : i32 to vector<1024x1xi32>
    %sign3A_76 = arith.cmpi slt, %add3A_50, %sign3A_75 : vector<1024x1xi32>
    %sign3A_77 = arith.extui %sign3A_76 : vector<1024x1xi1> to vector<1024x1xi32>
    %sign3A_78 = arith.subi %sign3A_73, %sign3A_77 : vector<1024x1xi32>
    %sign3A_79 = arith.constant 0 : i32
    %sign3A_80 = arith.cmpi sgt, %jit3A_69, %sign3A_79 : i32
    %sign3A_81 = arith.extui %sign3A_80 : i1 to i32
    %sign3A_82 = arith.constant 0 : i32
    %sign3A_83 = arith.cmpi slt, %jit3A_69, %sign3A_82 : i32
    %sign3A_84 = arith.extui %sign3A_83 : i1 to i32
    %sign3A_85 = arith.subi %sign3A_81, %sign3A_84 : i32
    %ne3A_86 = vector.broadcast %sign3A_85 : i32 to vector<1024x1xi32>
    %ne3A_87 = arith.cmpi ne, %sign3A_78, %ne3A_86 : vector<1024x1xi32>
    %rem3A_88 = vector.broadcast %jit3A_69 : i32 to vector<1024x1xi32>
    %rem3A_89 = arith.remsi %add3A_50, %rem3A_88 : vector<1024x1xi32>
    %ne3A_90 = arith.constant 0 : i32
    %ne3A_91 = vector.broadcast %ne3A_90 : i32 to vector<1024x1xi32>
    %ne3A_92 = arith.cmpi ne, %rem3A_89, %ne3A_91 : vector<1024x1xi32>
    %and3A_93 = arith.andi %ne3A_87, %ne3A_92 : vector<1024x1xi1>
    %sub3A = arith.constant 1 : i32
    %sub3A_94 = vector.broadcast %sub3A : i32 to vector<1024x1xi32>
    %sub3A_95 = arith.subi %div3A_70, %sub3A_94 : vector<1024x1xi32>
    %select_n3A_96 = arith.select %and3A_93, %sub3A_95, %div3A_70 : vector<1024x1xi1>, vector<1024x1xi32>
    %mul3A_97 = arith.constant 8192 : i32
    %mul3A_98 = vector.broadcast %mul3A_97 : i32 to vector<1024x1xi32>
    %mul3A_99 = arith.muli %select_n3A_96, %mul3A_98 : vector<1024x1xi32>
    %sub3A_100 = arith.subi %reshape3A, %mul3A_99 : vector<1024x1xi32>
    %ge3A = arith.constant 1 : i32
    %ge3A_101 = vector.broadcast %ge3A : i32 to vector<1024x1xi32>
    %ge3A_102 = arith.cmpi sge, %select_n3A_65, %ge3A_101 : vector<1024x1xi32>
    %ne3A_103 = arith.constant 0 : i32
    %ne3A_104 = vector.broadcast %ne3A_103 : i32 to vector<1024x1xi32>
    %ne3A_105 = arith.cmpi ne, %sub3A_100, %ne3A_104 : vector<1024x1xi32>
    %and3A_106 = arith.andi %ge3A_102, %ne3A_105 : vector<1024x1xi1>
    %convert_element_type3A = arith.extui %and3A_106 : vector<1024x1xi1> to vector<1024x1xi32>
    %convert_element_type3A_107 = arith.sitofp %convert_element_type3A : vector<1024x1xi32> to vector<1024x1xf32>
    %mul3A_108 = arith.mulf %logistic3A_45, %add3A_24 : vector<1024x512xf32>
    %mul3A_109 = vector.broadcast %convert_element_type3A_107 : vector<1024x1xf32> to vector<1024x512xf32>
    %mul3A_110 = arith.mulf %mul3A_108, %mul3A_109 : vector<1024x512xf32>
    %add3A_111 = arith.addf %get3A_1, %mul3A_110 : vector<1024x512xf32>
    %swap3A = arith.constant 0 : index
    %swap3A_112 = arith.constant 0 : index
    %swap3A_113 = vector.load %arg11[%swap3A, %swap3A_112] : memref<1024x512xf32, #tpu.memory_space<vmem>>, vector<1024x512xf32>
    tpu.vector_store %arg11[%swap3A, %swap3A_112], %add3A_111 {strides = array<i32>} : memref<1024x512xf32, #tpu.memory_space<vmem>>, vector<1024x512xf32>,
    return
  }
  func.func @transform_0(%arg0: i32) -> (i32, i32) {
    %add3A = arith.constant 28 : i32
    %add3A_0 = arith.addi %add3A, %arg0 : i32
    %c0_i32 = arith.constant 0 : i32
    %c0_i32_1 = arith.constant 0 : i32
    return %add3A_0, %c0_i32 : i32, i32
  }
  func.func @transform_1(%arg0: i32) -> (i32, i32) {
    %c0_i32 = arith.constant 0 : i32
    %c0_i32_0 = arith.constant 0 : i32
    return %arg0, %c0_i32 : i32, i32
  }
  func.func @transform_2(%arg0: i32) -> (i32, i32) {
    %add3A = arith.constant 28 : i32
    %add3A_0 = arith.addi %add3A, %arg0 : i32
    %c0_i32 = arith.constant 0 : i32
    %c0_i32_1 = arith.constant 0 : i32
    return %c0_i32, %add3A_0 : i32, i32
  }
  func.func @transform_3(%arg0: i32) -> (i32, i32) {
    %c0_i32 = arith.constant 0 : i32
    %c0_i32_0 = arith.constant 0 : i32
    %c0_i32_1 = arith.constant 0 : i32
    return %c0_i32, %c0_i32_0 : i32, i32
  }
  func.func @transform_4(%arg0: i32) -> (i32, i32) {
    %c0_i32 = arith.constant 0 : i32
    %c0_i32_0 = arith.constant 0 : i32
    %c0_i32_1 = arith.constant 0 : i32
    return %c0_i32, %c0_i32_0 : i32, i32
  }
  func.func @transform_5(%arg0: i32) -> (i32, i32) {
    %c0_i32 = arith.constant 0 : i32
    %c0_i32_0 = arith.constant 0 : i32
    %c0_i32_1 = arith.constant 0 : i32
    return %c0_i32, %c0_i32_0 : i32, i32
  }
  func.func @transform_6(%arg0: i32) -> (i32, i32) {
    %c0_i32 = arith.constant 0 : i32
    %c0_i32_0 = arith.constant 0 : i32
    %c0_i32_1 = arith.constant 0 : i32
    return %c0_i32, %c0_i32_0 : i32, i32
  }
  func.func @transform_7(%arg0: i32) -> (i32, i32) {
    %c0_i32 = arith.constant 0 : i32
    %c0_i32_0 = arith.constant 0 : i32
    %c0_i32_1 = arith.constant 0 : i32
    return %c0_i32, %c0_i32_0 : i32, i32
  }
  func.func @transform_8(%arg0: i32) -> (i32, i32) {
    %c0_i32 = arith.constant 0 : i32
    %c0_i32_0 = arith.constant 0 : i32
    %c0_i32_1 = arith.constant 0 : i32
    return %c0_i32, %c0_i32_0 : i32, i32
  }
  func.func @transform_9(%arg0: i32) -> (i32, i32) {
    %c0_i32 = arith.constant 0 : i32
    %c0_i32_0 = arith.constant 0 : i32
    %c0_i32_1 = arith.constant 0 : i32
    return %c0_i32, %c0_i32_0 : i32, i32
  }
  func.func @transform_10(%arg0: i32) -> (i32, i32) {
    %add3A = arith.constant 28 : i32
    %add3A_0 = arith.addi %add3A, %arg0 : i32
    %c0_i32 = arith.constant 0 : i32
    %c0_i32_1 = arith.constant 0 : i32
    return %add3A_0, %c0_i32 : i32, i32
  }
}

</mosaic_0001>

<sc_bundles>
// kernel: kernel.12.cloned.1.call-start
scs
__scs_entry_jumppad:
0x0: {  	(pc) =	sbr.rel $0x88, $3  }
0x1: {  	(tag) =	ssettag $0x0;
	lr =	simm.s32 $0x1  }
0x2: {  	[smem:$0x3F99] =	sst lr;
	_ =	strace $0xD0000000  }
0x3: {  	_ = 	snop  }
0x4: {  	_ = 	snop  }
0x5: {  	_ = 	snop  }
0x6: {  	_ = 	snop  }
0x7: {  	_ = 	snop  }
__scs_overlays_trampoline_lowered:
0x8: {  	[smem:$0x3FA8] =	sst s0  }
0x9: {  	[smem:$0x3FA9] =	sst s1  }
0xa: {  	[smem:$0x3FAA] =	sst s2  }
0xb: {  	[smem:$0x3FAB] =	sst s3  }
0xc: {  	[smem:$0x3FAC] =	sst s4  }
0xd: {  	[smem:$0x3FAD] =	sst s5  }
0xe: {  	[smem:$0x3FAE] =	sst s6  }
0xf: {  	[smem:$0x3FAF] =	sst s7  }
0x10: {  	[smem:$0x3FB0] =	sst s8  }
0x11: {  	[smem:$0x3FB1] =	sst s9;
	s0 =	simm.s32 @!p0 $0x0  }
0x12: {  	s1 =	sld [smem:$0x3F97];
	s0 =	simm.s32 @p0 $0x1  }
0x13: {  	[smem:$0x3FB2] =	sst s0;
	s0 =	simm.s32 @!p1 $0x0  }
0x14: {  	s2 =	sld [smem:$0x3F96];
	s0 =	simm.s32 @p1 $0x1  }
0x15: {  	[smem:$0x3FB3] =	sst s0;
	s0 =	simm.s32 @!p2 $0x0  }
0x16: {  	s3 =	sld [smem:$0x3FDB];
	s0 =	simm.s32 @p2 $0x1  }
0x17: {  	s4 =	simm.s32 $0x1BF5;
	[smem:$0x3FB5] =	sst s0  }
0x18: {  	s0 =	sld [smem:$0x3F98];
	_ =	swait.ge [sflag:s4], $0x0  }
0x19: {  	s7 =	sld [smem:$0x3F99]  }
0x1a: {  	s8 =	sadd.s32 $0xFFFFE003, lr  }
0x1b: {  	s9 =	sadd.s32 $0xFFFFFEF7, lr;
	s5 =	simm.s32 $0xFFFFFFFF;
	p2 =	slt.u32 s8, $0xFFFFF086  }
0x1c: {  	p1 =	slt.u32 s9, $0xF7A;
	s5 =	simm.s32 @!p2 $0x0  }
0x1d: {  	s5 =	simm.s32 @p1 $0x1;
	p0 =	seq.s32 s7, s2  }
0x1e: {  	s7 =	smul.u32 @!p0 $0xF7A, s2;
	p2 =	seq.s32 @!p0 s5, $0x0  }
0x1f: {  	s9 =	smul.u32 $0xF7A, s1;
	s8 =	simm.s32 @!p0 $0x1BF5;
	p2 =	por !p2, p0  }
0x20: {  	[sflag:s8] =	ssyncset.s32 @!p0 $0xFFFFF086;
	s6 =	sadd.s32 @!p0 s3, s7;
	s7 =	simm.s32 @!p0 $0x108  }
0x21: {  	s3 =	sadd.s32 s3, s9;
	s6 =	sadd.s32 @!p0 $0x88, s6;
	s7 =	simm.s32 @p2 $0x1082  }
0x22: {  	[simem:s7], [sflag:s8] =	dma.local @!p0 [hbm:s6], $0xF7A  }
0x23: {  	s9 =	sor.u32 $0xD0000000, s2;
	s6 =	simm.s32 $0x108;
	_ =	swait.ge @!p0 [sflag:s8], $0x0  }
0x24: {  	s3 =	sadd.s32 $0x88, s3;
	s6 =	simm.s32 @!p1 $0x1082;
	[sflag:s4] =	ssyncset.s32 $0xFFFFF086  }
0x25: {  	[simem:s6], [sflag:s4] =	dma.local [hbm:s3], $0xF7A  }
0x26: {  	[smem:$0x3F99] =	sst s1;
	(tag) =	ssettag s2;
	_ =	strace s9  }
0x27: {  	s1 =	sld [smem:$0x3FA9]  }
0x28: {  	s2 =	sld [smem:$0x3FAA]  }
0x29: {  	s4 =	sld [smem:$0x3FAC]  }
0x2a: {  	p0 =	seq.s32 s5, $0x0;
	s5 =	sld [smem:$0x3FAD]  }
0x2b: {  	s6 =	sld [smem:$0x3FAE]  }
0x2c: {  	s7 =	sld [smem:$0x3FAF]  }
0x2d: {  	s3 =	simm.s32 $0x108;
	s8 =	sld [smem:$0x3FB0]  }
0x2e: {  	s3 =	simm.s32 @!p0 $0x1082;
	s9 =	sld [smem:$0x3FB1]  }
0x2f: {  	lr =	sadd.s32 s0, s3;
	s0 =	sld [smem:$0x3FA8]  }
0x30: {  	s3 =	sld [smem:$0x3FAB]  }
0x31: {  	[smem:$0x3FB4] =	sst s10  }
0x32: {  	s10 =	sld [smem:$0x3FB2];
	_ =	sdelay $0x3  }
0x33: {  	p0 =	seq.s32 s10, $0x1;
	s10 =	sld [smem:$0x3FB4];
	_ =	sdelay $0x3  }
0x34: {  	[smem:$0x3FB4] =	sst s10  }
0x35: {  	s10 =	sld [smem:$0x3FB3];
	_ =	sdelay $0x3  }
0x36: {  	p1 =	seq.s32 s10, $0x1;
	s10 =	sld [smem:$0x3FB4];
	_ =	sdelay $0x3  }
0x37: {  	[smem:$0x3FB4] =	sst s10  }
0x38: {  	s10 =	sld [smem:$0x3FB5]  }
0x39: {  	_ = 	snop;
	(pc) =	sbr.ind lr, $3  }
0x3a: {  	_ = 	snop  }
0x3b: {  	_ = 	snop  }
0x3c: {  	p2 =	seq.s32 s10, $0x1;
	s10 =	sld [smem:$0x3FB4]  }
0x3d: {  	_ =	shalt  }
0x3e: {  	_ =	shalt  }
0x3f: {  	_ =	shalt  }
0x40: {  	_ =	shalt  }
0x41: {  	_ =	shalt  }
0x42: {  	_ =	shalt  }
0x43: {  	_ =	shalt  }
0x44: {  	_ =	shalt  }
0x45: {  	_ =	shalt  }
0x46: {  	_ =	shalt  }
0x47: {  	_ =	shalt  }
0x48: {  	_ =	shalt  }
0x49: {  	_ =	shalt  }
0x4a: {  	_ =	shalt  }
0x4b: {  	_ =	shalt  }
0x4c: {  	_ =	shalt  }
0x4d: {  	_ =	shalt  }
0x4e: {  	_ =	shalt  }
0x4f: {  	_ =	shalt  }
0x50: {  	_ =	shalt  }
0x51: {  	_ =	shalt  }
0x52: {  	_ =	shalt  }
0x53: {  	_ =	shalt  }
0x54: {  	_ =	shalt  }
0x55: {  	_ =	shalt  }
0x56: {  	_ =	shalt  }
0x57: {  	_ =	shalt  }
0x58: {  	_ =	shalt  }
0x59: {  	_ =	shalt  }
0x5a: {  	_ =	shalt  }
0x5b: {  	_ =	shalt  }
0x5c: {  	_ =	shalt  }
0x5d: {  	_ =	shalt  }
0x5e: {  	_ =	shalt  }
0x5f: {  	_ =	shalt  }
0x60: {  	_ =	shalt  }
0x61: {  	_ =	shalt  }
0x62: {  	_ =	shalt  }
0x63: {  	_ =	shalt  }
0x64: {  	_ =	shalt  }
0x65: {  	_ =	shalt  }
0x66: {  	_ =	shalt  }
0x67: {  	_ =	shalt  }
0x68: {  	_ =	shalt  }
0x69: {  	_ =	shalt  }
0x6a: {  	_ =	shalt  }
0x6b: {  	_ =	shalt  }
0x6c: {  	_ =	shalt  }
0x6d: {  	_ =	shalt  }
0x6e: {  	_ =	shalt  }
0x6f: {  	_ =	shalt  }
0x70: {  	_ =	shalt  }
0x71: {  	_ =	shalt  }
0x72: {  	_ =	shalt  }
0x73: {  	_ =	shalt  }
0x74: {  	_ =	shalt  }
0x75: {  	_ =	shalt  }
0x76: {  	_ =	shalt  }
0x77: {  	_ =	shalt  }
0x78: {  	_ =	shalt  }
0x79: {  	_ =	shalt  }
0x7a: {  	_ =	shalt  }
0x7b: {  	_ =	shalt  }
0x7c: {  	_ =	shalt  }
0x7d: {  	_ =	shalt  }
0x7e: {  	_ =	shalt  }
0x7f: {  	_ =	shalt  }
0x80: {  	_ =	shalt  }
0x81: {  	_ =	shalt  }
0x82: {  	_ =	shalt  }
0x83: {  	_ =	shalt  }
0x84: {  	_ =	shalt  }
0x85: {  	_ =	shalt  }
0x86: {  	_ =	shalt  }
0x87: {  	_ =	shalt  }
.Lfunc_end0:
.L_simem_size_0:
called_computation_lowered:
.L_overlay_start_0:
0x88: {  	s2 =	sld [smem:$0x3FD9]  }
0x89: {  	s3 =	sld [smem:$0x3FFE];
	_ =	sdelay $0x1  }
0x8a: {  	s1 =	srdreg.scid  }
0x8b: {  	s0 =	sand.u32 $0x1, s1  }
0x8c: {  	s17 =	sshll.u32 s0, $0xA;
	s2 =	sadd.s32 s3, s2  }
0x8d: {  	s2 =	sadd.s32 s2, s17  }
0x8e: {  	[smem:$0x3FC0] =	sst s2  }
0x8f: {  	_ = 	snop  }
0x90: {  	s2 =	sld [smem:$0x3FC9]  }
0x91: {  	s18 =	sld [smem:$0x3FD0];
	(tm) =	ssettm $0x1  }
0x92: {  	s4 =	sld [smem:$0x3FFB];
	_ =	sdelay $0x3  }
0x93: {  	_ =	strace s4  }
0x94: {  	s4 =	sld [smem:$0x3FFC];
	_ =	sdelay $0x3  }
0x95: {  	_ =	strace s4  }
0x96: {  	s4 =	sld [smem:$0x3FFD];
	_ =	sdelay $0x3  }
0x97: {  	_ =	strace s4  }
0x98: {  	_ =	strace $0x8FFFFFFF  }
0x99: {  	s19 =	sld [smem:$0x3FDB];
	_ =	sdelay $0x1  }
0x9a: {  	s5 =	simm.s32 $_scs_section_size  }
0x9b: {  	s6 =	simm.s32 $_size__tile_overlayer_lowered;
	s7 =	simm.s32 $_tile_overlayer_lowered  }
0x9c: {  	s22 =	simm.s32 $0x1BFF;
	s21 =	sshll.u32 s7, $0x1;
	s4 =	sadd.s32 s5, s19  }
0x9d: {  	s8 =	simm.s32 $0x0;
	s20 =	sshll.u32 s6, $0x1;
	s6 =	sadd.s32 s21, s4  }
0x9e: {  	[timem:s8], [sflag:s22] =	dma.local [hbm:s6], s20  }
0x9f: {  	_ =	swait.ge [sflag:s22], s20  }
0xa0: {  	s5 =	ssub.s32 $0x0, s20;
	[sflag:s22] =	ssyncset.done $0x0  }
0xa1: {  	[sflag:s22] =	ssyncadd.s32 s5;
	_ =	sdelay $0x1  }
0xa2: {  	s23 =	simm.s32 $0x1B8B  }
0xa3: {  	_ =	swait.ge [sflag:s23], $0x1  }
0xa4: {  	[sflag:s23] =	ssyncset.done $0x0  }
0xa5: {  	s25 =	simm.s32 $0x1B8E;
	s24 =	sld [smem:$0x3FFE];
	[sflag:s23] =	ssyncadd.s32 $0xFFFFFFFF  }
0xa6: {  	s26 =	simm.s32 $execute0_lowered;
	[smem:$0x3FD2] =	sst s25  }
0xa7: {  	s6 =	sshll.u32 s26, $0x1;
	_ =	strace $0x80000046;
	[dreg:$0x1] =	wrdreg $0xFFFFFFFF  }
0xa8: {  	s28 =	simm.s32 $_size_execute0_lowered;
	s4 =	sadd.s32 s4, s6;
	[dreg:$0x0] =	wrdreg $0x0  }
0xa9: {  	s6 =	sshll.u32 s28, $0x1;
	[dreg:$0x2] =	wrdreg s4  }
0xaa: {  	[dreg:$0x3] =	wrdreg s6  }
0xab: {  	[dreg:$0x4] =	wrdreg $0xC0  }
0xac: {  	_ =	task [dreg:s8], $0x5FFFF  }
0xad: {  	[dreg:$0x1] =	wrdreg $0xFFFFFFFF  }
0xae: {  	[dreg:$0x0] =	wrdreg $0x60  }
0xaf: {  	[dreg:$0x2] =	wrdreg s2  }
0xb0: {  	[dreg:$0x3] =	wrdreg s24  }
0xb1: {  	[dreg:$0x4] =	wrdreg s18  }
0xb2: {  	[dreg:$0x5] =	wrdreg $0x9  }
0xb3: {  	_ =	task.clear_ibuf [dreg:s8], $0x6FFFF;
	_ =	strace $0x90000046  }
0xb4: {  	s29 =	simm.s32 $0x9;
	_ =	strace $0x80000048  }
0xb5: {  	_ =	swait.ge [sflag:s29], $0x1  }
0xb6: {  	[sflag:s29] =	ssyncadd.s32 $0xFFFFFFFF  }
0xb7: {  	_ =	strace $0x90000048  }
0xb8: {  	_ =	sfence  }
0xb9: {  	s30 =	sld [smem:$0x0];
	_ =	sdelay $0x2  }
0xba: {  	s31 =	sshll.u32 s1, $0xD;
	s1 =	sshrl.u32 s1, $0x2  }
0xbb: {  	s3 =	sand.u32 $0x4000, s31;
	s1 =	sadd.s32 s1, s30  }
0xbc: {  	s0 =	sor.u32 s3, s0;
	s1 =	sshll.u32 s1, $0x11  }
0xbd: {  	s0 =	sor.u32 s1, s0  }
0xbe: {  	s0 =	sadd.s32 $0x8F2B, s0  }
0xbf: {  	[sflag:s0] =	ssyncadd.remote.s32 $0x1  }
0xc0: {  	_ =	sfence.sel $0xFFFF  }
0xc1: {  	[dreg:$0x0] =	wrdreg $0xFFFFFFFF;
	(pc) =	sbr.abs _section_cstart, $3  }
0xc2: {  	[dreg:$0x1] =	wrdreg $0xFFFFFFFF  }
0xc3: {  	_ =	task.clear_ibuf [dreg:s8], $0x2FFFF;
	_ =	strace $0x9FFFFFFF  }
0xc4: {  	(tm) =	ssettm $0x7FFFFFFF  }
0xc5: {  	_ =	shalt  }
tec
execute0_lowered:
.L_overlay_start_1:
0x0: {  	(tag) =	ssettag $0x1  }
0x1: {  	s1 =	rddreg [dreg:$0x0]  }
0x2: {  	s2 =	srdreg.scid;
	s4 =	rddreg [dreg:$0x1]  }
0x3: {  	s0 =	stileid.u32;
	s5 =	rddreg [dreg:$0x2];
	s14 =	simm.s32 $0x880  }
0x4: {  	s15 =	simm.s32 $0x1080;
	s2 =	sand.u32 $0x1, s2;
	s3 =	sshll.u32 s0, $0x1  }
0x5: {  	s16 =	simm.s32 $0x1880;
	s6 =	sor.u32 s2, s3;
	s3 =	simm.s32 $0x0  }
0x6: {  	s17 =	simm.s32 $0x2080;
	s18 =	simm.s32 $0x2880;
	[smem:$0x7FF] =	sst s3  }
0x7: {  	s19 =	simm.s32 $0x3080;
	_ =	strace $0x80000047;
	[dreg:$0x6] =	wrdreg s14  }
0x8: {  	s21 =	simm.s32 $0x3880;
	s22 =	simm.s32 $0x4080;
	[dreg:$0x7] =	wrdreg s15  }
0x9: {  	s23 =	simm.s32 $0x4880;
	s24 =	simm.s32 $0x5080;
	[dreg:$0x8] =	wrdreg s16  }
0xa: {  	s25 =	simm.s32 $0x5880;
	s8 =	simm.s32 $0x80;
	[dreg:$0x9] =	wrdreg s17  }
0xb: {  	s26 =	simm.s32 $0x6080;
	s10 =	simm.s32 $0x7080;
	[dreg:$0xa] =	wrdreg s18  }
0xc: {  	s11 =	simm.s32 $0x7880;
	s12 =	simm.s32 $0x8080;
	[dreg:$0xb] =	wrdreg s19  }
0xd: {  	s13 =	simm.s32 $0x8880;
	s28 =	simm.s32 $0xF880;
	[dreg:$0xc] =	wrdreg s21  }
0xe: {  	s29 =	simm.s32 $0x1;
	s30 =	simm.s32 $0x2;
	[dreg:$0xd] =	wrdreg s22  }
0xf: {  	s31 =	simm.s32 $0x4;
	s2 =	ssub.s32 $0x2, s2;
	[dreg:$0xe] =	wrdreg s23  }
0x10: {  	s7 =	sshll.u32 s6, $0x4;
	s6 =	sshll.u32 s6, $0xD;
	[dreg:$0xf] =	wrdreg s24  }
0x11: {  	s20 =	sshrl.u32 s2, $0x1;
	s4 =	sadd.s32 s7, s4;
	[dreg:$0x10] =	wrdreg s25  }
0x12: {  	s2 =	ssub.s32 s2, s20;
	[dreg:$0x11] =	wrdreg s26;
	s14 =	simm.s32 $0x9080  }
0x13: {  	s15 =	simm.s32 $0x9880;
	s16 =	simm.s32 $0xA080;
	s17 =	simm.s32 $0xA880  }
0x14: {  	s18 =	simm.s32 $0xB080;
	s19 =	simm.s32 $0xB880;
	s20 =	simm.s32 $0xC080  }
0x15: {  	s21 =	simm.s32 $0xC880;
	s22 =	simm.s32 $0xD080;
	s23 =	simm.s32 $0xD880  }
0x16: {  	s24 =	simm.s32 $0xE080;
	s25 =	simm.s32 $0xE880;
	s26 =	simm.s32 $0xF080  }
0x17: {  	v2 =	vlaneseq.u32;
	s7 =	sadd.s32 $0x4200, s4;
	s4 =	sadd.s32 s5, s6;
	s6 =	smax.u32 s2, $0x1  }
0x18: {  	vm0 =	vmmov $0xffff;
	v1 =	vshrl.u32 v2, $0x3;
	s2 =	simm.s32 $0x3;
	[dreg:$0x4] =	wrdreg s7;
	s5 =	sadd.s32 $0x1000, s4  }
0x19: {  	v0 =	vand.u32 $0x7, v2;
	v2 =	vor.u32 $0x8, v2;
	v1 =	vmul.u32 $0x8, v1;
	s7 =	simm.s32 $0x5;
	[dreg:$0x5] =	wrdreg s5;
	s5 =	sadd.s32 $0x100, s1  }
.LBB2_1:
0x1a: {  	s0 =	rddreg [dreg:$0x4]  }
0x1b: {  	[tilespmem:s3], [sflag:$0x5] =	stream.linear.gather [hbm4b:s0+s3], $0x80, $0x38;
	[tilespmem:$0x10080] =	vst v63  }
0x1c: {  	_ =	swait.ge [sflag:s7], $0x80  }
0x1d: {  	[sflag:s7] =	ssyncset.done $0x0  }
0x1e: {  	[sflag:s7] =	ssyncadd.s32 $0xFFFFFF80  }
0x1f: {  	v3 =	vld [tilespmem:$0x0];
	_ =	sdelay $0x4  }
0x20: {  	v4 =	vshll.u32 v3, $0x2  }
0x21: {  	v3 =	vand.u32 $0x7, v3;
	v4 =	vand.u32 $0xFFFFFFE0, v4  }
0x22: {  	v3 =	vor.u32 v3, v4  }
0x23: {  	v4 =	vperm.xlane v3, v0;
	_ =	sdelay $0x1  }
0x24: {  	v4 =	vadd.s32 v1, v4;
	_ =	sdelay $0x1  }
0x25: {  	v3 =	vperm.xlane v3, v2;
	_ =	sdelay $0x1  }
0x26: {  	v3 =	vadd.s32 v1, v3  }
0x27: {  	[tilespmem:s8], [sflag:$0x1] =	stream.indirect_vreg.gather [hbm4b:s1+s3], $0x80, v4, vm0, $0xb8;
	[tilespmem:$0x10080] =	vst v63  }
0x28: {  	s0 =	rddreg [dreg:$0x6]  }
0x29: {  	[tilespmem:s0], [sflag:$0x1] =	stream.indirect_vreg.gather [hbm4b:s5+s3], $0x80, v4, vm0, $0xb8;
	[tilespmem:$0x10080] =	vst v63  }
0x2a: {  	s9 =	rddreg [dreg:$0x7]  }
0x2b: {  	[tilespmem:s9], [sflag:$0x1] =	stream.indirect_vreg.gather [hbm4b:s1+s3], $0x80, v3, vm0, $0xb8;
	[tilespmem:$0x10080] =	vst v63  }
0x2c: {  	s0 =	rddreg [dreg:$0x8]  }
0x2d: {  	[tilespmem:s0], [sflag:$0x1] =	stream.indirect_vreg.gather [hbm4b:s5+s3], $0x80, v3, vm0, $0xb8;
	[tilespmem:$0x10080] =	vst v63  }
0x2e: {  	v3 =	vld [tilespmem:$0x10];
	_ =	sdelay $0x4  }
0x2f: {  	v57 =	vshll.u32 v3, $0x2  }
0x30: {  	v3 =	vand.u32 $0x7, v3;
	v4 =	vand.u32 $0xFFFFFFE0, v57  }
0x31: {  	v3 =	vor.u32 v3, v4  }
0x32: {  	v4 =	vperm.xlane v3, v0;
	_ =	sdelay $0x1  }
0x33: {  	v4 =	vadd.s32 v1, v4;
	_ =	sdelay $0x1  }
0x34: {  	v3 =	vperm.xlane v3, v2;
	_ =	sdelay $0x1  }
0x35: {  	s0 =	rddreg [dreg:$0x9];
	v3 =	vadd.s32 v1, v3  }
0x36: {  	[tilespmem:s0], [sflag:$0x1] =	stream.indirect_vreg.gather [hbm4b:s1+s3], $0x80, v4, vm0, $0xb8;
	[tilespmem:$0x10080] =	vst v63  }
0x37: {  	s9 =	rddreg [dreg:$0xa]  }
0x38: {  	[tilespmem:s9], [sflag:$0x1] =	stream.indirect_vreg.gather [hbm4b:s5+s3], $0x80, v4, vm0, $0xb8;
	[tilespmem:$0x10080] =	vst v63  }
0x39: {  	s0 =	rddreg [dreg:$0xb]  }
0x3a: {  	[tilespmem:s0], [sflag:$0x1] =	stream.indirect_vreg.gather [hbm4b:s1+s3], $0x80, v3, vm0, $0xb8;
	[tilespmem:$0x10080] =	vst v63  }
0x3b: {  	s9 =	rddreg [dreg:$0xc]  }
0x3c: {  	[tilespmem:s9], [sflag:$0x1] =	stream.indirect_vreg.gather [hbm4b:s5+s3], $0x80, v3, vm0, $0xb8;
	[tilespmem:$0x10080] =	vst v63  }
0x3d: {  	v3 =	vld [tilespmem:$0x20];
	_ =	sdelay $0x4  }
0x3e: {  	v58 =	vshll.u32 v3, $0x2  }
0x3f: {  	v3 =	vand.u32 $0x7, v3;
	v4 =	vand.u32 $0xFFFFFFE0, v58  }
0x40: {  	v3 =	vor.u32 v3, v4  }
0x41: {  	v4 =	vperm.xlane v3, v0;
	_ =	sdelay $0x1  }
0x42: {  	v4 =	vadd.s32 v1, v4;
	_ =	sdelay $0x1  }
0x43: {  	v3 =	vperm.xlane v3, v2;
	_ =	sdelay $0x1  }
0x44: {  	s0 =	rddreg [dreg:$0xd];
	v3 =	vadd.s32 v1, v3  }
0x45: {  	[tilespmem:s0], [sflag:$0x1] =	stream.indirect_vreg.gather [hbm4b:s1+s3], $0x80, v4, vm0, $0xb8;
	[tilespmem:$0x10080] =	vst v63  }
0x46: {  	s9 =	rddreg [dreg:$0xe]  }
0x47: {  	[tilespmem:s9], [sflag:$0x1] =	stream.indirect_vreg.gather [hbm4b:s5+s3], $0x80, v4, vm0, $0xb8;
	[tilespmem:$0x10080] =	vst v63  }
0x48: {  	s0 =	rddreg [dreg:$0xf]  }
0x49: {  	[tilespmem:s0], [sflag:$0x1] =	stream.indirect_vreg.gather [hbm4b:s1+s3], $0x80, v3, vm0, $0xb8;
	[tilespmem:$0x10080] =	vst v63  }
0x4a: {  	s9 =	rddreg [dreg:$0x10]  }
0x4b: {  	[tilespmem:s9], [sflag:$0x1] =	stream.indirect_vreg.gather [hbm4b:s5+s3], $0x80, v3, vm0, $0xb8;
	[tilespmem:$0x10080] =	vst v63  }
0x4c: {  	v3 =	vld [tilespmem:$0x30];
	_ =	sdelay $0x4  }
0x4d: {  	v59 =	vshll.u32 v3, $0x2  }
0x4e: {  	v3 =	vand.u32 $0x7, v3;
	v4 =	vand.u32 $0xFFFFFFE0, v59  }
0x4f: {  	v3 =	vor.u32 v3, v4  }
0x50: {  	v4 =	vperm.xlane v3, v0;
	_ =	sdelay $0x1  }
0x51: {  	v4 =	vadd.s32 v1, v4;
	_ =	sdelay $0x1  }
0x52: {  	v3 =	vperm.xlane v3, v2;
	_ =	sdelay $0x1  }
0x53: {  	s9 =	rddreg [dreg:$0x11];
	v3 =	vadd.s32 v1, v3  }
0x54: {  	[tilespmem:s9], [sflag:$0x1] =	stream.indirect_vreg.gather [hbm4b:s1+s3], $0x80, v4, vm0, $0xb8;
	[tilespmem:$0x10080] =	vst v63  }
0x55: {  	s9 =	simm.s32 $0x6880  }
0x56: {  	[tilespmem:s9], [sflag:$0x1] =	stream.indirect_vreg.gather [hbm4b:s5+s3], $0x80, v4, vm0, $0xb8;
	[tilespmem:$0x10080] =	vst v63  }
0x57: {  	_ = 	snop  }
0x58: {  	[tilespmem:s10], [sflag:$0x1] =	stream.indirect_vreg.gather [hbm4b:s1+s3], $0x80, v3, vm0, $0xb8;
	[tilespmem:$0x10080] =	vst v63  }
0x59: {  	_ = 	snop  }
0x5a: {  	[tilespmem:s11], [sflag:$0x1] =	stream.indirect_vreg.gather [hbm4b:s5+s3], $0x80, v3, vm0, $0xb8;
	[tilespmem:$0x10080] =	vst v63  }
0x5b: {  	v3 =	vld [tilespmem:$0x40];
	_ =	sdelay $0x4  }
0x5c: {  	v60 =	vshll.u32 v3, $0x2  }
0x5d: {  	v3 =	vand.u32 $0x7, v3;
	v4 =	vand.u32 $0xFFFFFFE0, v60  }
0x5e: {  	v3 =	vor.u32 v3, v4  }
0x5f: {  	v4 =	vperm.xlane v3, v0;
	_ =	sdelay $0x1  }
0x60: {  	v4 =	vadd.s32 v1, v4;
	_ =	sdelay $0x1  }
0x61: {  	v3 =	vperm.xlane v3, v2;
	_ =	sdelay $0x1  }
0x62: {  	v3 =	vadd.s32 v1, v3  }
0x63: {  	[tilespmem:s12], [sflag:$0x2] =	stream.indirect_vreg.gather [hbm4b:s1+s3], $0x80, v4, vm0, $0xb8;
	[tilespmem:$0x10080] =	vst v63  }
0x64: {  	_ = 	snop  }
0x65: {  	[tilespmem:s13], [sflag:$0x2] =	stream.indirect_vreg.gather [hbm4b:s5+s3], $0x80, v4, vm0, $0xb8;
	[tilespmem:$0x10080] =	vst v63  }
0x66: {  	_ = 	snop  }
0x67: {  	[tilespmem:s14], [sflag:$0x2] =	stream.indirect_vreg.gather [hbm4b:s1+s3], $0x80, v3, vm0, $0xb8;
	[tilespmem:$0x10080] =	vst v63  }
0x68: {  	_ = 	snop  }
0x69: {  	[tilespmem:s15], [sflag:$0x2] =	stream.indirect_vreg.gather [hbm4b:s5+s3], $0x80, v3, vm0, $0xb8;
	[tilespmem:$0x10080] =	vst v63  }
0x6a: {  	v3 =	vld [tilespmem:$0x50];
	_ =	sdelay $0x4  }
0x6b: {  	v61 =	vshll.u32 v3, $0x2  }
0x6c: {  	v3 =	vand.u32 $0x7, v3;
	v4 =	vand.u32 $0xFFFFFFE0, v61  }
0x6d: {  	v3 =	vor.u32 v3, v4  }
0x6e: {  	v4 =	vperm.xlane v3, v0;
	_ =	sdelay $0x1  }
0x6f: {  	v4 =	vadd.s32 v1, v4;
	_ =	sdelay $0x1  }
0x70: {  	v3 =	vperm.xlane v3, v2;
	_ =	sdelay $0x1  }
0x71: {  	v3 =	vadd.s32 v1, v3  }
0x72: {  	[tilespmem:s16], [sflag:$0x2] =	stream.indirect_vreg.gather [hbm4b:s1+s3], $0x80, v4, vm0, $0xb8;
	[tilespmem:$0x10080] =	vst v63  }
0x73: {  	_ = 	snop  }
0x74: {  	[tilespmem:s17], [sflag:$0x2] =	stream.indirect_vreg.gather [hbm4b:s5+s3], $0x80, v4, vm0, $0xb8;
	[tilespmem:$0x10080] =	vst v63  }
0x75: {  	_ = 	snop  }
0x76: {  	[tilespmem:s18], [sflag:$0x2] =	stream.indirect_vreg.gather [hbm4b:s1+s3], $0x80, v3, vm0, $0xb8;
	[tilespmem:$0x10080] =	vst v63  }
0x77: {  	_ = 	snop  }
0x78: {  	[tilespmem:s19], [sflag:$0x2] =	stream.indirect_vreg.gather [hbm4b:s5+s3], $0x80, v3, vm0, $0xb8;
	[tilespmem:$0x10080] =	vst v63  }
0x79: {  	v3 =	vld [tilespmem:$0x60];
	_ =	sdelay $0x4  }
0x7a: {  	v62 =	vshll.u32 v3, $0x2  }
0x7b: {  	v3 =	vand.u32 $0x7, v3;
	v4 =	vand.u32 $0xFFFFFFE0, v62  }
0x7c: {  	v3 =	vor.u32 v3, v4  }
0x7d: {  	v4 =	vperm.xlane v3, v0;
	_ =	sdelay $0x1  }
0x7e: {  	v4 =	vadd.s32 v1, v4;
	_ =	sdelay $0x1  }
0x7f: {  	v3 =	vperm.xlane v3, v2;
	_ =	sdelay $0x1  }
0x80: {  	v3 =	vadd.s32 v1, v3  }
0x81: {  	[tilespmem:s20], [sflag:$0x2] =	stream.indirect_vreg.gather [hbm4b:s1+s3], $0x80, v4, vm0, $0xb8;
	[tilespmem:$0x10080] =	vst v63  }
0x82: {  	_ = 	snop  }
0x83: {  	[tilespmem:s21], [sflag:$0x2] =	stream.indirect_vreg.gather [hbm4b:s5+s3], $0x80, v4, vm0, $0xb8;
	[tilespmem:$0x10080] =	vst v63  }
0x84: {  	_ = 	snop  }
0x85: {  	[tilespmem:s22], [sflag:$0x2] =	stream.indirect_vreg.gather [hbm4b:s1+s3], $0x80, v3, vm0, $0xb8;
	[tilespmem:$0x10080] =	vst v63  }
0x86: {  	_ = 	snop  }
0x87: {  	[tilespmem:s23], [sflag:$0x2] =	stream.indirect_vreg.gather [hbm4b:s5+s3], $0x80, v3, vm0, $0xb8;
	[tilespmem:$0x10080] =	vst v63  }
0x88: {  	v3 =	vld [tilespmem:$0x70];
	_ =	sdelay $0x4  }
0x89: {  	v63 =	vshll.u32 v3, $0x2  }
0x8a: {  	v3 =	vand.u32 $0x7, v3;
	v4 =	vand.u32 $0xFFFFFFE0, v63  }
0x8b: {  	v3 =	vor.u32 v3, v4  }
0x8c: {  	v4 =	vperm.xlane v3, v0;
	_ =	sdelay $0x1  }
0x8d: {  	v4 =	vadd.s32 v1, v4;
	_ =	sdelay $0x1  }
0x8e: {  	v3 =	vperm.xlane v3, v2;
	_ =	sdelay $0x1  }
0x8f: {  	v3 =	vadd.s32 v1, v3  }
0x90: {  	[tilespmem:s24], [sflag:$0x2] =	stream.indirect_vreg.gather [hbm4b:s1+s3], $0x80, v4, vm0, $0xb8;
	[tilespmem:$0x10080] =	vst v63  }
0x91: {  	_ = 	snop  }
0x92: {  	[tilespmem:s25], [sflag:$0x2] =	stream.indirect_vreg.gather [hbm4b:s5+s3], $0x80, v4, vm0, $0xb8;
	[tilespmem:$0x10080] =	vst v63  }
0x93: {  	_ = 	snop  }
0x94: {  	[tilespmem:s26], [sflag:$0x2] =	stream.indirect_vreg.gather [hbm4b:s1+s3], $0x80, v3, vm0, $0xb8;
	[tilespmem:$0x10080] =	vst v63  }
0x95: {  	_ = 	snop  }
0x96: {  	[tilespmem:s28], [sflag:$0x2] =	stream.indirect_vreg.gather [hbm4b:s5+s3], $0x80, v3, vm0, $0xb8;
	[tilespmem:$0x10080] =	vst v63  }
0x97: {  	_ =	swait.ge [sflag:s29], $0x8000  }
0x98: {  	[sflag:s29] =	ssyncset.done $0x0  }
0x99: {  	[sflag:s29] =	ssyncadd.s32 $0xFFFF8000  }
0x9a: {  	[hbm4b:s4+s3] =	stream.linear.scatter [tilespmem:s8], [sflag:$0x3], $0x8000, $0x38;
	[tilespmem:$0x10080] =	vst v63  }
0x9b: {  	_ =	swait.ge [sflag:s30], $0x8000  }
0x9c: {  	[sflag:s30] =	ssyncset.done $0x0  }
0x9d: {  	s9 =	rddreg [dreg:$0x5];
	[sflag:s30] =	ssyncadd.s32 $0xFFFF8000  }
0x9e: {  	[hbm4b:s9+s3] =	stream.linear.scatter [tilespmem:s12], [sflag:$0x4], $0x8000, $0x38;
	[tilespmem:$0x10080] =	vst v63  }
0x9f: {  	p0 =	sne.s32 s6, $0x1;
	_ =	swait.ge [sflag:s31], $0x8000  }
.Ltmp0:
0xa0: {  	[sflag:s31] =	ssyncset.done $0x0;
	(pc) =	sbr.rel @p0 .LBB2_1-.Ltmp0, $4  }
0xa1: {  	[sflag:s31] =	ssyncadd.s32 $0xFFFF8000  }
0xa2: {  	_ =	swait.ge [sflag:s2], $0x8000  }
0xa3: {  	[sflag:s2] =	ssyncset.done $0x0  }
0xa4: {  	s6 =	sadd.s32 $0xFFFFFFFF, s6;
	[sflag:s2] =	ssyncadd.s32 $0xFFFF8000  }
0xa5: {  	_ =	sfence.sel $0x180000  }
0xa6: {  	[bflag:$0x0] =	sbarrier.arrive $0xFFFF  }
0xa7: {  	_ =	strace $0x90000047  }
0xa8: {  	s0 =	stileid.u32;
	[bflag:$0x2] =	sbarrier.arrive $0xFFFF  }
0xa9: {  	p0 =	sne.s32 s0, $0x0;
	s0 =	rddreg [dreg:$0x3]  }
0xaa: {  	s0 =	sadd.s32 @!p0 $0x100000, s0  }
0xab: {  	[sflag:s0] =	ssyncadd.tile.s32 @!p0 $0x1;
	_ =	shalt  }
.Lfunc_end2:
_tile_overlayer_lowered:
.L_overlay_start_2:
0xac: {  	(tag) =	ssettag $0x2  }
0xad: {  	s0 =	rddreg [dreg:$0x0];
	s2 =	stileid.u32  }
0xae: {  	s1 =	rddreg [dreg:$0x1];
	p0 =	sne.s32 s2, $0x0  }
0xaf: {  	s3 =	rddreg [dreg:$0x2];
	[bflag:$0x3] =	sbarrier.arrive $0xFFFF;
	s2 =	simm.s32 @!p0 $0x1C05  }
0xb0: {  	[timem:s3], [sflag:s2] =	dma.local @!p0 [hbm:s0], s1  }
0xb1: {  	s0 =	simm.s32 @!p0 $0x5  }
0xb2: {  	_ =	swait.ge @!p0 [sflag:s0], s1  }
0xb3: {  	s1 =	ssub.s32 @!p0 $0x0, s1;
	[sflag:s0] =	ssyncset.done @!p0 $0x0  }
0xb4: {  	[sflag:s0] =	ssyncadd.s32 @!p0 s1  }
0xb5: {  	[bflag:$0x3] =	sbarrier.arrive $0xFFFF  }
0xb6: {  	_ =	shalt  }

// kernel: kernel.15.cloned.1.call-start
scs
__scs_entry_jumppad:
0x0: {  	(pc) =	sbr.rel $0x88, $3  }
0x1: {  	(tag) =	ssettag $0x0;
	lr =	simm.s32 $0x1  }
0x2: {  	[smem:$0x3F99] =	sst lr;
	_ =	strace $0xD0000000  }
0x3: {  	_ = 	snop  }
0x4: {  	_ = 	snop  }
0x5: {  	_ = 	snop  }
0x6: {  	_ = 	snop  }
0x7: {  	_ = 	snop  }
__scs_overlays_trampoline_lowered:
0x8: {  	[smem:$0x3FA8] =	sst s0  }
0x9: {  	[smem:$0x3FA9] =	sst s1  }
0xa: {  	[smem:$0x3FAA] =	sst s2  }
0xb: {  	[smem:$0x3FAB] =	sst s3  }
0xc: {  	[smem:$0x3FAC] =	sst s4  }
0xd: {  	[smem:$0x3FAD] =	sst s5  }
0xe: {  	[smem:$0x3FAE] =	sst s6  }
0xf: {  	[smem:$0x3FAF] =	sst s7  }
0x10: {  	[smem:$0x3FB0] =	sst s8  }
0x11: {  	[smem:$0x3FB1] =	sst s9;
	s0 =	simm.s32 @!p0 $0x0  }
0x12: {  	s1 =	sld [smem:$0x3F97];
	s0 =	simm.s32 @p0 $0x1  }
0x13: {  	[smem:$0x3FB2] =	sst s0;
	s0 =	simm.s32 @!p1 $0x0  }
0x14: {  	s2 =	sld [smem:$0x3F96];
	s0 =	simm.s32 @p1 $0x1  }
0x15: {  	[smem:$0x3FB3] =	sst s0;
	s0 =	simm.s32 @!p2 $0x0  }
0x16: {  	s3 =	sld [smem:$0x3FDB];
	s0 =	simm.s32 @p2 $0x1  }
0x17: {  	s4 =	simm.s32 $0x1BF5;
	[smem:$0x3FB5] =	sst s0  }
0x18: {  	s0 =	sld [smem:$0x3F98];
	_ =	swait.ge [sflag:s4], $0x0  }
0x19: {  	s7 =	sld [smem:$0x3F99]  }
0x1a: {  	s8 =	sadd.s32 $0xFFFFE003, lr  }
0x1b: {  	s9 =	sadd.s32 $0xFFFFFEF7, lr;
	s5 =	simm.s32 $0xFFFFFFFF;
	p2 =	slt.u32 s8, $0xFFFFF086  }
0x1c: {  	p1 =	slt.u32 s9, $0xF7A;
	s5 =	simm.s32 @!p2 $0x0  }
0x1d: {  	s5 =	simm.s32 @p1 $0x1;
	p0 =	seq.s32 s7, s2  }
0x1e: {  	s7 =	smul.u32 @!p0 $0xF7A, s2;
	p2 =	seq.s32 @!p0 s5, $0x0  }
0x1f: {  	s9 =	smul.u32 $0xF7A, s1;
	s8 =	simm.s32 @!p0 $0x1BF5;
	p2 =	por !p2, p0  }
0x20: {  	[sflag:s8] =	ssyncset.s32 @!p0 $0xFFFFF086;
	s6 =	sadd.s32 @!p0 s3, s7;
	s7 =	simm.s32 @!p0 $0x108  }
0x21: {  	s3 =	sadd.s32 s3, s9;
	s6 =	sadd.s32 @!p0 $0x88, s6;
	s7 =	simm.s32 @p2 $0x1082  }
0x22: {  	[simem:s7], [sflag:s8] =	dma.local @!p0 [hbm:s6], $0xF7A  }
0x23: {  	s9 =	sor.u32 $0xD0000000, s2;
	s6 =	simm.s32 $0x108;
	_ =	swait.ge @!p0 [sflag:s8], $0x0  }
0x24: {  	s3 =	sadd.s32 $0x88, s3;
	s6 =	simm.s32 @!p1 $0x1082;
	[sflag:s4] =	ssyncset.s32 $0xFFFFF086  }
0x25: {  	[simem:s6], [sflag:s4] =	dma.local [hbm:s3], $0xF7A  }
0x26: {  	[smem:$0x3F99] =	sst s1;
	(tag) =	ssettag s2;
	_ =	strace s9  }
0x27: {  	s1 =	sld [smem:$0x3FA9]  }
0x28: {  	s2 =	sld [smem:$0x3FAA]  }
0x29: {  	s4 =	sld [smem:$0x3FAC]  }
0x2a: {  	p0 =	seq.s32 s5, $0x0;
	s5 =	sld [smem:$0x3FAD]  }
0x2b: {  	s6 =	sld [smem:$0x3FAE]  }
0x2c: {  	s7 =	sld [smem:$0x3FAF]  }
0x2d: {  	s3 =	simm.s32 $0x108;
	s8 =	sld [smem:$0x3FB0]  }
0x2e: {  	s3 =	simm.s32 @!p0 $0x1082;
	s9 =	sld [smem:$0x3FB1]  }
0x2f: {  	lr =	sadd.s32 s0, s3;
	s0 =	sld [smem:$0x3FA8]  }
0x30: {  	s3 =	sld [smem:$0x3FAB]  }
0x31: {  	[smem:$0x3FB4] =	sst s10  }
0x32: {  	s10 =	sld [smem:$0x3FB2];
	_ =	sdelay $0x3  }
0x33: {  	p0 =	seq.s32 s10, $0x1;
	s10 =	sld [smem:$0x3FB4];
	_ =	sdelay $0x3  }
0x34: {  	[smem:$0x3FB4] =	sst s10  }
0x35: {  	s10 =	sld [smem:$0x3FB3];
	_ =	sdelay $0x3  }
0x36: {  	p1 =	seq.s32 s10, $0x1;
	s10 =	sld [smem:$0x3FB4];
	_ =	sdelay $0x3  }
0x37: {  	[smem:$0x3FB4] =	sst s10  }
0x38: {  	s10 =	sld [smem:$0x3FB5]  }
0x39: {  	_ = 	snop;
	(pc) =	sbr.ind lr, $3  }
0x3a: {  	_ = 	snop  }
0x3b: {  	_ = 	snop  }
0x3c: {  	p2 =	seq.s32 s10, $0x1;
	s10 =	sld [smem:$0x3FB4]  }
0x3d: {  	_ =	shalt  }
0x3e: {  	_ =	shalt  }
0x3f: {  	_ =	shalt  }
0x40: {  	_ =	shalt  }
0x41: {  	_ =	shalt  }
0x42: {  	_ =	shalt  }
0x43: {  	_ =	shalt  }
0x44: {  	_ =	shalt  }
0x45: {  	_ =	shalt  }
0x46: {  	_ =	shalt  }
0x47: {  	_ =	shalt  }
0x48: {  	_ =	shalt  }
0x49: {  	_ =	shalt  }
0x4a: {  	_ =	shalt  }
0x4b: {  	_ =	shalt  }
0x4c: {  	_ =	shalt  }
0x4d: {  	_ =	shalt  }
0x4e: {  	_ =	shalt  }
0x4f: {  	_ =	shalt  }
0x50: {  	_ =	shalt  }
0x51: {  	_ =	shalt  }
0x52: {  	_ =	shalt  }
0x53: {  	_ =	shalt  }
0x54: {  	_ =	shalt  }
0x55: {  	_ =	shalt  }
0x56: {  	_ =	shalt  }
0x57: {  	_ =	shalt  }
0x58: {  	_ =	shalt  }
0x59: {  	_ =	shalt  }
0x5a: {  	_ =	shalt  }
0x5b: {  	_ =	shalt  }
0x5c: {  	_ =	shalt  }
0x5d: {  	_ =	shalt  }
0x5e: {  	_ =	shalt  }
0x5f: {  	_ =	shalt  }
0x60: {  	_ =	shalt  }
0x61: {  	_ =	shalt  }
0x62: {  	_ =	shalt  }
0x63: {  	_ =	shalt  }
0x64: {  	_ =	shalt  }
0x65: {  	_ =	shalt  }
0x66: {  	_ =	shalt  }
0x67: {  	_ =	shalt  }
0x68: {  	_ =	shalt  }
0x69: {  	_ =	shalt  }
0x6a: {  	_ =	shalt  }
0x6b: {  	_ =	shalt  }
0x6c: {  	_ =	shalt  }
0x6d: {  	_ =	shalt  }
0x6e: {  	_ =	shalt  }
0x6f: {  	_ =	shalt  }
0x70: {  	_ =	shalt  }
0x71: {  	_ =	shalt  }
0x72: {  	_ =	shalt  }
0x73: {  	_ =	shalt  }
0x74: {  	_ =	shalt  }
0x75: {  	_ =	shalt  }
0x76: {  	_ =	shalt  }
0x77: {  	_ =	shalt  }
0x78: {  	_ =	shalt  }
0x79: {  	_ =	shalt  }
0x7a: {  	_ =	shalt  }
0x7b: {  	_ =	shalt  }
0x7c: {  	_ =	shalt  }
0x7d: {  	_ =	shalt  }
0x7e: {  	_ =	shalt  }
0x7f: {  	_ =	shalt  }
0x80: {  	_ =	shalt  }
0x81: {  	_ =	shalt  }
0x82: {  	_ =	shalt  }
0x83: {  	_ =	shalt  }
0x84: {  	_ =	shalt  }
0x85: {  	_ =	shalt  }
0x86: {  	_ =	shalt  }
0x87: {  	_ =	shalt  }
.Lfunc_end0:
.L_simem_size_0:
called_computation.1_lowered:
.L_overlay_start_0:
0x88: {  	s2 =	sld [smem:$0x3FD9]  }
0x89: {  	s3 =	sld [smem:$0x3FFE];
	_ =	sdelay $0x1  }
0x8a: {  	s1 =	srdreg.scid  }
0x8b: {  	s0 =	sand.u32 $0x1, s1  }
0x8c: {  	s17 =	sshll.u32 s0, $0xA;
	s2 =	sadd.s32 s3, s2  }
0x8d: {  	s2 =	sadd.s32 s2, s17  }
0x8e: {  	[smem:$0x3FC0] =	sst s2  }
0x8f: {  	_ = 	snop  }
0x90: {  	s18 =	sld [smem:$0x3FC9];
	(tm) =	ssettm $0x1  }
0x91: {  	s19 =	sld [smem:$0x3FFB];
	_ =	sdelay $0x3  }
0x92: {  	_ =	strace s19  }
0x93: {  	s2 =	sld [smem:$0x3FFC];
	_ =	sdelay $0x3  }
0x94: {  	_ =	strace s2  }
0x95: {  	s2 =	sld [smem:$0x3FFD];
	_ =	sdelay $0x3  }
0x96: {  	_ =	strace s2  }
0x97: {  	_ =	strace $0x8FFFFFFF  }
0x98: {  	s20 =	sld [smem:$0x3FDB];
	_ =	sdelay $0x1  }
0x99: {  	s4 =	simm.s32 $_scs_section_size  }
0x9a: {  	s5 =	simm.s32 $_size__tile_overlayer_lowered;
	s6 =	simm.s32 $_tile_overlayer_lowered  }
0x9b: {  	s7 =	simm.s32 $0x1BFF;
	s21 =	sshll.u32 s6, $0x1;
	s4 =	sadd.s32 s4, s20  }
0x9c: {  	s22 =	simm.s32 $0x0;
	s5 =	sshll.u32 s5, $0x1;
	s6 =	sadd.s32 s21, s4  }
0x9d: {  	[timem:s22], [sflag:s7] =	dma.local [hbm:s6], s5  }
0x9e: {  	_ =	swait.ge [sflag:s7], s5  }
0x9f: {  	s5 =	ssub.s32 $0x0, s5;
	[sflag:s7] =	ssyncset.done $0x0  }
0xa0: {  	[sflag:s7] =	ssyncadd.s32 s5;
	_ =	sdelay $0x1  }
0xa1: {  	s23 =	simm.s32 $0x1B8B  }
0xa2: {  	_ =	swait.ge [sflag:s23], $0x1  }
0xa3: {  	[sflag:s23] =	ssyncset.done $0x0  }
0xa4: {  	[sflag:s23] =	ssyncadd.s32 $0xFFFFFFFF  }
0xa5: {  	s5 =	sld [smem:$0x0]  }
0xa6: {  	s6 =	sand.u32 $0xFFFFFFFE, s1  }
0xa7: {  	p0 =	sne.s32 s1, s6  }
0xa8: {  	s6 =	sshll.u32 @p0 s6, $0xE  }
0xa9: {  	s6 =	sadd.s32 @p0 $0x11B8D, s6;
	s7 =	sshll.u32 @p0 s5, $0x11  }
0xaa: {  	s6 =	sor.u32 @p0 s7, s6  }
0xab: {  	[sflag:s6] =	ssyncadd.remote.s32 @p0 $0x1;
	_ =	sdelay $0x1  }
0xac: {  	s6 =	simm.s32 @p0 $0x1B8D  }
0xad: {  	_ =	swait.eq @p0 [sflag:s6], $0x1  }
0xae: {  	[sflag:s6] =	ssyncadd.s32 @p0 $0xFFFFFFFF  }
0xaf: {  	s7 =	sshll.u32 @!p0 s1, $0xE  }
0xb0: {  	s7 =	sor.u32 @!p0 $0x4000, s7;
	s6 =	simm.s32 @!p0 $0x1B8D  }
0xb1: {  	s5 =	sshll.u32 @!p0 s5, $0x11;
	s7 =	sadd.s32 @!p0 $0x11B8D, s7;
	_ =	swait.eq @!p0 [sflag:s6], $0x1  }
0xb2: {  	s5 =	sor.u32 @!p0 s5, s7;
	[sflag:s6] =	ssyncadd.s32 @!p0 $0xFFFFFFFF  }
0xb3: {  	s25 =	simm.s32 $0x1B8E;
	s24 =	sld [smem:$0x3FFE];
	[sflag:s5] =	ssyncadd.remote.s32 @!p0 $0x1  }
0xb4: {  	s26 =	simm.s32 $execute0_lowered;
	[smem:$0x3FD2] =	sst s25  }
0xb5: {  	s6 =	sshll.u32 s26, $0x1;
	_ =	strace $0x80000049;
	[dreg:$0x1] =	wrdreg $0xFFFFFFFF  }
0xb6: {  	s28 =	simm.s32 $_size_execute0_lowered;
	s4 =	sadd.s32 s4, s6;
	[dreg:$0x0] =	wrdreg $0x0  }
0xb7: {  	s6 =	sshll.u32 s28, $0x1;
	[dreg:$0x2] =	wrdreg s4  }
0xb8: {  	[dreg:$0x3] =	wrdreg s6  }
0xb9: {  	[dreg:$0x4] =	wrdreg $0xC0  }
0xba: {  	_ =	task [dreg:s22], $0x5FFFF  }
0xbb: {  	[dreg:$0x1] =	wrdreg $0xFFFFFFFF  }
0xbc: {  	[dreg:$0x0] =	wrdreg $0x60  }
0xbd: {  	[dreg:$0x2] =	wrdreg s18  }
0xbe: {  	[dreg:$0x3] =	wrdreg s24  }
0xbf: {  	[dreg:$0x4] =	wrdreg $0xA  }
0xc0: {  	_ =	task.clear_ibuf [dreg:s22], $0x5FFFF;
	_ =	strace $0x90000049  }
0xc1: {  	s29 =	simm.s32 $0xA;
	_ =	strace $0x8000004B  }
0xc2: {  	_ =	swait.ge [sflag:s29], $0x1  }
0xc3: {  	[sflag:s29] =	ssyncadd.s32 $0xFFFFFFFF  }
0xc4: {  	_ =	strace $0x9000004B  }
0xc5: {  	_ =	sfence  }
0xc6: {  	s30 =	sld [smem:$0x0];
	_ =	sdelay $0x2  }
0xc7: {  	s31 =	sshll.u32 s1, $0xD;
	s1 =	sshrl.u32 s1, $0x2  }
0xc8: {  	s4 =	sand.u32 $0x4000, s31;
	s1 =	sadd.s32 s1, s30  }
0xc9: {  	s0 =	sor.u32 s4, s0;
	s1 =	sshll.u32 s1, $0x11  }
0xca: {  	s0 =	sor.u32 s1, s0  }
0xcb: {  	s0 =	sadd.s32 $0x8F2B, s0  }
0xcc: {  	[sflag:s0] =	ssyncadd.remote.s32 $0x1  }
0xcd: {  	_ =	sfence.sel $0xFFFF  }
0xce: {  	[dreg:$0x0] =	wrdreg $0xFFFFFFFF;
	(pc) =	sbr.abs _section_cstart, $3  }
0xcf: {  	[dreg:$0x1] =	wrdreg $0xFFFFFFFF  }
0xd0: {  	_ =	task.clear_ibuf [dreg:s22], $0x2FFFF;
	_ =	strace $0x9FFFFFFF  }
0xd1: {  	(tm) =	ssettm $0x7FFFFFFF  }
tec
execute0_lowered:
.L_overlay_start_1:
0x0: {  	(tag) =	ssettag $0x1  }
0x1: {  	s0 =	srdreg.scid;
	s2 =	rddreg [dreg:$0x0]  }
0x2: {  	s1 =	stileid.u32;
	s4 =	rddreg [dreg:$0x1]  }
0x3: {  	s3 =	simm.s32 $0x0;
	s6 =	simm.s32 $0x1;
	s15 =	simm.s32 $0x3  }
0x4: {  	s16 =	simm.s32 $0x2;
	s17 =	simm.s32 $0x4;
	s19 =	simm.s32 $0x900  }
0x5: {  	s20 =	simm.s32 $0x1100;
	s21 =	simm.s32 $0x1900;
	s28 =	simm.s32 $0x4100  }
0x6: {  	s29 =	simm.s32 $0x4900;
	s30 =	simm.s32 $0x5100;
	s31 =	simm.s32 $0x5900  }
0x7: {  	s8 =	simm.s32 $0x7100;
	s9 =	simm.s32 $0x7900;
	s14 =	simm.s32 $0x8100  }
0x8: {  	s10 =	simm.s32 $0x8900;
	s0 =	sand.u32 $0x1, s0;
	s1 =	sshll.u32 s1, $0x1  }
0x9: {  	s11 =	simm.s32 $0x9100;
	s12 =	simm.s32 $0x9900;
	s1 =	sor.u32 s0, s1  }
0xa: {  	s13 =	simm.s32 $0xA100;
	[smem:$0x7FF] =	sst s3;
	s5 =	sshll.u32 s1, $0x5  }
0xb: {  	_ =	strace $0x8000004A;
	s1 =	sshll.u32 s1, $0xE;
	s5 =	sadd.s32 s5, s4  }
0xc: {  	s0 =	ssub.s32 $0x2, s0;
	s1 =	sadd.s32 s1, s4;
	s22 =	sadd.s32 $0x5400, s5  }
0xd: {  	s24 =	sshrl.u32 s0, $0x1;
	s23 =	sadd.s32 $0x6000, s1;
	[dreg:$0x3] =	wrdreg s22  }
0xe: {  	s0 =	ssub.s32 s0, s24;
	s25 =	sadd.s32 $0x7000, s1;
	[dreg:$0x4] =	wrdreg s23  }
0xf: {  	s4 =	sadd.s32 $0x100, s2;
	s26 =	sadd.s32 $0x8000, s1;
	[dreg:$0x5] =	wrdreg s25  }
0x10: {  	v2 =	vlaneseq.u32;
	s24 =	simm.s32 $0x2900;
	s1 =	sadd.s32 $0x9000, s1;
	[dreg:$0x6] =	wrdreg s26  }
0x11: {  	vm0 =	vmmov $0xffff;
	v1 =	vshrl.u32 v2, $0x3;
	s5 =	smax.u32 s0, $0x1;
	[dreg:$0x7] =	wrdreg s1;
	s22 =	simm.s32 $0x2100  }
0x12: {  	v0 =	vand.u32 $0x7, v2;
	v2 =	vor.u32 $0x8, v2;
	v1 =	vmul.u32 $0x8, v1;
	s25 =	simm.s32 $0x3100;
	s26 =	simm.s32 $0x3900;
	s1 =	simm.s32 $0x6100  }
.LBB2_1:
0x13: {  	s18 =	rddreg [dreg:$0x3];
	s0 =	simm.s32 $0x5  }
0x14: {  	[tilespmem:s3], [sflag:$0x5] =	stream.linear.gather [hbm4b:s18+s3], $0x100, $0x38;
	[tilespmem:$0x10100] =	vst v63  }
0x15: {  	_ =	swait.ge [sflag:s0], $0x100  }
0x16: {  	[sflag:s0] =	ssyncset.done $0x0  }
0x17: {  	[sflag:s0] =	ssyncadd.s32 $0xFFFFFF00  }
0x18: {  	v3 =	vld [tilespmem:$0x0];
	_ =	sdelay $0x4  }
0x19: {  	v4 =	vshll.u32 v3, $0x2  }
0x1a: {  	v3 =	vand.u32 $0x7, v3;
	v4 =	vand.u32 $0xFFFFFFE0, v4  }
0x1b: {  	v3 =	vor.u32 v3, v4  }
0x1c: {  	v4 =	vperm.xlane v3, v0;
	_ =	sdelay $0x1  }
0x1d: {  	v4 =	vadd.s32 v1, v4;
	_ =	sdelay $0x1  }
0x1e: {  	v3 =	vperm.xlane v3, v2;
	_ =	sdelay $0x1  }
0x1f: {  	s18 =	simm.s32 $0x100;
	v3 =	vadd.s32 v1, v3  }
0x20: {  	[tilespmem:s18], [sflag:$0x1] =	stream.indirect_vreg.gather [hbm4b:s2+s3], $0x80, v4, vm0, $0xb8;
	[tilespmem:$0x10100] =	vst v63  }
0x21: {  	_ = 	snop  }
0x22: {  	[tilespmem:s19], [sflag:$0x1] =	stream.indirect_vreg.gather [hbm4b:s4+s3], $0x80, v4, vm0, $0xb8;
	[tilespmem:$0x10100] =	vst v63  }
0x23: {  	_ = 	snop  }
0x24: {  	[tilespmem:s20], [sflag:$0x1] =	stream.indirect_vreg.gather [hbm4b:s2+s3], $0x80, v3, vm0, $0xb8;
	[tilespmem:$0x10100] =	vst v63  }
0x25: {  	_ = 	snop  }
0x26: {  	[tilespmem:s21], [sflag:$0x1] =	stream.indirect_vreg.gather [hbm4b:s4+s3], $0x80, v3, vm0, $0xb8;
	[tilespmem:$0x10100] =	vst v63  }
0x27: {  	v3 =	vld [tilespmem:$0x10];
	_ =	sdelay $0x4  }
0x28: {  	v49 =	vshll.u32 v3, $0x2  }
0x29: {  	v3 =	vand.u32 $0x7, v3;
	v4 =	vand.u32 $0xFFFFFFE0, v49  }
0x2a: {  	v3 =	vor.u32 v3, v4  }
0x2b: {  	v4 =	vperm.xlane v3, v0;
	_ =	sdelay $0x1  }
0x2c: {  	v4 =	vadd.s32 v1, v4;
	_ =	sdelay $0x1  }
0x2d: {  	v3 =	vperm.xlane v3, v2;
	_ =	sdelay $0x1  }
0x2e: {  	v3 =	vadd.s32 v1, v3  }
0x2f: {  	[tilespmem:s22], [sflag:$0x1] =	stream.indirect_vreg.gather [hbm4b:s2+s3], $0x80, v4, vm0, $0xb8;
	[tilespmem:$0x10100] =	vst v63  }
0x30: {  	_ = 	snop  }
0x31: {  	[tilespmem:s24], [sflag:$0x1] =	stream.indirect_vreg.gather [hbm4b:s4+s3], $0x80, v4, vm0, $0xb8;
	[tilespmem:$0x10100] =	vst v63  }
0x32: {  	_ = 	snop  }
0x33: {  	[tilespmem:s25], [sflag:$0x1] =	stream.indirect_vreg.gather [hbm4b:s2+s3], $0x80, v3, vm0, $0xb8;
	[tilespmem:$0x10100] =	vst v63  }
0x34: {  	_ = 	snop  }
0x35: {  	[tilespmem:s26], [sflag:$0x1] =	stream.indirect_vreg.gather [hbm4b:s4+s3], $0x80, v3, vm0, $0xb8;
	[tilespmem:$0x10100] =	vst v63  }
0x36: {  	v3 =	vld [tilespmem:$0x20];
	_ =	sdelay $0x4  }
0x37: {  	v50 =	vshll.u32 v3, $0x2  }
0x38: {  	v3 =	vand.u32 $0x7, v3;
	v4 =	vand.u32 $0xFFFFFFE0, v50  }
0x39: {  	v3 =	vor.u32 v3, v4  }
0x3a: {  	v4 =	vperm.xlane v3, v0;
	_ =	sdelay $0x1  }
0x3b: {  	v4 =	vadd.s32 v1, v4;
	_ =	sdelay $0x1  }
0x3c: {  	v3 =	vperm.xlane v3, v2;
	_ =	sdelay $0x1  }
0x3d: {  	v3 =	vadd.s32 v1, v3  }
0x3e: {  	[tilespmem:s28], [sflag:$0x1] =	stream.indirect_vreg.gather [hbm4b:s2+s3], $0x80, v4, vm0, $0xb8;
	[tilespmem:$0x10100] =	vst v63  }
0x3f: {  	_ = 	snop  }
0x40: {  	[tilespmem:s29], [sflag:$0x1] =	stream.indirect_vreg.gather [hbm4b:s4+s3], $0x80, v4, vm0, $0xb8;
	[tilespmem:$0x10100] =	vst v63  }
0x41: {  	_ = 	snop  }
0x42: {  	[tilespmem:s30], [sflag:$0x1] =	stream.indirect_vreg.gather [hbm4b:s2+s3], $0x80, v3, vm0, $0xb8;
	[tilespmem:$0x10100] =	vst v63  }
0x43: {  	_ = 	snop  }
0x44: {  	[tilespmem:s31], [sflag:$0x1] =	stream.indirect_vreg.gather [hbm4b:s4+s3], $0x80, v3, vm0, $0xb8;
	[tilespmem:$0x10100] =	vst v63  }
0x45: {  	v3 =	vld [tilespmem:$0x30];
	_ =	sdelay $0x4  }
0x46: {  	v51 =	vshll.u32 v3, $0x2  }
0x47: {  	v3 =	vand.u32 $0x7, v3;
	v4 =	vand.u32 $0xFFFFFFE0, v51  }
0x48: {  	v3 =	vor.u32 v3, v4  }
0x49: {  	v4 =	vperm.xlane v3, v0;
	_ =	sdelay $0x1  }
0x4a: {  	v4 =	vadd.s32 v1, v4;
	_ =	sdelay $0x1  }
0x4b: {  	v3 =	vperm.xlane v3, v2;
	_ =	sdelay $0x1  }
0x4c: {  	v3 =	vadd.s32 v1, v3  }
0x4d: {  	[tilespmem:s1], [sflag:$0x1] =	stream.indirect_vreg.gather [hbm4b:s2+s3], $0x80, v4, vm0, $0xb8;
	[tilespmem:$0x10100] =	vst v63  }
0x4e: {  	s0 =	simm.s32 $0x6900  }
0x4f: {  	[tilespmem:s0], [sflag:$0x1] =	stream.indirect_vreg.gather [hbm4b:s4+s3], $0x80, v4, vm0, $0xb8;
	[tilespmem:$0x10100] =	vst v63  }
0x50: {  	_ = 	snop  }
0x51: {  	[tilespmem:s8], [sflag:$0x1] =	stream.indirect_vreg.gather [hbm4b:s2+s3], $0x80, v3, vm0, $0xb8;
	[tilespmem:$0x10100] =	vst v63  }
0x52: {  	_ = 	snop  }
0x53: {  	[tilespmem:s9], [sflag:$0x1] =	stream.indirect_vreg.gather [hbm4b:s4+s3], $0x80, v3, vm0, $0xb8;
	[tilespmem:$0x10100] =	vst v63  }
0x54: {  	v3 =	vld [tilespmem:$0x40];
	_ =	sdelay $0x4  }
0x55: {  	v52 =	vshll.u32 v3, $0x2  }
0x56: {  	v3 =	vand.u32 $0x7, v3;
	v4 =	vand.u32 $0xFFFFFFE0, v52  }
0x57: {  	v3 =	vor.u32 v3, v4  }
0x58: {  	v4 =	vperm.xlane v3, v0;
	_ =	sdelay $0x1  }
0x59: {  	v4 =	vadd.s32 v1, v4;
	_ =	sdelay $0x1  }
0x5a: {  	v3 =	vperm.xlane v3, v2;
	_ =	sdelay $0x1  }
0x5b: {  	v3 =	vadd.s32 v1, v3  }
0x5c: {  	[tilespmem:s14], [sflag:$0x2] =	stream.indirect_vreg.gather [hbm4b:s2+s3], $0x80, v4, vm0, $0xb8;
	[tilespmem:$0x10100] =	vst v63  }
0x5d: {  	_ = 	snop  }
0x5e: {  	[tilespmem:s10], [sflag:$0x2] =	stream.indirect_vreg.gather [hbm4b:s4+s3], $0x80, v4, vm0, $0xb8;
	[tilespmem:$0x10100] =	vst v63  }
0x5f: {  	_ = 	snop  }
0x60: {  	[tilespmem:s11], [sflag:$0x2] =	stream.indirect_vreg.gather [hbm4b:s2+s3], $0x80, v3, vm0, $0xb8;
	[tilespmem:$0x10100] =	vst v63  }
0x61: {  	_ = 	snop  }
0x62: {  	[tilespmem:s12], [sflag:$0x2] =	stream.indirect_vreg.gather [hbm4b:s4+s3], $0x80, v3, vm0, $0xb8;
	[tilespmem:$0x10100] =	vst v63  }
0x63: {  	v3 =	vld [tilespmem:$0x50];
	_ =	sdelay $0x4  }
0x64: {  	v53 =	vshll.u32 v3, $0x2  }
0x65: {  	v3 =	vand.u32 $0x7, v3;
	v4 =	vand.u32 $0xFFFFFFE0, v53  }
0x66: {  	v3 =	vor.u32 v3, v4  }
0x67: {  	v4 =	vperm.xlane v3, v0;
	_ =	sdelay $0x1  }
0x68: {  	v4 =	vadd.s32 v1, v4;
	_ =	sdelay $0x1  }
0x69: {  	v3 =	vperm.xlane v3, v2;
	_ =	sdelay $0x1  }
0x6a: {  	v3 =	vadd.s32 v1, v3  }
0x6b: {  	[tilespmem:s13], [sflag:$0x2] =	stream.indirect_vreg.gather [hbm4b:s2+s3], $0x80, v4, vm0, $0xb8;
	[tilespmem:$0x10100] =	vst v63  }
0x6c: {  	s7 =	simm.s32 $0xA900  }
0x6d: {  	[tilespmem:s7], [sflag:$0x2] =	stream.indirect_vreg.gather [hbm4b:s4+s3], $0x80, v4, vm0, $0xb8;
	[tilespmem:$0x10100] =	vst v63  }
0x6e: {  	s7 =	simm.s32 $0xB100  }
0x6f: {  	[tilespmem:s7], [sflag:$0x2] =	stream.indirect_vreg.gather [hbm4b:s2+s3], $0x80, v3, vm0, $0xb8;
	[tilespmem:$0x10100] =	vst v63  }
0x70: {  	s23 =	simm.s32 $0xB900  }
0x71: {  	[tilespmem:s23], [sflag:$0x2] =	stream.indirect_vreg.gather [hbm4b:s4+s3], $0x80, v3, vm0, $0xb8;
	[tilespmem:$0x10100] =	vst v63  }
0x72: {  	v3 =	vld [tilespmem:$0x60];
	_ =	sdelay $0x4  }
0x73: {  	v54 =	vshll.u32 v3, $0x2  }
0x74: {  	v3 =	vand.u32 $0x7, v3;
	v4 =	vand.u32 $0xFFFFFFE0, v54  }
0x75: {  	v3 =	vor.u32 v3, v4  }
0x76: {  	v4 =	vperm.xlane v3, v0;
	_ =	sdelay $0x1  }
0x77: {  	v4 =	vadd.s32 v1, v4;
	_ =	sdelay $0x1  }
0x78: {  	v3 =	vperm.xlane v3, v2;
	_ =	sdelay $0x1  }
0x79: {  	s23 =	simm.s32 $0xC100;
	v3 =	vadd.s32 v1, v3  }
0x7a: {  	[tilespmem:s23], [sflag:$0x2] =	stream.indirect_vreg.gather [hbm4b:s2+s3], $0x80, v4, vm0, $0xb8;
	[tilespmem:$0x10100] =	vst v63  }
0x7b: {  	s23 =	simm.s32 $0xC900  }
0x7c: {  	[tilespmem:s23], [sflag:$0x2] =	stream.indirect_vreg.gather [hbm4b:s4+s3], $0x80, v4, vm0, $0xb8;
	[tilespmem:$0x10100] =	vst v63  }
0x7d: {  	s23 =	simm.s32 $0xD100  }
0x7e: {  	[tilespmem:s23], [sflag:$0x2] =	stream.indirect_vreg.gather [hbm4b:s2+s3], $0x80, v3, vm0, $0xb8;
	[tilespmem:$0x10100] =	vst v63  }
0x7f: {  	s23 =	simm.s32 $0xD900  }
0x80: {  	[tilespmem:s23], [sflag:$0x2] =	stream.indirect_vreg.gather [hbm4b:s4+s3], $0x80, v3, vm0, $0xb8;
	[tilespmem:$0x10100] =	vst v63  }
0x81: {  	v3 =	vld [tilespmem:$0x70];
	_ =	sdelay $0x4  }
0x82: {  	v55 =	vshll.u32 v3, $0x2  }
0x83: {  	v3 =	vand.u32 $0x7, v3;
	v4 =	vand.u32 $0xFFFFFFE0, v55  }
0x84: {  	v3 =	vor.u32 v3, v4  }
0x85: {  	v4 =	vperm.xlane v3, v0;
	_ =	sdelay $0x1  }
0x86: {  	v4 =	vadd.s32 v1, v4;
	_ =	sdelay $0x1  }
0x87: {  	v3 =	vperm.xlane v3, v2;
	_ =	sdelay $0x1  }
0x88: {  	s23 =	simm.s32 $0xE100;
	v3 =	vadd.s32 v1, v3  }
0x89: {  	[tilespmem:s23], [sflag:$0x2] =	stream.indirect_vreg.gather [hbm4b:s2+s3], $0x80, v4, vm0, $0xb8;
	[tilespmem:$0x10100] =	vst v63  }
0x8a: {  	s23 =	simm.s32 $0xE900  }
0x8b: {  	[tilespmem:s23], [sflag:$0x2] =	stream.indirect_vreg.gather [hbm4b:s4+s3], $0x80, v4, vm0, $0xb8;
	[tilespmem:$0x10100] =	vst v63  }
0x8c: {  	s23 =	simm.s32 $0xF100  }
0x8d: {  	[tilespmem:s23], [sflag:$0x2] =	stream.indirect_vreg.gather [hbm4b:s2+s3], $0x80, v3, vm0, $0xb8;
	[tilespmem:$0x10100] =	vst v63  }
0x8e: {  	s23 =	simm.s32 $0xF900  }
0x8f: {  	[tilespmem:s23], [sflag:$0x2] =	stream.indirect_vreg.gather [hbm4b:s4+s3], $0x80, v3, vm0, $0xb8;
	[tilespmem:$0x10100] =	vst v63  }
0x90: {  	_ =	swait.ge [sflag:s6], $0x8000  }
0x91: {  	[sflag:s6] =	ssyncset.done $0x0  }
0x92: {  	s23 =	simm.s32 $0x100;
	s18 =	rddreg [dreg:$0x4];
	[sflag:s6] =	ssyncadd.s32 $0xFFFF8000  }
0x93: {  	[hbm4b:s18+s3] =	stream.linear.scatter [tilespmem:s23], [sflag:$0x3], $0x8000, $0x38;
	[tilespmem:$0x10100] =	vst v63  }
0x94: {  	_ =	swait.ge [sflag:s15], $0x8000  }
0x95: {  	[sflag:s15] =	ssyncset.done $0x0  }
0x96: {  	[sflag:s15] =	ssyncadd.s32 $0xFFFF8000  }
0x97: {  	v3 =	vld [tilespmem:$0x80];
	_ =	sdelay $0x4  }
0x98: {  	v56 =	vshll.u32 v3, $0x2  }
0x99: {  	v3 =	vand.u32 $0x7, v3;
	v4 =	vand.u32 $0xFFFFFFE0, v56  }
0x9a: {  	v3 =	vor.u32 v3, v4  }
0x9b: {  	v4 =	vperm.xlane v3, v0;
	_ =	sdelay $0x1  }
0x9c: {  	v4 =	vadd.s32 v1, v4;
	_ =	sdelay $0x1  }
0x9d: {  	v3 =	vperm.xlane v3, v2;
	_ =	sdelay $0x1  }
0x9e: {  	v3 =	vadd.s32 v1, v3  }
0x9f: {  	[tilespmem:s23], [sflag:$0x1] =	stream.indirect_vreg.gather [hbm4b:s2+s3], $0x80, v4, vm0, $0xb8;
	[tilespmem:$0x10100] =	vst v63  }
0xa0: {  	_ = 	snop  }
0xa1: {  	[tilespmem:s19], [sflag:$0x1] =	stream.indirect_vreg.gather [hbm4b:s4+s3], $0x80, v4, vm0, $0xb8;
	[tilespmem:$0x10100] =	vst v63  }
0xa2: {  	_ = 	snop  }
0xa3: {  	[tilespmem:s20], [sflag:$0x1] =	stream.indirect_vreg.gather [hbm4b:s2+s3], $0x80, v3, vm0, $0xb8;
	[tilespmem:$0x10100] =	vst v63  }
0xa4: {  	_ = 	snop  }
0xa5: {  	[tilespmem:s21], [sflag:$0x1] =	stream.indirect_vreg.gather [hbm4b:s4+s3], $0x80, v3, vm0, $0xb8;
	[tilespmem:$0x10100] =	vst v63  }
0xa6: {  	v3 =	vld [tilespmem:$0x90];
	_ =	sdelay $0x4  }
0xa7: {  	v57 =	vshll.u32 v3, $0x2  }
0xa8: {  	v3 =	vand.u32 $0x7, v3;
	v4 =	vand.u32 $0xFFFFFFE0, v57  }
0xa9: {  	v3 =	vor.u32 v3, v4  }
0xaa: {  	v4 =	vperm.xlane v3, v0;
	_ =	sdelay $0x1  }
0xab: {  	v4 =	vadd.s32 v1, v4;
	_ =	sdelay $0x1  }
0xac: {  	v3 =	vperm.xlane v3, v2;
	_ =	sdelay $0x1  }
0xad: {  	v3 =	vadd.s32 v1, v3  }
0xae: {  	[tilespmem:s22], [sflag:$0x1] =	stream.indirect_vreg.gather [hbm4b:s2+s3], $0x80, v4, vm0, $0xb8;
	[tilespmem:$0x10100] =	vst v63  }
0xaf: {  	_ = 	snop  }
0xb0: {  	[tilespmem:s24], [sflag:$0x1] =	stream.indirect_vreg.gather [hbm4b:s4+s3], $0x80, v4, vm0, $0xb8;
	[tilespmem:$0x10100] =	vst v63  }
0xb1: {  	_ = 	snop  }
0xb2: {  	[tilespmem:s25], [sflag:$0x1] =	stream.indirect_vreg.gather [hbm4b:s2+s3], $0x80, v3, vm0, $0xb8;
	[tilespmem:$0x10100] =	vst v63  }
0xb3: {  	_ = 	snop  }
0xb4: {  	[tilespmem:s26], [sflag:$0x1] =	stream.indirect_vreg.gather [hbm4b:s4+s3], $0x80, v3, vm0, $0xb8;
	[tilespmem:$0x10100] =	vst v63  }
0xb5: {  	v3 =	vld [tilespmem:$0xA0];
	_ =	sdelay $0x4  }
0xb6: {  	v58 =	vshll.u32 v3, $0x2  }
0xb7: {  	v3 =	vand.u32 $0x7, v3;
	v4 =	vand.u32 $0xFFFFFFE0, v58  }
0xb8: {  	v3 =	vor.u32 v3, v4  }
0xb9: {  	v4 =	vperm.xlane v3, v0;
	_ =	sdelay $0x1  }
0xba: {  	v4 =	vadd.s32 v1, v4;
	_ =	sdelay $0x1  }
0xbb: {  	v3 =	vperm.xlane v3, v2;
	_ =	sdelay $0x1  }
0xbc: {  	v3 =	vadd.s32 v1, v3  }
0xbd: {  	[tilespmem:s28], [sflag:$0x1] =	stream.indirect_vreg.gather [hbm4b:s2+s3], $0x80, v4, vm0, $0xb8;
	[tilespmem:$0x10100] =	vst v63  }
0xbe: {  	_ = 	snop  }
0xbf: {  	[tilespmem:s29], [sflag:$0x1] =	stream.indirect_vreg.gather [hbm4b:s4+s3], $0x80, v4, vm0, $0xb8;
	[tilespmem:$0x10100] =	vst v63  }
0xc0: {  	_ = 	snop  }
0xc1: {  	[tilespmem:s30], [sflag:$0x1] =	stream.indirect_vreg.gather [hbm4b:s2+s3], $0x80, v3, vm0, $0xb8;
	[tilespmem:$0x10100] =	vst v63  }
0xc2: {  	_ = 	snop  }
0xc3: {  	[tilespmem:s31], [sflag:$0x1] =	stream.indirect_vreg.gather [hbm4b:s4+s3], $0x80, v3, vm0, $0xb8;
	[tilespmem:$0x10100] =	vst v63  }
0xc4: {  	v3 =	vld [tilespmem:$0xB0];
	_ =	sdelay $0x4  }
0xc5: {  	v59 =	vshll.u32 v3, $0x2  }
0xc6: {  	v3 =	vand.u32 $0x7, v3;
	v4 =	vand.u32 $0xFFFFFFE0, v59  }
0xc7: {  	v3 =	vor.u32 v3, v4  }
0xc8: {  	v4 =	vperm.xlane v3, v0;
	_ =	sdelay $0x1  }
0xc9: {  	v4 =	vadd.s32 v1, v4;
	_ =	sdelay $0x1  }
0xca: {  	v3 =	vperm.xlane v3, v2;
	_ =	sdelay $0x1  }
0xcb: {  	v3 =	vadd.s32 v1, v3  }
0xcc: {  	[tilespmem:s1], [sflag:$0x1] =	stream.indirect_vreg.gather [hbm4b:s2+s3], $0x80, v4, vm0, $0xb8;
	[tilespmem:$0x10100] =	vst v63  }
0xcd: {  	_ = 	snop  }
0xce: {  	[tilespmem:s0], [sflag:$0x1] =	stream.indirect_vreg.gather [hbm4b:s4+s3], $0x80, v4, vm0, $0xb8;
	[tilespmem:$0x10100] =	vst v63  }
0xcf: {  	_ = 	snop  }
0xd0: {  	[tilespmem:s8], [sflag:$0x1] =	stream.indirect_vreg.gather [hbm4b:s2+s3], $0x80, v3, vm0, $0xb8;
	[tilespmem:$0x10100] =	vst v63  }
0xd1: {  	_ = 	snop  }
0xd2: {  	[tilespmem:s9], [sflag:$0x1] =	stream.indirect_vreg.gather [hbm4b:s4+s3], $0x80, v3, vm0, $0xb8;
	[tilespmem:$0x10100] =	vst v63  }
0xd3: {  	_ =	swait.ge [sflag:s16], $0x8000  }
0xd4: {  	[sflag:s16] =	ssyncset.done $0x0  }
0xd5: {  	s0 =	rddreg [dreg:$0x5];
	[sflag:s16] =	ssyncadd.s32 $0xFFFF8000  }
0xd6: {  	[hbm4b:s0+s3] =	stream.linear.scatter [tilespmem:s14], [sflag:$0x4], $0x8000, $0x38;
	[tilespmem:$0x10100] =	vst v63  }
0xd7: {  	_ =	swait.ge [sflag:s17], $0x8000  }
0xd8: {  	[sflag:s17] =	ssyncset.done $0x0  }
0xd9: {  	[sflag:s17] =	ssyncadd.s32 $0xFFFF8000  }
0xda: {  	v3 =	vld [tilespmem:$0xC0];
	_ =	sdelay $0x4  }
0xdb: {  	v60 =	vshll.u32 v3, $0x2  }
0xdc: {  	v3 =	vand.u32 $0x7, v3;
	v4 =	vand.u32 $0xFFFFFFE0, v60  }
0xdd: {  	v3 =	vor.u32 v3, v4  }
0xde: {  	v4 =	vperm.xlane v3, v0;
	_ =	sdelay $0x1  }
0xdf: {  	v4 =	vadd.s32 v1, v4;
	_ =	sdelay $0x1  }
0xe0: {  	v3 =	vperm.xlane v3, v2;
	_ =	sdelay $0x1  }
0xe1: {  	v3 =	vadd.s32 v1, v3  }
0xe2: {  	[tilespmem:s14], [sflag:$0x2] =	stream.indirect_vreg.gather [hbm4b:s2+s3], $0x80, v4, vm0, $0xb8;
	[tilespmem:$0x10100] =	vst v63  }
0xe3: {  	_ = 	snop  }
0xe4: {  	[tilespmem:s10], [sflag:$0x2] =	stream.indirect_vreg.gather [hbm4b:s4+s3], $0x80, v4, vm0, $0xb8;
	[tilespmem:$0x10100] =	vst v63  }
0xe5: {  	_ = 	snop  }
0xe6: {  	[tilespmem:s11], [sflag:$0x2] =	stream.indirect_vreg.gather [hbm4b:s2+s3], $0x80, v3, vm0, $0xb8;
	[tilespmem:$0x10100] =	vst v63  }
0xe7: {  	_ = 	snop  }
0xe8: {  	[tilespmem:s12], [sflag:$0x2] =	stream.indirect_vreg.gather [hbm4b:s4+s3], $0x80, v3, vm0, $0xb8;
	[tilespmem:$0x10100] =	vst v63  }
0xe9: {  	v3 =	vld [tilespmem:$0xD0];
	_ =	sdelay $0x4  }
0xea: {  	v61 =	vshll.u32 v3, $0x2  }
0xeb: {  	v3 =	vand.u32 $0x7, v3;
	v4 =	vand.u32 $0xFFFFFFE0, v61  }
0xec: {  	v3 =	vor.u32 v3, v4  }
0xed: {  	v4 =	vperm.xlane v3, v0;
	_ =	sdelay $0x1  }
0xee: {  	v4 =	vadd.s32 v1, v4;
	_ =	sdelay $0x1  }
0xef: {  	v3 =	vperm.xlane v3, v2;
	_ =	sdelay $0x1  }
0xf0: {  	v3 =	vadd.s32 v1, v3  }
0xf1: {  	[tilespmem:s13], [sflag:$0x2] =	stream.indirect_vreg.gather [hbm4b:s2+s3], $0x80, v4, vm0, $0xb8;
	[tilespmem:$0x10100] =	vst v63  }
0xf2: {  	s18 =	simm.s32 $0xA900  }
0xf3: {  	[tilespmem:s18], [sflag:$0x2] =	stream.indirect_vreg.gather [hbm4b:s4+s3], $0x80, v4, vm0, $0xb8;
	[tilespmem:$0x10100] =	vst v63  }
0xf4: {  	_ = 	snop  }
0xf5: {  	[tilespmem:s7], [sflag:$0x2] =	stream.indirect_vreg.gather [hbm4b:s2+s3], $0x80, v3, vm0, $0xb8;
	[tilespmem:$0x10100] =	vst v63  }
0xf6: {  	s18 =	simm.s32 $0xB900  }
0xf7: {  	[tilespmem:s18], [sflag:$0x2] =	stream.indirect_vreg.gather [hbm4b:s4+s3], $0x80, v3, vm0, $0xb8;
	[tilespmem:$0x10100] =	vst v63  }
0xf8: {  	v3 =	vld [tilespmem:$0xE0];
	_ =	sdelay $0x4  }
0xf9: {  	v62 =	vshll.u32 v3, $0x2  }
0xfa: {  	v3 =	vand.u32 $0x7, v3;
	v4 =	vand.u32 $0xFFFFFFE0, v62  }
0xfb: {  	v3 =	vor.u32 v3, v4  }
0xfc: {  	v4 =	vperm.xlane v3, v0;
	_ =	sdelay $0x1  }
0xfd: {  	v4 =	vadd.s32 v1, v4;
	_ =	sdelay $0x1  }
0xfe: {  	v3 =	vperm.xlane v3, v2;
	_ =	sdelay $0x1  }
0xff: {  	s7 =	simm.s32 $0xC100;
	v3 =	vadd.s32 v1, v3  }
0x100: {  	[tilespmem:s7], [sflag:$0x2] =	stream.indirect_vreg.gather [hbm4b:s2+s3], $0x80, v4, vm0, $0xb8;
	[tilespmem:$0x10100] =	vst v63  }
0x101: {  	s18 =	simm.s32 $0xC900  }
0x102: {  	[tilespmem:s18], [sflag:$0x2] =	stream.indirect_vreg.gather [hbm4b:s4+s3], $0x80, v4, vm0, $0xb8;
	[tilespmem:$0x10100] =	vst v63  }
0x103: {  	s7 =	simm.s32 $0xD100  }
0x104: {  	[tilespmem:s7], [sflag:$0x2] =	stream.indirect_vreg.gather [hbm4b:s2+s3], $0x80, v3, vm0, $0xb8;
	[tilespmem:$0x10100] =	vst v63  }
0x105: {  	s18 =	simm.s32 $0xD900  }
0x106: {  	[tilespmem:s18], [sflag:$0x2] =	stream.indirect_vreg.gather [hbm4b:s4+s3], $0x80, v3, vm0, $0xb8;
	[tilespmem:$0x10100] =	vst v63  }
0x107: {  	v3 =	vld [tilespmem:$0xF0];
	_ =	sdelay $0x4  }
0x108: {  	v63 =	vshll.u32 v3, $0x2  }
0x109: {  	v3 =	vand.u32 $0x7, v3;
	v4 =	vand.u32 $0xFFFFFFE0, v63  }
0x10a: {  	v3 =	vor.u32 v3, v4  }
0x10b: {  	v4 =	vperm.xlane v3, v0;
	_ =	sdelay $0x1  }
0x10c: {  	v4 =	vadd.s32 v1, v4;
	_ =	sdelay $0x1  }
0x10d: {  	v3 =	vperm.xlane v3, v2;
	_ =	sdelay $0x1  }
0x10e: {  	s7 =	simm.s32 $0xE100;
	v3 =	vadd.s32 v1, v3  }
0x10f: {  	[tilespmem:s7], [sflag:$0x2] =	stream.indirect_vreg.gather [hbm4b:s2+s3], $0x80, v4, vm0, $0xb8;
	[tilespmem:$0x10100] =	vst v63  }
0x110: {  	s18 =	simm.s32 $0xE900  }
0x111: {  	[tilespmem:s18], [sflag:$0x2] =	stream.indirect_vreg.gather [hbm4b:s4+s3], $0x80, v4, vm0, $0xb8;
	[tilespmem:$0x10100] =	vst v63  }
0x112: {  	s7 =	simm.s32 $0xF100  }
0x113: {  	[tilespmem:s7], [sflag:$0x2] =	stream.indirect_vreg.gather [hbm4b:s2+s3], $0x80, v3, vm0, $0xb8;
	[tilespmem:$0x10100] =	vst v63  }
0x114: {  	s18 =	simm.s32 $0xF900  }
0x115: {  	[tilespmem:s18], [sflag:$0x2] =	stream.indirect_vreg.gather [hbm4b:s4+s3], $0x80, v3, vm0, $0xb8;
	[tilespmem:$0x10100] =	vst v63  }
0x116: {  	_ =	swait.ge [sflag:s6], $0x8000  }
0x117: {  	[sflag:s6] =	ssyncset.done $0x0  }
0x118: {  	s23 =	simm.s32 $0x100;
	s7 =	rddreg [dreg:$0x6];
	[sflag:s6] =	ssyncadd.s32 $0xFFFF8000  }
0x119: {  	[hbm4b:s7+s3] =	stream.linear.scatter [tilespmem:s23], [sflag:$0x3], $0x8000, $0x38;
	[tilespmem:$0x10100] =	vst v63  }
0x11a: {  	_ =	swait.ge [sflag:s16], $0x8000  }
0x11b: {  	[sflag:s16] =	ssyncset.done $0x0  }
0x11c: {  	s23 =	rddreg [dreg:$0x7];
	[sflag:s16] =	ssyncadd.s32 $0xFFFF8000  }
0x11d: {  	[hbm4b:s23+s3] =	stream.linear.scatter [tilespmem:s14], [sflag:$0x4], $0x8000, $0x38;
	[tilespmem:$0x10100] =	vst v63  }
0x11e: {  	p0 =	sne.s32 s5, $0x1;
	_ =	swait.ge [sflag:s17], $0x8000  }
.Ltmp0:
0x11f: {  	[sflag:s17] =	ssyncset.done $0x0;
	(pc) =	sbr.rel @p0 .LBB2_1-.Ltmp0, $4  }
0x120: {  	[sflag:s17] =	ssyncadd.s32 $0xFFFF8000  }
0x121: {  	_ =	swait.ge [sflag:s15], $0x8000  }
0x122: {  	[sflag:s15] =	ssyncset.done $0x0  }
0x123: {  	s5 =	sadd.s32 $0xFFFFFFFF, s5;
	[sflag:s15] =	ssyncadd.s32 $0xFFFF8000  }
0x124: {  	_ =	sfence.sel $0x180000  }
0x125: {  	[bflag:$0x0] =	sbarrier.arrive $0xFFFF  }
0x126: {  	_ =	strace $0x9000004A  }
0x127: {  	s0 =	stileid.u32;
	[bflag:$0x2] =	sbarrier.arrive $0xFFFF  }
0x128: {  	p0 =	sne.s32 s0, $0x0;
	s0 =	rddreg [dreg:$0x2]  }
0x129: {  	s0 =	sadd.s32 @!p0 $0x100000, s0  }
0x12a: {  	[sflag:s0] =	ssyncadd.tile.s32 @!p0 $0x1;
	_ =	shalt  }
.Lfunc_end2:
_tile_overlayer_lowered:
.L_overlay_start_2:
0x12b: {  	(tag) =	ssettag $0x2  }
0x12c: {  	s0 =	rddreg [dreg:$0x0];
	s2 =	stileid.u32  }
0x12d: {  	s1 =	rddreg [dreg:$0x1];
	p0 =	sne.s32 s2, $0x0  }
0x12e: {  	s3 =	rddreg [dreg:$0x2];
	[bflag:$0x3] =	sbarrier.arrive $0xFFFF;
	s2 =	simm.s32 @!p0 $0x1C05  }
0x12f: {  	[timem:s3], [sflag:s2] =	dma.local @!p0 [hbm:s0], s1  }
0x130: {  	s0 =	simm.s32 @!p0 $0x5  }
0x131: {  	_ =	swait.ge @!p0 [sflag:s0], s1  }
0x132: {  	s1 =	ssub.s32 @!p0 $0x0, s1;
	[sflag:s0] =	ssyncset.done @!p0 $0x0  }
0x133: {  	[sflag:s0] =	ssyncadd.s32 @!p0 s1  }
0x134: {  	[bflag:$0x3] =	sbarrier.arrive $0xFFFF  }
0x135: {  	_ =	shalt  }

// kernel: kernel.18.cloned.1.call-start
scs
__scs_entry_jumppad:
0x0: {  	(pc) =	sbr.rel $0x88, $3  }
0x1: {  	(tag) =	ssettag $0x0;
	lr =	simm.s32 $0x1  }
0x2: {  	[smem:$0x3F99] =	sst lr;
	_ =	strace $0xD0000000  }
0x3: {  	_ = 	snop  }
0x4: {  	_ = 	snop  }
0x5: {  	_ = 	snop  }
0x6: {  	_ = 	snop  }
0x7: {  	_ = 	snop  }
__scs_overlays_trampoline_lowered:
0x8: {  	[smem:$0x3FA8] =	sst s0  }
0x9: {  	[smem:$0x3FA9] =	sst s1  }
0xa: {  	[smem:$0x3FAA] =	sst s2  }
0xb: {  	[smem:$0x3FAB] =	sst s3  }
0xc: {  	[smem:$0x3FAC] =	sst s4  }
0xd: {  	[smem:$0x3FAD] =	sst s5  }
0xe: {  	[smem:$0x3FAE] =	sst s6  }
0xf: {  	[smem:$0x3FAF] =	sst s7  }
0x10: {  	[smem:$0x3FB0] =	sst s8  }
0x11: {  	[smem:$0x3FB1] =	sst s9;
	s0 =	simm.s32 @!p0 $0x0  }
0x12: {  	s1 =	sld [smem:$0x3F97];
	s0 =	simm.s32 @p0 $0x1  }
0x13: {  	[smem:$0x3FB2] =	sst s0;
	s0 =	simm.s32 @!p1 $0x0  }
0x14: {  	s2 =	sld [smem:$0x3F96];
	s0 =	simm.s32 @p1 $0x1  }
0x15: {  	[smem:$0x3FB3] =	sst s0;
	s0 =	simm.s32 @!p2 $0x0  }
0x16: {  	s3 =	sld [smem:$0x3FDB];
	s0 =	simm.s32 @p2 $0x1  }
0x17: {  	s4 =	simm.s32 $0x1BF5;
	[smem:$0x3FB5] =	sst s0  }
0x18: {  	s0 =	sld [smem:$0x3F98];
	_ =	swait.ge [sflag:s4], $0x0  }
0x19: {  	s7 =	sld [smem:$0x3F99]  }
0x1a: {  	s8 =	sadd.s32 $0xFFFFE003, lr  }
0x1b: {  	s9 =	sadd.s32 $0xFFFFFEF7, lr;
	s5 =	simm.s32 $0xFFFFFFFF;
	p2 =	slt.u32 s8, $0xFFFFF086  }
0x1c: {  	p1 =	slt.u32 s9, $0xF7A;
	s5 =	simm.s32 @!p2 $0x0  }
0x1d: {  	s5 =	simm.s32 @p1 $0x1;
	p0 =	seq.s32 s7, s2  }
0x1e: {  	s7 =	smul.u32 @!p0 $0xF7A, s2;
	p2 =	seq.s32 @!p0 s5, $0x0  }
0x1f: {  	s9 =	smul.u32 $0xF7A, s1;
	s8 =	simm.s32 @!p0 $0x1BF5;
	p2 =	por !p2, p0  }
0x20: {  	[sflag:s8] =	ssyncset.s32 @!p0 $0xFFFFF086;
	s6 =	sadd.s32 @!p0 s3, s7;
	s7 =	simm.s32 @!p0 $0x108  }
0x21: {  	s3 =	sadd.s32 s3, s9;
	s6 =	sadd.s32 @!p0 $0x88, s6;
	s7 =	simm.s32 @p2 $0x1082  }
0x22: {  	[simem:s7], [sflag:s8] =	dma.local @!p0 [hbm:s6], $0xF7A  }
0x23: {  	s9 =	sor.u32 $0xD0000000, s2;
	s6 =	simm.s32 $0x108;
	_ =	swait.ge @!p0 [sflag:s8], $0x0  }
0x24: {  	s3 =	sadd.s32 $0x88, s3;
	s6 =	simm.s32 @!p1 $0x1082;
	[sflag:s4] =	ssyncset.s32 $0xFFFFF086  }
0x25: {  	[simem:s6], [sflag:s4] =	dma.local [hbm:s3], $0xF7A  }
0x26: {  	[smem:$0x3F99] =	sst s1;
	(tag) =	ssettag s2;
	_ =	strace s9  }
0x27: {  	s1 =	sld [smem:$0x3FA9]  }
0x28: {  	s2 =	sld [smem:$0x3FAA]  }
0x29: {  	s4 =	sld [smem:$0x3FAC]  }
0x2a: {  	p0 =	seq.s32 s5, $0x0;
	s5 =	sld [smem:$0x3FAD]  }
0x2b: {  	s6 =	sld [smem:$0x3FAE]  }
0x2c: {  	s7 =	sld [smem:$0x3FAF]  }
0x2d: {  	s3 =	simm.s32 $0x108;
	s8 =	sld [smem:$0x3FB0]  }
0x2e: {  	s3 =	simm.s32 @!p0 $0x1082;
	s9 =	sld [smem:$0x3FB1]  }
0x2f: {  	lr =	sadd.s32 s0, s3;
	s0 =	sld [smem:$0x3FA8]  }
0x30: {  	s3 =	sld [smem:$0x3FAB]  }
0x31: {  	[smem:$0x3FB4] =	sst s10  }
0x32: {  	s10 =	sld [smem:$0x3FB2];
	_ =	sdelay $0x3  }
0x33: {  	p0 =	seq.s32 s10, $0x1;
	s10 =	sld [smem:$0x3FB4];
	_ =	sdelay $0x3  }
0x34: {  	[smem:$0x3FB4] =	sst s10  }
0x35: {  	s10 =	sld [smem:$0x3FB3];
	_ =	sdelay $0x3  }
0x36: {  	p1 =	seq.s32 s10, $0x1;
	s10 =	sld [smem:$0x3FB4];
	_ =	sdelay $0x3  }
0x37: {  	[smem:$0x3FB4] =	sst s10  }
0x38: {  	s10 =	sld [smem:$0x3FB5]  }
0x39: {  	_ = 	snop;
	(pc) =	sbr.ind lr, $3  }
0x3a: {  	_ = 	snop  }
0x3b: {  	_ = 	snop  }
0x3c: {  	p2 =	seq.s32 s10, $0x1;
	s10 =	sld [smem:$0x3FB4]  }
0x3d: {  	_ =	shalt  }
0x3e: {  	_ =	shalt  }
0x3f: {  	_ =	shalt  }
0x40: {  	_ =	shalt  }
0x41: {  	_ =	shalt  }
0x42: {  	_ =	shalt  }
0x43: {  	_ =	shalt  }
0x44: {  	_ =	shalt  }
0x45: {  	_ =	shalt  }
0x46: {  	_ =	shalt  }
0x47: {  	_ =	shalt  }
0x48: {  	_ =	shalt  }
0x49: {  	_ =	shalt  }
0x4a: {  	_ =	shalt  }
0x4b: {  	_ =	shalt  }
0x4c: {  	_ =	shalt  }
0x4d: {  	_ =	shalt  }
0x4e: {  	_ =	shalt  }
0x4f: {  	_ =	shalt  }
0x50: {  	_ =	shalt  }
0x51: {  	_ =	shalt  }
0x52: {  	_ =	shalt  }
0x53: {  	_ =	shalt  }
0x54: {  	_ =	shalt  }
0x55: {  	_ =	shalt  }
0x56: {  	_ =	shalt  }
0x57: {  	_ =	shalt  }
0x58: {  	_ =	shalt  }
0x59: {  	_ =	shalt  }
0x5a: {  	_ =	shalt  }
0x5b: {  	_ =	shalt  }
0x5c: {  	_ =	shalt  }
0x5d: {  	_ =	shalt  }
0x5e: {  	_ =	shalt  }
0x5f: {  	_ =	shalt  }
0x60: {  	_ =	shalt  }
0x61: {  	_ =	shalt  }
0x62: {  	_ =	shalt  }
0x63: {  	_ =	shalt  }
0x64: {  	_ =	shalt  }
0x65: {  	_ =	shalt  }
0x66: {  	_ =	shalt  }
0x67: {  	_ =	shalt  }
0x68: {  	_ =	shalt  }
0x69: {  	_ =	shalt  }
0x6a: {  	_ =	shalt  }
0x6b: {  	_ =	shalt  }
0x6c: {  	_ =	shalt  }
0x6d: {  	_ =	shalt  }
0x6e: {  	_ =	shalt  }
0x6f: {  	_ =	shalt  }
0x70: {  	_ =	shalt  }
0x71: {  	_ =	shalt  }
0x72: {  	_ =	shalt  }
0x73: {  	_ =	shalt  }
0x74: {  	_ =	shalt  }
0x75: {  	_ =	shalt  }
0x76: {  	_ =	shalt  }
0x77: {  	_ =	shalt  }
0x78: {  	_ =	shalt  }
0x79: {  	_ =	shalt  }
0x7a: {  	_ =	shalt  }
0x7b: {  	_ =	shalt  }
0x7c: {  	_ =	shalt  }
0x7d: {  	_ =	shalt  }
0x7e: {  	_ =	shalt  }
0x7f: {  	_ =	shalt  }
0x80: {  	_ =	shalt  }
0x81: {  	_ =	shalt  }
0x82: {  	_ =	shalt  }
0x83: {  	_ =	shalt  }
0x84: {  	_ =	shalt  }
0x85: {  	_ =	shalt  }
0x86: {  	_ =	shalt  }
0x87: {  	_ =	shalt  }
.Lfunc_end0:
.L_simem_size_0:
called_computation.2_lowered:
.L_overlay_start_0:
0x88: {  	s2 =	sld [smem:$0x3FD9]  }
0x89: {  	s3 =	sld [smem:$0x3FFE];
	_ =	sdelay $0x1  }
0x8a: {  	s1 =	srdreg.scid  }
0x8b: {  	s0 =	sand.u32 $0x1, s1  }
0x8c: {  	s17 =	sshll.u32 s0, $0xA;
	s2 =	sadd.s32 s3, s2  }
0x8d: {  	s2 =	sadd.s32 s2, s17  }
0x8e: {  	[smem:$0x3FC0] =	sst s2  }
0x8f: {  	_ = 	snop  }
0x90: {  	s18 =	sld [smem:$0x3FC9];
	(tm) =	ssettm $0x1  }
0x91: {  	s19 =	sld [smem:$0x3FFB];
	_ =	sdelay $0x3  }
0x92: {  	_ =	strace s19  }
0x93: {  	s2 =	sld [smem:$0x3FFC];
	_ =	sdelay $0x3  }
0x94: {  	_ =	strace s2  }
0x95: {  	s2 =	sld [smem:$0x3FFD];
	_ =	sdelay $0x3  }
0x96: {  	_ =	strace s2  }
0x97: {  	_ =	strace $0x8FFFFFFF  }
0x98: {  	s20 =	sld [smem:$0x3FDB];
	_ =	sdelay $0x1  }
0x99: {  	s4 =	simm.s32 $_scs_section_size  }
0x9a: {  	s5 =	simm.s32 $_size__tile_overlayer_lowered;
	s6 =	simm.s32 $_tile_overlayer_lowered  }
0x9b: {  	s7 =	simm.s32 $0x1BFF;
	s21 =	sshll.u32 s6, $0x1;
	s4 =	sadd.s32 s4, s20  }
0x9c: {  	s22 =	simm.s32 $0x0;
	s5 =	sshll.u32 s5, $0x1;
	s6 =	sadd.s32 s21, s4  }
0x9d: {  	[timem:s22], [sflag:s7] =	dma.local [hbm:s6], s5  }
0x9e: {  	_ =	swait.ge [sflag:s7], s5  }
0x9f: {  	s5 =	ssub.s32 $0x0, s5;
	[sflag:s7] =	ssyncset.done $0x0  }
0xa0: {  	[sflag:s7] =	ssyncadd.s32 s5;
	_ =	sdelay $0x1  }
0xa1: {  	s23 =	simm.s32 $0x1B8B  }
0xa2: {  	_ =	swait.ge [sflag:s23], $0x1  }
0xa3: {  	[sflag:s23] =	ssyncset.done $0x0  }
0xa4: {  	[sflag:s23] =	ssyncadd.s32 $0xFFFFFFFF  }
0xa5: {  	s5 =	sld [smem:$0x0]  }
0xa6: {  	s6 =	sand.u32 $0xFFFFFFFE, s1  }
0xa7: {  	p0 =	sne.s32 s1, s6  }
0xa8: {  	s6 =	sshll.u32 @p0 s6, $0xE  }
0xa9: {  	s6 =	sadd.s32 @p0 $0x11B8D, s6;
	s7 =	sshll.u32 @p0 s5, $0x11  }
0xaa: {  	s6 =	sor.u32 @p0 s7, s6  }
0xab: {  	[sflag:s6] =	ssyncadd.remote.s32 @p0 $0x1;
	_ =	sdelay $0x1  }
0xac: {  	s6 =	simm.s32 @p0 $0x1B8D  }
0xad: {  	_ =	swait.eq @p0 [sflag:s6], $0x1  }
0xae: {  	[sflag:s6] =	ssyncadd.s32 @p0 $0xFFFFFFFF  }
0xaf: {  	s7 =	sshll.u32 @!p0 s1, $0xE  }
0xb0: {  	s7 =	sor.u32 @!p0 $0x4000, s7;
	s6 =	simm.s32 @!p0 $0x1B8D  }
0xb1: {  	s5 =	sshll.u32 @!p0 s5, $0x11;
	s7 =	sadd.s32 @!p0 $0x11B8D, s7;
	_ =	swait.eq @!p0 [sflag:s6], $0x1  }
0xb2: {  	s5 =	sor.u32 @!p0 s5, s7;
	[sflag:s6] =	ssyncadd.s32 @!p0 $0xFFFFFFFF  }
0xb3: {  	s25 =	simm.s32 $0x1B8E;
	s24 =	sld [smem:$0x3FFE];
	[sflag:s5] =	ssyncadd.remote.s32 @!p0 $0x1  }
0xb4: {  	s26 =	simm.s32 $execute0_lowered;
	[smem:$0x3FD2] =	sst s25  }
0xb5: {  	s6 =	sshll.u32 s26, $0x1;
	_ =	strace $0x8000004C;
	[dreg:$0x1] =	wrdreg $0xFFFFFFFF  }
0xb6: {  	s28 =	simm.s32 $_size_execute0_lowered;
	s4 =	sadd.s32 s4, s6;
	[dreg:$0x0] =	wrdreg $0x0  }
0xb7: {  	s6 =	sshll.u32 s28, $0x1;
	[dreg:$0x2] =	wrdreg s4  }
0xb8: {  	[dreg:$0x3] =	wrdreg s6  }
0xb9: {  	[dreg:$0x4] =	wrdreg $0xC0  }
0xba: {  	_ =	task [dreg:s22], $0x5FFFF  }
0xbb: {  	[dreg:$0x1] =	wrdreg $0xFFFFFFFF  }
0xbc: {  	[dreg:$0x0] =	wrdreg $0x60  }
0xbd: {  	[dreg:$0x2] =	wrdreg s18  }
0xbe: {  	[dreg:$0x3] =	wrdreg s24  }
0xbf: {  	[dreg:$0x4] =	wrdreg $0xB  }
0xc0: {  	_ =	task.clear_ibuf [dreg:s22], $0x5FFFF;
	_ =	strace $0x9000004C  }
0xc1: {  	s29 =	simm.s32 $0xB;
	_ =	strace $0x8000004E  }
0xc2: {  	_ =	swait.ge [sflag:s29], $0x1  }
0xc3: {  	[sflag:s29] =	ssyncadd.s32 $0xFFFFFFFF  }
0xc4: {  	_ =	strace $0x9000004E  }
0xc5: {  	_ =	sfence  }
0xc6: {  	s30 =	sld [smem:$0x0];
	_ =	sdelay $0x2  }
0xc7: {  	s31 =	sshll.u32 s1, $0xD;
	s1 =	sshrl.u32 s1, $0x2  }
0xc8: {  	s4 =	sand.u32 $0x4000, s31;
	s1 =	sadd.s32 s1, s30  }
0xc9: {  	s0 =	sor.u32 s4, s0;
	s1 =	sshll.u32 s1, $0x11  }
0xca: {  	s0 =	sor.u32 s1, s0  }
0xcb: {  	s0 =	sadd.s32 $0x8F2B, s0  }
0xcc: {  	[sflag:s0] =	ssyncadd.remote.s32 $0x1  }
0xcd: {  	_ =	sfence.sel $0xFFFF  }
0xce: {  	[dreg:$0x0] =	wrdreg $0xFFFFFFFF;
	(pc) =	sbr.abs _section_cstart, $3  }
0xcf: {  	[dreg:$0x1] =	wrdreg $0xFFFFFFFF  }
0xd0: {  	_ =	task.clear_ibuf [dreg:s22], $0x2FFFF;
	_ =	strace $0x9FFFFFFF  }
0xd1: {  	(tm) =	ssettm $0x7FFFFFFF  }
tec
execute0_lowered:
.L_overlay_start_1:
0x0: {  	(tag) =	ssettag $0x1  }
0x1: {  	s0 =	srdreg.scid;
	s2 =	rddreg [dreg:$0x0]  }
0x2: {  	s1 =	stileid.u32;
	s4 =	rddreg [dreg:$0x1]  }
0x3: {  	s3 =	simm.s32 $0x0;
	s6 =	simm.s32 $0x1;
	s15 =	simm.s32 $0x3  }
0x4: {  	s16 =	simm.s32 $0x2;
	s17 =	simm.s32 $0x4;
	s19 =	simm.s32 $0x900  }
0x5: {  	s20 =	simm.s32 $0x1100;
	s21 =	simm.s32 $0x1900;
	s28 =	simm.s32 $0x4100  }
0x6: {  	s29 =	simm.s32 $0x4900;
	s30 =	simm.s32 $0x5100;
	s31 =	simm.s32 $0x5900  }
0x7: {  	s8 =	simm.s32 $0x7100;
	s9 =	simm.s32 $0x7900;
	s14 =	simm.s32 $0x8100  }
0x8: {  	s10 =	simm.s32 $0x8900;
	s0 =	sand.u32 $0x1, s0;
	s1 =	sshll.u32 s1, $0x1  }
0x9: {  	s11 =	simm.s32 $0x9100;
	s12 =	simm.s32 $0x9900;
	s1 =	sor.u32 s0, s1  }
0xa: {  	s13 =	simm.s32 $0xA100;
	[smem:$0x7FF] =	sst s3;
	s5 =	sshll.u32 s1, $0x5  }
0xb: {  	_ =	strace $0x8000004D;
	s1 =	sshll.u32 s1, $0xE;
	s5 =	sadd.s32 s5, s4  }
0xc: {  	s0 =	ssub.s32 $0x2, s0;
	s1 =	sadd.s32 s1, s4;
	s22 =	sadd.s32 $0x5800, s5  }
0xd: {  	s24 =	sshrl.u32 s0, $0x1;
	s23 =	sadd.s32 $0x86000, s1;
	[dreg:$0x3] =	wrdreg s22  }
0xe: {  	s0 =	ssub.s32 s0, s24;
	s25 =	sadd.s32 $0x87000, s1;
	[dreg:$0x4] =	wrdreg s23  }
0xf: {  	s4 =	sadd.s32 $0x100, s2;
	s26 =	sadd.s32 $0x88000, s1;
	[dreg:$0x5] =	wrdreg s25  }
0x10: {  	v2 =	vlaneseq.u32;
	s24 =	simm.s32 $0x2900;
	s1 =	sadd.s32 $0x89000, s1;
	[dreg:$0x6] =	wrdreg s26  }
0x11: {  	vm0 =	vmmov $0xffff;
	v1 =	vshrl.u32 v2, $0x3;
	s5 =	smax.u32 s0, $0x1;
	[dreg:$0x7] =	wrdreg s1;
	s22 =	simm.s32 $0x2100  }
0x12: {  	v0 =	vand.u32 $0x7, v2;
	v2 =	vor.u32 $0x8, v2;
	v1 =	vmul.u32 $0x8, v1;
	s25 =	simm.s32 $0x3100;
	s26 =	simm.s32 $0x3900;
	s1 =	simm.s32 $0x6100  }
.LBB2_1:
0x13: {  	s18 =	rddreg [dreg:$0x3];
	s0 =	simm.s32 $0x5  }
0x14: {  	[tilespmem:s3], [sflag:$0x5] =	stream.linear.gather [hbm4b:s18+s3], $0x100, $0x38;
	[tilespmem:$0x10100] =	vst v63  }
0x15: {  	_ =	swait.ge [sflag:s0], $0x100  }
0x16: {  	[sflag:s0] =	ssyncset.done $0x0  }
0x17: {  	[sflag:s0] =	ssyncadd.s32 $0xFFFFFF00  }
0x18: {  	v3 =	vld [tilespmem:$0x0];
	_ =	sdelay $0x4  }
0x19: {  	v4 =	vshll.u32 v3, $0x2  }
0x1a: {  	v3 =	vand.u32 $0x7, v3;
	v4 =	vand.u32 $0xFFFFFFE0, v4  }
0x1b: {  	v3 =	vor.u32 v3, v4  }
0x1c: {  	v4 =	vperm.xlane v3, v0;
	_ =	sdelay $0x1  }
0x1d: {  	v4 =	vadd.s32 v1, v4;
	_ =	sdelay $0x1  }
0x1e: {  	v3 =	vperm.xlane v3, v2;
	_ =	sdelay $0x1  }
0x1f: {  	s18 =	simm.s32 $0x100;
	v3 =	vadd.s32 v1, v3  }
0x20: {  	[tilespmem:s18], [sflag:$0x1] =	stream.indirect_vreg.gather [hbm4b:s2+s3], $0x80, v4, vm0, $0xb8;
	[tilespmem:$0x10100] =	vst v63  }
0x21: {  	_ = 	snop  }
0x22: {  	[tilespmem:s19], [sflag:$0x1] =	stream.indirect_vreg.gather [hbm4b:s4+s3], $0x80, v4, vm0, $0xb8;
	[tilespmem:$0x10100] =	vst v63  }
0x23: {  	_ = 	snop  }
0x24: {  	[tilespmem:s20], [sflag:$0x1] =	stream.indirect_vreg.gather [hbm4b:s2+s3], $0x80, v3, vm0, $0xb8;
	[tilespmem:$0x10100] =	vst v63  }
0x25: {  	_ = 	snop  }
0x26: {  	[tilespmem:s21], [sflag:$0x1] =	stream.indirect_vreg.gather [hbm4b:s4+s3], $0x80, v3, vm0, $0xb8;
	[tilespmem:$0x10100] =	vst v63  }
0x27: {  	v3 =	vld [tilespmem:$0x10];
	_ =	sdelay $0x4  }
0x28: {  	v49 =	vshll.u32 v3, $0x2  }
0x29: {  	v3 =	vand.u32 $0x7, v3;
	v4 =	vand.u32 $0xFFFFFFE0, v49  }
0x2a: {  	v3 =	vor.u32 v3, v4  }
0x2b: {  	v4 =	vperm.xlane v3, v0;
	_ =	sdelay $0x1  }
0x2c: {  	v4 =	vadd.s32 v1, v4;
	_ =	sdelay $0x1  }
0x2d: {  	v3 =	vperm.xlane v3, v2;
	_ =	sdelay $0x1  }
0x2e: {  	v3 =	vadd.s32 v1, v3  }
0x2f: {  	[tilespmem:s22], [sflag:$0x1] =	stream.indirect_vreg.gather [hbm4b:s2+s3], $0x80, v4, vm0, $0xb8;
	[tilespmem:$0x10100] =	vst v63  }
0x30: {  	_ = 	snop  }
0x31: {  	[tilespmem:s24], [sflag:$0x1] =	stream.indirect_vreg.gather [hbm4b:s4+s3], $0x80, v4, vm0, $0xb8;
	[tilespmem:$0x10100] =	vst v63  }
0x32: {  	_ = 	snop  }
0x33: {  	[tilespmem:s25], [sflag:$0x1] =	stream.indirect_vreg.gather [hbm4b:s2+s3], $0x80, v3, vm0, $0xb8;
	[tilespmem:$0x10100] =	vst v63  }
0x34: {  	_ = 	snop  }
0x35: {  	[tilespmem:s26], [sflag:$0x1] =	stream.indirect_vreg.gather [hbm4b:s4+s3], $0x80, v3, vm0, $0xb8;
	[tilespmem:$0x10100] =	vst v63  }
0x36: {  	v3 =	vld [tilespmem:$0x20];
	_ =	sdelay $0x4  }
0x37: {  	v50 =	vshll.u32 v3, $0x2  }
0x38: {  	v3 =	vand.u32 $0x7, v3;
	v4 =	vand.u32 $0xFFFFFFE0, v50  }
0x39: {  	v3 =	vor.u32 v3, v4  }
0x3a: {  	v4 =	vperm.xlane v3, v0;
	_ =	sdelay $0x1  }
0x3b: {  	v4 =	vadd.s32 v1, v4;
	_ =	sdelay $0x1  }
0x3c: {  	v3 =	vperm.xlane v3, v2;
	_ =	sdelay $0x1  }
0x3d: {  	v3 =	vadd.s32 v1, v3  }
0x3e: {  	[tilespmem:s28], [sflag:$0x1] =	stream.indirect_vreg.gather [hbm4b:s2+s3], $0x80, v4, vm0, $0xb8;
	[tilespmem:$0x10100] =	vst v63  }
0x3f: {  	_ = 	snop  }
0x40: {  	[tilespmem:s29], [sflag:$0x1] =	stream.indirect_vreg.gather [hbm4b:s4+s3], $0x80, v4, vm0, $0xb8;
	[tilespmem:$0x10100] =	vst v63  }
0x41: {  	_ = 	snop  }
0x42: {  	[tilespmem:s30], [sflag:$0x1] =	stream.indirect_vreg.gather [hbm4b:s2+s3], $0x80, v3, vm0, $0xb8;
	[tilespmem:$0x10100] =	vst v63  }
0x43: {  	_ = 	snop  }
0x44: {  	[tilespmem:s31], [sflag:$0x1] =	stream.indirect_vreg.gather [hbm4b:s4+s3], $0x80, v3, vm0, $0xb8;
	[tilespmem:$0x10100] =	vst v63  }
0x45: {  	v3 =	vld [tilespmem:$0x30];
	_ =	sdelay $0x4  }
0x46: {  	v51 =	vshll.u32 v3, $0x2  }
0x47: {  	v3 =	vand.u32 $0x7, v3;
	v4 =	vand.u32 $0xFFFFFFE0, v51  }
0x48: {  	v3 =	vor.u32 v3, v4  }
0x49: {  	v4 =	vperm.xlane v3, v0;
	_ =	sdelay $0x1  }
0x4a: {  	v4 =	vadd.s32 v1, v4;
	_ =	sdelay $0x1  }
0x4b: {  	v3 =	vperm.xlane v3, v2;
	_ =	sdelay $0x1  }
0x4c: {  	v3 =	vadd.s32 v1, v3  }
0x4d: {  	[tilespmem:s1], [sflag:$0x1] =	stream.indirect_vreg.gather [hbm4b:s2+s3], $0x80, v4, vm0, $0xb8;
	[tilespmem:$0x10100] =	vst v63  }
0x4e: {  	s0 =	simm.s32 $0x6900  }
0x4f: {  	[tilespmem:s0], [sflag:$0x1] =	stream.indirect_vreg.gather [hbm4b:s4+s3], $0x80, v4, vm0, $0xb8;
	[tilespmem:$0x10100] =	vst v63  }
0x50: {  	_ = 	snop  }
0x51: {  	[tilespmem:s8], [sflag:$0x1] =	stream.indirect_vreg.gather [hbm4b:s2+s3], $0x80, v3, vm0, $0xb8;
	[tilespmem:$0x10100] =	vst v63  }
0x52: {  	_ = 	snop  }
0x53: {  	[tilespmem:s9], [sflag:$0x1] =	stream.indirect_vreg.gather [hbm4b:s4+s3], $0x80, v3, vm0, $0xb8;
	[tilespmem:$0x10100] =	vst v63  }
0x54: {  	v3 =	vld [tilespmem:$0x40];
	_ =	sdelay $0x4  }
0x55: {  	v52 =	vshll.u32 v3, $0x2  }
0x56: {  	v3 =	vand.u32 $0x7, v3;
	v4 =	vand.u32 $0xFFFFFFE0, v52  }
0x57: {  	v3 =	vor.u32 v3, v4  }
0x58: {  	v4 =	vperm.xlane v3, v0;
	_ =	sdelay $0x1  }
0x59: {  	v4 =	vadd.s32 v1, v4;
	_ =	sdelay $0x1  }
0x5a: {  	v3 =	vperm.xlane v3, v2;
	_ =	sdelay $0x1  }
0x5b: {  	v3 =	vadd.s32 v1, v3  }
0x5c: {  	[tilespmem:s14], [sflag:$0x2] =	stream.indirect_vreg.gather [hbm4b:s2+s3], $0x80, v4, vm0, $0xb8;
	[tilespmem:$0x10100] =	vst v63  }
0x5d: {  	_ = 	snop  }
0x5e: {  	[tilespmem:s10], [sflag:$0x2] =	stream.indirect_vreg.gather [hbm4b:s4+s3], $0x80, v4, vm0, $0xb8;
	[tilespmem:$0x10100] =	vst v63  }
0x5f: {  	_ = 	snop  }
0x60: {  	[tilespmem:s11], [sflag:$0x2] =	stream.indirect_vreg.gather [hbm4b:s2+s3], $0x80, v3, vm0, $0xb8;
	[tilespmem:$0x10100] =	vst v63  }
0x61: {  	_ = 	snop  }
0x62: {  	[tilespmem:s12], [sflag:$0x2] =	stream.indirect_vreg.gather [hbm4b:s4+s3], $0x80, v3, vm0, $0xb8;
	[tilespmem:$0x10100] =	vst v63  }
0x63: {  	v3 =	vld [tilespmem:$0x50];
	_ =	sdelay $0x4  }
0x64: {  	v53 =	vshll.u32 v3, $0x2  }
0x65: {  	v3 =	vand.u32 $0x7, v3;
	v4 =	vand.u32 $0xFFFFFFE0, v53  }
0x66: {  	v3 =	vor.u32 v3, v4  }
0x67: {  	v4 =	vperm.xlane v3, v0;
	_ =	sdelay $0x1  }
0x68: {  	v4 =	vadd.s32 v1, v4;
	_ =	sdelay $0x1  }
0x69: {  	v3 =	vperm.xlane v3, v2;
	_ =	sdelay $0x1  }
0x6a: {  	v3 =	vadd.s32 v1, v3  }
0x6b: {  	[tilespmem:s13], [sflag:$0x2] =	stream.indirect_vreg.gather [hbm4b:s2+s3], $0x80, v4, vm0, $0xb8;
	[tilespmem:$0x10100] =	vst v63  }
0x6c: {  	s7 =	simm.s32 $0xA900  }
0x6d: {  	[tilespmem:s7], [sflag:$0x2] =	stream.indirect_vreg.gather [hbm4b:s4+s3], $0x80, v4, vm0, $0xb8;
	[tilespmem:$0x10100] =	vst v63  }
0x6e: {  	s7 =	simm.s32 $0xB100  }
0x6f: {  	[tilespmem:s7], [sflag:$0x2] =	stream.indirect_vreg.gather [hbm4b:s2+s3], $0x80, v3, vm0, $0xb8;
	[tilespmem:$0x10100] =	vst v63  }
0x70: {  	s23 =	simm.s32 $0xB900  }
0x71: {  	[tilespmem:s23], [sflag:$0x2] =	stream.indirect_vreg.gather [hbm4b:s4+s3], $0x80, v3, vm0, $0xb8;
	[tilespmem:$0x10100] =	vst v63  }
0x72: {  	v3 =	vld [tilespmem:$0x60];
	_ =	sdelay $0x4  }
0x73: {  	v54 =	vshll.u32 v3, $0x2  }
0x74: {  	v3 =	vand.u32 $0x7, v3;
	v4 =	vand.u32 $0xFFFFFFE0, v54  }
0x75: {  	v3 =	vor.u32 v3, v4  }
0x76: {  	v4 =	vperm.xlane v3, v0;
	_ =	sdelay $0x1  }
0x77: {  	v4 =	vadd.s32 v1, v4;
	_ =	sdelay $0x1  }
0x78: {  	v3 =	vperm.xlane v3, v2;
	_ =	sdelay $0x1  }
0x79: {  	s23 =	simm.s32 $0xC100;
	v3 =	vadd.s32 v1, v3  }
0x7a: {  	[tilespmem:s23], [sflag:$0x2] =	stream.indirect_vreg.gather [hbm4b:s2+s3], $0x80, v4, vm0, $0xb8;
	[tilespmem:$0x10100] =	vst v63  }
0x7b: {  	s23 =	simm.s32 $0xC900  }
0x7c: {  	[tilespmem:s23], [sflag:$0x2] =	stream.indirect_vreg.gather [hbm4b:s4+s3], $0x80, v4, vm0, $0xb8;
	[tilespmem:$0x10100] =	vst v63  }
0x7d: {  	s23 =	simm.s32 $0xD100  }
0x7e: {  	[tilespmem:s23], [sflag:$0x2] =	stream.indirect_vreg.gather [hbm4b:s2+s3], $0x80, v3, vm0, $0xb8;
	[tilespmem:$0x10100] =	vst v63  }
0x7f: {  	s23 =	simm.s32 $0xD900  }
0x80: {  	[tilespmem:s23], [sflag:$0x2] =	stream.indirect_vreg.gather [hbm4b:s4+s3], $0x80, v3, vm0, $0xb8;
	[tilespmem:$0x10100] =	vst v63  }
0x81: {  	v3 =	vld [tilespmem:$0x70];
	_ =	sdelay $0x4  }
0x82: {  	v55 =	vshll.u32 v3, $0x2  }
0x83: {  	v3 =	vand.u32 $0x7, v3;
	v4 =	vand.u32 $0xFFFFFFE0, v55  }
0x84: {  	v3 =	vor.u32 v3, v4  }
0x85: {  	v4 =	vperm.xlane v3, v0;
	_ =	sdelay $0x1  }
0x86: {  	v4 =	vadd.s32 v1, v4;
	_ =	sdelay $0x1  }
0x87: {  	v3 =	vperm.xlane v3, v2;
	_ =	sdelay $0x1  }
0x88: {  	s23 =	simm.s32 $0xE100;
	v3 =	vadd.s32 v1, v3  }
0x89: {  	[tilespmem:s23], [sflag:$0x2] =	stream.indirect_vreg.gather [hbm4b:s2+s3], $0x80, v4, vm0, $0xb8;
	[tilespmem:$0x10100] =	vst v63  }
0x8a: {  	s23 =	simm.s32 $0xE900  }
0x8b: {  	[tilespmem:s23], [sflag:$0x2] =	stream.indirect_vreg.gather [hbm4b:s4+s3], $0x80, v4, vm0, $0xb8;
	[tilespmem:$0x10100] =	vst v63  }
0x8c: {  	s23 =	simm.s32 $0xF100  }
0x8d: {  	[tilespmem:s23], [sflag:$0x2] =	stream.indirect_vreg.gather [hbm4b:s2+s3], $0x80, v3, vm0, $0xb8;
	[tilespmem:$0x10100] =	vst v63  }
0x8e: {  	s23 =	simm.s32 $0xF900  }
0x8f: {  	[tilespmem:s23], [sflag:$0x2] =	stream.indirect_vreg.gather [hbm4b:s4+s3], $0x80, v3, vm0, $0xb8;
	[tilespmem:$0x10100] =	vst v63  }
0x90: {  	_ =	swait.ge [sflag:s6], $0x8000  }
0x91: {  	[sflag:s6] =	ssyncset.done $0x0  }
0x92: {  	s23 =	simm.s32 $0x100;
	s18 =	rddreg [dreg:$0x4];
	[sflag:s6] =	ssyncadd.s32 $0xFFFF8000  }
0x93: {  	[hbm4b:s18+s3] =	stream.linear.scatter [tilespmem:s23], [sflag:$0x3], $0x8000, $0x38;
	[tilespmem:$0x10100] =	vst v63  }
0x94: {  	_ =	swait.ge [sflag:s15], $0x8000  }
0x95: {  	[sflag:s15] =	ssyncset.done $0x0  }
0x96: {  	[sflag:s15] =	ssyncadd.s32 $0xFFFF8000  }
0x97: {  	v3 =	vld [tilespmem:$0x80];
	_ =	sdelay $0x4  }
0x98: {  	v56 =	vshll.u32 v3, $0x2  }
0x99: {  	v3 =	vand.u32 $0x7, v3;
	v4 =	vand.u32 $0xFFFFFFE0, v56  }
0x9a: {  	v3 =	vor.u32 v3, v4  }
0x9b: {  	v4 =	vperm.xlane v3, v0;
	_ =	sdelay $0x1  }
0x9c: {  	v4 =	vadd.s32 v1, v4;
	_ =	sdelay $0x1  }
0x9d: {  	v3 =	vperm.xlane v3, v2;
	_ =	sdelay $0x1  }
0x9e: {  	v3 =	vadd.s32 v1, v3  }
0x9f: {  	[tilespmem:s23], [sflag:$0x1] =	stream.indirect_vreg.gather [hbm4b:s2+s3], $0x80, v4, vm0, $0xb8;
	[tilespmem:$0x10100] =	vst v63  }
0xa0: {  	_ = 	snop  }
0xa1: {  	[tilespmem:s19], [sflag:$0x1] =	stream.indirect_vreg.gather [hbm4b:s4+s3], $0x80, v4, vm0, $0xb8;
	[tilespmem:$0x10100] =	vst v63  }
0xa2: {  	_ = 	snop  }
0xa3: {  	[tilespmem:s20], [sflag:$0x1] =	stream.indirect_vreg.gather [hbm4b:s2+s3], $0x80, v3, vm0, $0xb8;
	[tilespmem:$0x10100] =	vst v63  }
0xa4: {  	_ = 	snop  }
0xa5: {  	[tilespmem:s21], [sflag:$0x1] =	stream.indirect_vreg.gather [hbm4b:s4+s3], $0x80, v3, vm0, $0xb8;
	[tilespmem:$0x10100] =	vst v63  }
0xa6: {  	v3 =	vld [tilespmem:$0x90];
	_ =	sdelay $0x4  }
0xa7: {  	v57 =	vshll.u32 v3, $0x2  }
0xa8: {  	v3 =	vand.u32 $0x7, v3;
	v4 =	vand.u32 $0xFFFFFFE0, v57  }
0xa9: {  	v3 =	vor.u32 v3, v4  }
0xaa: {  	v4 =	vperm.xlane v3, v0;
	_ =	sdelay $0x1  }
0xab: {  	v4 =	vadd.s32 v1, v4;
	_ =	sdelay $0x1  }
0xac: {  	v3 =	vperm.xlane v3, v2;
	_ =	sdelay $0x1  }
0xad: {  	v3 =	vadd.s32 v1, v3  }
0xae: {  	[tilespmem:s22], [sflag:$0x1] =	stream.indirect_vreg.gather [hbm4b:s2+s3], $0x80, v4, vm0, $0xb8;
	[tilespmem:$0x10100] =	vst v63  }
0xaf: {  	_ = 	snop  }
0xb0: {  	[tilespmem:s24], [sflag:$0x1] =	stream.indirect_vreg.gather [hbm4b:s4+s3], $0x80, v4, vm0, $0xb8;
	[tilespmem:$0x10100] =	vst v63  }
0xb1: {  	_ = 	snop  }
0xb2: {  	[tilespmem:s25], [sflag:$0x1] =	stream.indirect_vreg.gather [hbm4b:s2+s3], $0x80, v3, vm0, $0xb8;
	[tilespmem:$0x10100] =	vst v63  }
0xb3: {  	_ = 	snop  }
0xb4: {  	[tilespmem:s26], [sflag:$0x1] =	stream.indirect_vreg.gather [hbm4b:s4+s3], $0x80, v3, vm0, $0xb8;
	[tilespmem:$0x10100] =	vst v63  }
0xb5: {  	v3 =	vld [tilespmem:$0xA0];
	_ =	sdelay $0x4  }
0xb6: {  	v58 =	vshll.u32 v3, $0x2  }
0xb7: {  	v3 =	vand.u32 $0x7, v3;
	v4 =	vand.u32 $0xFFFFFFE0, v58  }
0xb8: {  	v3 =	vor.u32 v3, v4  }
0xb9: {  	v4 =	vperm.xlane v3, v0;
	_ =	sdelay $0x1  }
0xba: {  	v4 =	vadd.s32 v1, v4;
	_ =	sdelay $0x1  }
0xbb: {  	v3 =	vperm.xlane v3, v2;
	_ =	sdelay $0x1  }
0xbc: {  	v3 =	vadd.s32 v1, v3  }
0xbd: {  	[tilespmem:s28], [sflag:$0x1] =	stream.indirect_vreg.gather [hbm4b:s2+s3], $0x80, v4, vm0, $0xb8;
	[tilespmem:$0x10100] =	vst v63  }
0xbe: {  	_ = 	snop  }
0xbf: {  	[tilespmem:s29], [sflag:$0x1] =	stream.indirect_vreg.gather [hbm4b:s4+s3], $0x80, v4, vm0, $0xb8;
	[tilespmem:$0x10100] =	vst v63  }
0xc0: {  	_ = 	snop  }
0xc1: {  	[tilespmem:s30], [sflag:$0x1] =	stream.indirect_vreg.gather [hbm4b:s2+s3], $0x80, v3, vm0, $0xb8;
	[tilespmem:$0x10100] =	vst v63  }
0xc2: {  	_ = 	snop  }
0xc3: {  	[tilespmem:s31], [sflag:$0x1] =	stream.indirect_vreg.gather [hbm4b:s4+s3], $0x80, v3, vm0, $0xb8;
	[tilespmem:$0x10100] =	vst v63  }
0xc4: {  	v3 =	vld [tilespmem:$0xB0];
	_ =	sdelay $0x4  }
0xc5: {  	v59 =	vshll.u32 v3, $0x2  }
0xc6: {  	v3 =	vand.u32 $0x7, v3;
	v4 =	vand.u32 $0xFFFFFFE0, v59  }
0xc7: {  	v3 =	vor.u32 v3, v4  }
0xc8: {  	v4 =	vperm.xlane v3, v0;
	_ =	sdelay $0x1  }
0xc9: {  	v4 =	vadd.s32 v1, v4;
	_ =	sdelay $0x1  }
0xca: {  	v3 =	vperm.xlane v3, v2;
	_ =	sdelay $0x1  }
0xcb: {  	v3 =	vadd.s32 v1, v3  }
0xcc: {  	[tilespmem:s1], [sflag:$0x1] =	stream.indirect_vreg.gather [hbm4b:s2+s3], $0x80, v4, vm0, $0xb8;
	[tilespmem:$0x10100] =	vst v63  }
0xcd: {  	_ = 	snop  }
0xce: {  	[tilespmem:s0], [sflag:$0x1] =	stream.indirect_vreg.gather [hbm4b:s4+s3], $0x80, v4, vm0, $0xb8;
	[tilespmem:$0x10100] =	vst v63  }
0xcf: {  	_ = 	snop  }
0xd0: {  	[tilespmem:s8], [sflag:$0x1] =	stream.indirect_vreg.gather [hbm4b:s2+s3], $0x80, v3, vm0, $0xb8;
	[tilespmem:$0x10100] =	vst v63  }
0xd1: {  	_ = 	snop  }
0xd2: {  	[tilespmem:s9], [sflag:$0x1] =	stream.indirect_vreg.gather [hbm4b:s4+s3], $0x80, v3, vm0, $0xb8;
	[tilespmem:$0x10100] =	vst v63  }
0xd3: {  	_ =	swait.ge [sflag:s16], $0x8000  }
0xd4: {  	[sflag:s16] =	ssyncset.done $0x0  }
0xd5: {  	s0 =	rddreg [dreg:$0x5];
	[sflag:s16] =	ssyncadd.s32 $0xFFFF8000  }
0xd6: {  	[hbm4b:s0+s3] =	stream.linear.scatter [tilespmem:s14], [sflag:$0x4], $0x8000, $0x38;
	[tilespmem:$0x10100] =	vst v63  }
0xd7: {  	_ =	swait.ge [sflag:s17], $0x8000  }
0xd8: {  	[sflag:s17] =	ssyncset.done $0x0  }
0xd9: {  	[sflag:s17] =	ssyncadd.s32 $0xFFFF8000  }
0xda: {  	v3 =	vld [tilespmem:$0xC0];
	_ =	sdelay $0x4  }
0xdb: {  	v60 =	vshll.u32 v3, $0x2  }
0xdc: {  	v3 =	vand.u32 $0x7, v3;
	v4 =	vand.u32 $0xFFFFFFE0, v60  }
0xdd: {  	v3 =	vor.u32 v3, v4  }
0xde: {  	v4 =	vperm.xlane v3, v0;
	_ =	sdelay $0x1  }
0xdf: {  	v4 =	vadd.s32 v1, v4;
	_ =	sdelay $0x1  }
0xe0: {  	v3 =	vperm.xlane v3, v2;
	_ =	sdelay $0x1  }
0xe1: {  	v3 =	vadd.s32 v1, v3  }
0xe2: {  	[tilespmem:s14], [sflag:$0x2] =	stream.indirect_vreg.gather [hbm4b:s2+s3], $0x80, v4, vm0, $0xb8;
	[tilespmem:$0x10100] =	vst v63  }
0xe3: {  	_ = 	snop  }
0xe4: {  	[tilespmem:s10], [sflag:$0x2] =	stream.indirect_vreg.gather [hbm4b:s4+s3], $0x80, v4, vm0, $0xb8;
	[tilespmem:$0x10100] =	vst v63  }
0xe5: {  	_ = 	snop  }
0xe6: {  	[tilespmem:s11], [sflag:$0x2] =	stream.indirect_vreg.gather [hbm4b:s2+s3], $0x80, v3, vm0, $0xb8;
	[tilespmem:$0x10100] =	vst v63  }
0xe7: {  	_ = 	snop  }
0xe8: {  	[tilespmem:s12], [sflag:$0x2] =	stream.indirect_vreg.gather [hbm4b:s4+s3], $0x80, v3, vm0, $0xb8;
	[tilespmem:$0x10100] =	vst v63  }
0xe9: {  	v3 =	vld [tilespmem:$0xD0];
	_ =	sdelay $0x4  }
0xea: {  	v61 =	vshll.u32 v3, $0x2  }
0xeb: {  	v3 =	vand.u32 $0x7, v3;
	v4 =	vand.u32 $0xFFFFFFE0, v61  }
0xec: {  	v3 =	vor.u32 v3, v4  }
0xed: {  	v4 =	vperm.xlane v3, v0;
	_ =	sdelay $0x1  }
0xee: {  	v4 =	vadd.s32 v1, v4;
	_ =	sdelay $0x1  }
0xef: {  	v3 =	vperm.xlane v3, v2;
	_ =	sdelay $0x1  }
0xf0: {  	v3 =	vadd.s32 v1, v3  }
0xf1: {  	[tilespmem:s13], [sflag:$0x2] =	stream.indirect_vreg.gather [hbm4b:s2+s3], $0x80, v4, vm0, $0xb8;
	[tilespmem:$0x10100] =	vst v63  }
0xf2: {  	s18 =	simm.s32 $0xA900  }
0xf3: {  	[tilespmem:s18], [sflag:$0x2] =	stream.indirect_vreg.gather [hbm4b:s4+s3], $0x80, v4, vm0, $0xb8;
	[tilespmem:$0x10100] =	vst v63  }
0xf4: {  	_ = 	snop  }
0xf5: {  	[tilespmem:s7], [sflag:$0x2] =	stream.indirect_vreg.gather [hbm4b:s2+s3], $0x80, v3, vm0, $0xb8;
	[tilespmem:$0x10100] =	vst v63  }
0xf6: {  	s18 =	simm.s32 $0xB900  }
0xf7: {  	[tilespmem:s18], [sflag:$0x2] =	stream.indirect_vreg.gather [hbm4b:s4+s3], $0x80, v3, vm0, $0xb8;
	[tilespmem:$0x10100] =	vst v63  }
0xf8: {  	v3 =	vld [tilespmem:$0xE0];
	_ =	sdelay $0x4  }
0xf9: {  	v62 =	vshll.u32 v3, $0x2  }
0xfa: {  	v3 =	vand.u32 $0x7, v3;
	v4 =	vand.u32 $0xFFFFFFE0, v62  }
0xfb: {  	v3 =	vor.u32 v3, v4  }
0xfc: {  	v4 =	vperm.xlane v3, v0;
	_ =	sdelay $0x1  }
0xfd: {  	v4 =	vadd.s32 v1, v4;
	_ =	sdelay $0x1  }
0xfe: {  	v3 =	vperm.xlane v3, v2;
	_ =	sdelay $0x1  }
0xff: {  	s7 =	simm.s32 $0xC100;
	v3 =	vadd.s32 v1, v3  }
0x100: {  	[tilespmem:s7], [sflag:$0x2] =	stream.indirect_vreg.gather [hbm4b:s2+s3], $0x80, v4, vm0, $0xb8;
	[tilespmem:$0x10100] =	vst v63  }
0x101: {  	s18 =	simm.s32 $0xC900  }
0x102: {  	[tilespmem:s18], [sflag:$0x2] =	stream.indirect_vreg.gather [hbm4b:s4+s3], $0x80, v4, vm0, $0xb8;
	[tilespmem:$0x10100] =	vst v63  }
0x103: {  	s7 =	simm.s32 $0xD100  }
0x104: {  	[tilespmem:s7], [sflag:$0x2] =	stream.indirect_vreg.gather [hbm4b:s2+s3], $0x80, v3, vm0, $0xb8;
	[tilespmem:$0x10100] =	vst v63  }
0x105: {  	s18 =	simm.s32 $0xD900  }
0x106: {  	[tilespmem:s18], [sflag:$0x2] =	stream.indirect_vreg.gather [hbm4b:s4+s3], $0x80, v3, vm0, $0xb8;
	[tilespmem:$0x10100] =	vst v63  }
0x107: {  	v3 =	vld [tilespmem:$0xF0];
	_ =	sdelay $0x4  }
0x108: {  	v63 =	vshll.u32 v3, $0x2  }
0x109: {  	v3 =	vand.u32 $0x7, v3;
	v4 =	vand.u32 $0xFFFFFFE0, v63  }
0x10a: {  	v3 =	vor.u32 v3, v4  }
0x10b: {  	v4 =	vperm.xlane v3, v0;
	_ =	sdelay $0x1  }
0x10c: {  	v4 =	vadd.s32 v1, v4;
	_ =	sdelay $0x1  }
0x10d: {  	v3 =	vperm.xlane v3, v2;
	_ =	sdelay $0x1  }
0x10e: {  	s7 =	simm.s32 $0xE100;
	v3 =	vadd.s32 v1, v3  }
0x10f: {  	[tilespmem:s7], [sflag:$0x2] =	stream.indirect_vreg.gather [hbm4b:s2+s3], $0x80, v4, vm0, $0xb8;
	[tilespmem:$0x10100] =	vst v63  }
0x110: {  	s18 =	simm.s32 $0xE900  }
0x111: {  	[tilespmem:s18], [sflag:$0x2] =	stream.indirect_vreg.gather [hbm4b:s4+s3], $0x80, v4, vm0, $0xb8;
	[tilespmem:$0x10100] =	vst v63  }
0x112: {  	s7 =	simm.s32 $0xF100  }
0x113: {  	[tilespmem:s7], [sflag:$0x2] =	stream.indirect_vreg.gather [hbm4b:s2+s3], $0x80, v3, vm0, $0xb8;
	[tilespmem:$0x10100] =	vst v63  }
0x114: {  	s18 =	simm.s32 $0xF900  }
0x115: {  	[tilespmem:s18], [sflag:$0x2] =	stream.indirect_vreg.gather [hbm4b:s4+s3], $0x80, v3, vm0, $0xb8;
	[tilespmem:$0x10100] =	vst v63  }
0x116: {  	_ =	swait.ge [sflag:s6], $0x8000  }
0x117: {  	[sflag:s6] =	ssyncset.done $0x0  }
0x118: {  	s23 =	simm.s32 $0x100;
	s7 =	rddreg [dreg:$0x6];
	[sflag:s6] =	ssyncadd.s32 $0xFFFF8000  }
0x119: {  	[hbm4b:s7+s3] =	stream.linear.scatter [tilespmem:s23], [sflag:$0x3], $0x8000, $0x38;
	[tilespmem:$0x10100] =	vst v63  }
0x11a: {  	_ =	swait.ge [sflag:s16], $0x8000  }
0x11b: {  	[sflag:s16] =	ssyncset.done $0x0  }
0x11c: {  	s23 =	rddreg [dreg:$0x7];
	[sflag:s16] =	ssyncadd.s32 $0xFFFF8000  }
0x11d: {  	[hbm4b:s23+s3] =	stream.linear.scatter [tilespmem:s14], [sflag:$0x4], $0x8000, $0x38;
	[tilespmem:$0x10100] =	vst v63  }
0x11e: {  	p0 =	sne.s32 s5, $0x1;
	_ =	swait.ge [sflag:s17], $0x8000  }
.Ltmp0:
0x11f: {  	[sflag:s17] =	ssyncset.done $0x0;
	(pc) =	sbr.rel @p0 .LBB2_1-.Ltmp0, $4  }
0x120: {  	[sflag:s17] =	ssyncadd.s32 $0xFFFF8000  }
0x121: {  	_ =	swait.ge [sflag:s15], $0x8000  }
0x122: {  	[sflag:s15] =	ssyncset.done $0x0  }
0x123: {  	s5 =	sadd.s32 $0xFFFFFFFF, s5;
	[sflag:s15] =	ssyncadd.s32 $0xFFFF8000  }
0x124: {  	_ =	sfence.sel $0x180000  }
0x125: {  	[bflag:$0x0] =	sbarrier.arrive $0xFFFF  }
0x126: {  	_ =	strace $0x9000004D  }
0x127: {  	s0 =	stileid.u32;
	[bflag:$0x2] =	sbarrier.arrive $0xFFFF  }
0x128: {  	p0 =	sne.s32 s0, $0x0;
	s0 =	rddreg [dreg:$0x2]  }
0x129: {  	s0 =	sadd.s32 @!p0 $0x100000, s0  }
0x12a: {  	[sflag:s0] =	ssyncadd.tile.s32 @!p0 $0x1;
	_ =	shalt  }
.Lfunc_end2:
_tile_overlayer_lowered:
.L_overlay_start_2:
0x12b: {  	(tag) =	ssettag $0x2  }
0x12c: {  	s0 =	rddreg [dreg:$0x0];
	s2 =	stileid.u32  }
0x12d: {  	s1 =	rddreg [dreg:$0x1];
	p0 =	sne.s32 s2, $0x0  }
0x12e: {  	s3 =	rddreg [dreg:$0x2];
	[bflag:$0x3] =	sbarrier.arrive $0xFFFF;
	s2 =	simm.s32 @!p0 $0x1C05  }
0x12f: {  	[timem:s3], [sflag:s2] =	dma.local @!p0 [hbm:s0], s1  }
0x130: {  	s0 =	simm.s32 @!p0 $0x5  }
0x131: {  	_ =	swait.ge @!p0 [sflag:s0], s1  }
0x132: {  	s1 =	ssub.s32 @!p0 $0x0, s1;
	[sflag:s0] =	ssyncset.done @!p0 $0x0  }
0x133: {  	[sflag:s0] =	ssyncadd.s32 @!p0 s1  }
0x134: {  	[bflag:$0x3] =	sbarrier.arrive $0xFFFF  }
0x135: {  	_ =	shalt  }

// kernel: kernel.21.cloned.1.call-start
scs
__scs_entry_jumppad:
0x0: {  	(pc) =	sbr.rel $0x88, $3  }
0x1: {  	(tag) =	ssettag $0x0;
	lr =	simm.s32 $0x1  }
0x2: {  	[smem:$0x3F99] =	sst lr;
	_ =	strace $0xD0000000  }
0x3: {  	_ = 	snop  }
0x4: {  	_ = 	snop  }
0x5: {  	_ = 	snop  }
0x6: {  	_ = 	snop  }
0x7: {  	_ = 	snop  }
__scs_overlays_trampoline_lowered:
0x8: {  	[smem:$0x3FA8] =	sst s0  }
0x9: {  	[smem:$0x3FA9] =	sst s1  }
0xa: {  	[smem:$0x3FAA] =	sst s2  }
0xb: {  	[smem:$0x3FAB] =	sst s3  }
0xc: {  	[smem:$0x3FAC] =	sst s4  }
0xd: {  	[smem:$0x3FAD] =	sst s5  }
0xe: {  	[smem:$0x3FAE] =	sst s6  }
0xf: {  	[smem:$0x3FAF] =	sst s7  }
0x10: {  	[smem:$0x3FB0] =	sst s8  }
0x11: {  	[smem:$0x3FB1] =	sst s9;
	s0 =	simm.s32 @!p0 $0x0  }
0x12: {  	s1 =	sld [smem:$0x3F97];
	s0 =	simm.s32 @p0 $0x1  }
0x13: {  	[smem:$0x3FB2] =	sst s0;
	s0 =	simm.s32 @!p1 $0x0  }
0x14: {  	s2 =	sld [smem:$0x3F96];
	s0 =	simm.s32 @p1 $0x1  }
0x15: {  	[smem:$0x3FB3] =	sst s0;
	s0 =	simm.s32 @!p2 $0x0  }
0x16: {  	s3 =	sld [smem:$0x3FDB];
	s0 =	simm.s32 @p2 $0x1  }
0x17: {  	s4 =	simm.s32 $0x1BF5;
	[smem:$0x3FB5] =	sst s0  }
0x18: {  	s0 =	sld [smem:$0x3F98];
	_ =	swait.ge [sflag:s4], $0x0  }
0x19: {  	s7 =	sld [smem:$0x3F99]  }
0x1a: {  	s8 =	sadd.s32 $0xFFFFE003, lr  }
0x1b: {  	s9 =	sadd.s32 $0xFFFFFEF7, lr;
	s5 =	simm.s32 $0xFFFFFFFF;
	p2 =	slt.u32 s8, $0xFFFFF086  }
0x1c: {  	p1 =	slt.u32 s9, $0xF7A;
	s5 =	simm.s32 @!p2 $0x0  }
0x1d: {  	s5 =	simm.s32 @p1 $0x1;
	p0 =	seq.s32 s7, s2  }
0x1e: {  	s7 =	smul.u32 @!p0 $0xF7A, s2;
	p2 =	seq.s32 @!p0 s5, $0x0  }
0x1f: {  	s9 =	smul.u32 $0xF7A, s1;
	s8 =	simm.s32 @!p0 $0x1BF5;
	p2 =	por !p2, p0  }
0x20: {  	[sflag:s8] =	ssyncset.s32 @!p0 $0xFFFFF086;
	s6 =	sadd.s32 @!p0 s3, s7;
	s7 =	simm.s32 @!p0 $0x108  }
0x21: {  	s3 =	sadd.s32 s3, s9;
	s6 =	sadd.s32 @!p0 $0x88, s6;
	s7 =	simm.s32 @p2 $0x1082  }
0x22: {  	[simem:s7], [sflag:s8] =	dma.local @!p0 [hbm:s6], $0xF7A  }
0x23: {  	s9 =	sor.u32 $0xD0000000, s2;
	s6 =	simm.s32 $0x108;
	_ =	swait.ge @!p0 [sflag:s8], $0x0  }
0x24: {  	s3 =	sadd.s32 $0x88, s3;
	s6 =	simm.s32 @!p1 $0x1082;
	[sflag:s4] =	ssyncset.s32 $0xFFFFF086  }
0x25: {  	[simem:s6], [sflag:s4] =	dma.local [hbm:s3], $0xF7A  }
0x26: {  	[smem:$0x3F99] =	sst s1;
	(tag) =	ssettag s2;
	_ =	strace s9  }
0x27: {  	s1 =	sld [smem:$0x3FA9]  }
0x28: {  	s2 =	sld [smem:$0x3FAA]  }
0x29: {  	s4 =	sld [smem:$0x3FAC]  }
0x2a: {  	p0 =	seq.s32 s5, $0x0;
	s5 =	sld [smem:$0x3FAD]  }
0x2b: {  	s6 =	sld [smem:$0x3FAE]  }
0x2c: {  	s7 =	sld [smem:$0x3FAF]  }
0x2d: {  	s3 =	simm.s32 $0x108;
	s8 =	sld [smem:$0x3FB0]  }
0x2e: {  	s3 =	simm.s32 @!p0 $0x1082;
	s9 =	sld [smem:$0x3FB1]  }
0x2f: {  	lr =	sadd.s32 s0, s3;
	s0 =	sld [smem:$0x3FA8]  }
0x30: {  	s3 =	sld [smem:$0x3FAB]  }
0x31: {  	[smem:$0x3FB4] =	sst s10  }
0x32: {  	s10 =	sld [smem:$0x3FB2];
	_ =	sdelay $0x3  }
0x33: {  	p0 =	seq.s32 s10, $0x1;
	s10 =	sld [smem:$0x3FB4];
	_ =	sdelay $0x3  }
0x34: {  	[smem:$0x3FB4] =	sst s10  }
0x35: {  	s10 =	sld [smem:$0x3FB3];
	_ =	sdelay $0x3  }
0x36: {  	p1 =	seq.s32 s10, $0x1;
	s10 =	sld [smem:$0x3FB4];
	_ =	sdelay $0x3  }
0x37: {  	[smem:$0x3FB4] =	sst s10  }
0x38: {  	s10 =	sld [smem:$0x3FB5]  }
0x39: {  	_ = 	snop;
	(pc) =	sbr.ind lr, $3  }
0x3a: {  	_ = 	snop  }
0x3b: {  	_ = 	snop  }
0x3c: {  	p2 =	seq.s32 s10, $0x1;
	s10 =	sld [smem:$0x3FB4]  }
0x3d: {  	_ =	shalt  }
0x3e: {  	_ =	shalt  }
0x3f: {  	_ =	shalt  }
0x40: {  	_ =	shalt  }
0x41: {  	_ =	shalt  }
0x42: {  	_ =	shalt  }
0x43: {  	_ =	shalt  }
0x44: {  	_ =	shalt  }
0x45: {  	_ =	shalt  }
0x46: {  	_ =	shalt  }
0x47: {  	_ =	shalt  }
0x48: {  	_ =	shalt  }
0x49: {  	_ =	shalt  }
0x4a: {  	_ =	shalt  }
0x4b: {  	_ =	shalt  }
0x4c: {  	_ =	shalt  }
0x4d: {  	_ =	shalt  }
0x4e: {  	_ =	shalt  }
0x4f: {  	_ =	shalt  }
0x50: {  	_ =	shalt  }
0x51: {  	_ =	shalt  }
0x52: {  	_ =	shalt  }
0x53: {  	_ =	shalt  }
0x54: {  	_ =	shalt  }
0x55: {  	_ =	shalt  }
0x56: {  	_ =	shalt  }
0x57: {  	_ =	shalt  }
0x58: {  	_ =	shalt  }
0x59: {  	_ =	shalt  }
0x5a: {  	_ =	shalt  }
0x5b: {  	_ =	shalt  }
0x5c: {  	_ =	shalt  }
0x5d: {  	_ =	shalt  }
0x5e: {  	_ =	shalt  }
0x5f: {  	_ =	shalt  }
0x60: {  	_ =	shalt  }
0x61: {  	_ =	shalt  }
0x62: {  	_ =	shalt  }
0x63: {  	_ =	shalt  }
0x64: {  	_ =	shalt  }
0x65: {  	_ =	shalt  }
0x66: {  	_ =	shalt  }
0x67: {  	_ =	shalt  }
0x68: {  	_ =	shalt  }
0x69: {  	_ =	shalt  }
0x6a: {  	_ =	shalt  }
0x6b: {  	_ =	shalt  }
0x6c: {  	_ =	shalt  }
0x6d: {  	_ =	shalt  }
0x6e: {  	_ =	shalt  }
0x6f: {  	_ =	shalt  }
0x70: {  	_ =	shalt  }
0x71: {  	_ =	shalt  }
0x72: {  	_ =	shalt  }
0x73: {  	_ =	shalt  }
0x74: {  	_ =	shalt  }
0x75: {  	_ =	shalt  }
0x76: {  	_ =	shalt  }
0x77: {  	_ =	shalt  }
0x78: {  	_ =	shalt  }
0x79: {  	_ =	shalt  }
0x7a: {  	_ =	shalt  }
0x7b: {  	_ =	shalt  }
0x7c: {  	_ =	shalt  }
0x7d: {  	_ =	shalt  }
0x7e: {  	_ =	shalt  }
0x7f: {  	_ =	shalt  }
0x80: {  	_ =	shalt  }
0x81: {  	_ =	shalt  }
0x82: {  	_ =	shalt  }
0x83: {  	_ =	shalt  }
0x84: {  	_ =	shalt  }
0x85: {  	_ =	shalt  }
0x86: {  	_ =	shalt  }
0x87: {  	_ =	shalt  }
.Lfunc_end0:
.L_simem_size_0:
called_computation.3_lowered:
.L_overlay_start_0:
0x88: {  	s2 =	sld [smem:$0x3FD9]  }
0x89: {  	s3 =	sld [smem:$0x3FFE];
	_ =	sdelay $0x1  }
0x8a: {  	s1 =	srdreg.scid  }
0x8b: {  	s0 =	sand.u32 $0x1, s1  }
0x8c: {  	s17 =	sshll.u32 s0, $0xA;
	s2 =	sadd.s32 s3, s2  }
0x8d: {  	s2 =	sadd.s32 s2, s17  }
0x8e: {  	[smem:$0x3FC0] =	sst s2  }
0x8f: {  	_ = 	snop  }
0x90: {  	s18 =	sld [smem:$0x3FC9];
	(tm) =	ssettm $0x1  }
0x91: {  	s19 =	sld [smem:$0x3FFB];
	_ =	sdelay $0x3  }
0x92: {  	_ =	strace s19  }
0x93: {  	s2 =	sld [smem:$0x3FFC];
	_ =	sdelay $0x3  }
0x94: {  	_ =	strace s2  }
0x95: {  	s2 =	sld [smem:$0x3FFD];
	_ =	sdelay $0x3  }
0x96: {  	_ =	strace s2  }
0x97: {  	_ =	strace $0x8FFFFFFF  }
0x98: {  	s20 =	sld [smem:$0x3FDB];
	_ =	sdelay $0x1  }
0x99: {  	s4 =	simm.s32 $_scs_section_size  }
0x9a: {  	s5 =	simm.s32 $_size__tile_overlayer_lowered;
	s6 =	simm.s32 $_tile_overlayer_lowered  }
0x9b: {  	s7 =	simm.s32 $0x1BFF;
	s21 =	sshll.u32 s6, $0x1;
	s4 =	sadd.s32 s4, s20  }
0x9c: {  	s22 =	simm.s32 $0x0;
	s5 =	sshll.u32 s5, $0x1;
	s6 =	sadd.s32 s21, s4  }
0x9d: {  	[timem:s22], [sflag:s7] =	dma.local [hbm:s6], s5  }
0x9e: {  	_ =	swait.ge [sflag:s7], s5  }
0x9f: {  	s5 =	ssub.s32 $0x0, s5;
	[sflag:s7] =	ssyncset.done $0x0  }
0xa0: {  	[sflag:s7] =	ssyncadd.s32 s5;
	_ =	sdelay $0x1  }
0xa1: {  	s23 =	simm.s32 $0x1B8B  }
0xa2: {  	_ =	swait.ge [sflag:s23], $0x1  }
0xa3: {  	[sflag:s23] =	ssyncset.done $0x0  }
0xa4: {  	[sflag:s23] =	ssyncadd.s32 $0xFFFFFFFF  }
0xa5: {  	s5 =	sld [smem:$0x0]  }
0xa6: {  	s6 =	sand.u32 $0xFFFFFFFE, s1  }
0xa7: {  	p0 =	sne.s32 s1, s6  }
0xa8: {  	s6 =	sshll.u32 @p0 s6, $0xE  }
0xa9: {  	s6 =	sadd.s32 @p0 $0x11B8D, s6;
	s7 =	sshll.u32 @p0 s5, $0x11  }
0xaa: {  	s6 =	sor.u32 @p0 s7, s6  }
0xab: {  	[sflag:s6] =	ssyncadd.remote.s32 @p0 $0x1;
	_ =	sdelay $0x1  }
0xac: {  	s6 =	simm.s32 @p0 $0x1B8D  }
0xad: {  	_ =	swait.eq @p0 [sflag:s6], $0x1  }
0xae: {  	[sflag:s6] =	ssyncadd.s32 @p0 $0xFFFFFFFF  }
0xaf: {  	s7 =	sshll.u32 @!p0 s1, $0xE  }
0xb0: {  	s7 =	sor.u32 @!p0 $0x4000, s7;
	s6 =	simm.s32 @!p0 $0x1B8D  }
0xb1: {  	s5 =	sshll.u32 @!p0 s5, $0x11;
	s7 =	sadd.s32 @!p0 $0x11B8D, s7;
	_ =	swait.eq @!p0 [sflag:s6], $0x1  }
0xb2: {  	s5 =	sor.u32 @!p0 s5, s7;
	[sflag:s6] =	ssyncadd.s32 @!p0 $0xFFFFFFFF  }
0xb3: {  	s25 =	simm.s32 $0x1B8E;
	s24 =	sld [smem:$0x3FFE];
	[sflag:s5] =	ssyncadd.remote.s32 @!p0 $0x1  }
0xb4: {  	s26 =	simm.s32 $execute0_lowered;
	[smem:$0x3FD2] =	sst s25  }
0xb5: {  	s6 =	sshll.u32 s26, $0x1;
	_ =	strace $0x8000004F;
	[dreg:$0x1] =	wrdreg $0xFFFFFFFF  }
0xb6: {  	s28 =	simm.s32 $_size_execute0_lowered;
	s4 =	sadd.s32 s4, s6;
	[dreg:$0x0] =	wrdreg $0x0  }
0xb7: {  	s6 =	sshll.u32 s28, $0x1;
	[dreg:$0x2] =	wrdreg s4  }
0xb8: {  	[dreg:$0x3] =	wrdreg s6  }
0xb9: {  	[dreg:$0x4] =	wrdreg $0xC0  }
0xba: {  	_ =	task [dreg:s22], $0x5FFFF  }
0xbb: {  	[dreg:$0x1] =	wrdreg $0xFFFFFFFF  }
0xbc: {  	[dreg:$0x0] =	wrdreg $0x60  }
0xbd: {  	[dreg:$0x2] =	wrdreg s18  }
0xbe: {  	[dreg:$0x3] =	wrdreg s24  }
0xbf: {  	[dreg:$0x4] =	wrdreg $0xC  }
0xc0: {  	_ =	task.clear_ibuf [dreg:s22], $0x5FFFF;
	_ =	strace $0x9000004F  }
0xc1: {  	s29 =	simm.s32 $0xC;
	_ =	strace $0x80000051  }
0xc2: {  	_ =	swait.ge [sflag:s29], $0x1  }
0xc3: {  	[sflag:s29] =	ssyncadd.s32 $0xFFFFFFFF  }
0xc4: {  	_ =	strace $0x90000051  }
0xc5: {  	_ =	sfence  }
0xc6: {  	s30 =	sld [smem:$0x0];
	_ =	sdelay $0x2  }
0xc7: {  	s31 =	sshll.u32 s1, $0xD;
	s1 =	sshrl.u32 s1, $0x2  }
0xc8: {  	s4 =	sand.u32 $0x4000, s31;
	s1 =	sadd.s32 s1, s30  }
0xc9: {  	s0 =	sor.u32 s4, s0;
	s1 =	sshll.u32 s1, $0x11  }
0xca: {  	s0 =	sor.u32 s1, s0  }
0xcb: {  	s0 =	sadd.s32 $0x8F2B, s0  }
0xcc: {  	[sflag:s0] =	ssyncadd.remote.s32 $0x1  }
0xcd: {  	_ =	sfence.sel $0xFFFF  }
0xce: {  	[dreg:$0x0] =	wrdreg $0xFFFFFFFF;
	(pc) =	sbr.abs _section_cstart, $3  }
0xcf: {  	[dreg:$0x1] =	wrdreg $0xFFFFFFFF  }
0xd0: {  	_ =	task.clear_ibuf [dreg:s22], $0x2FFFF;
	_ =	strace $0x9FFFFFFF  }
0xd1: {  	(tm) =	ssettm $0x7FFFFFFF  }
tec
execute0_lowered:
.L_overlay_start_1:
0x0: {  	(tag) =	ssettag $0x1  }
0x1: {  	s0 =	srdreg.scid;
	s2 =	rddreg [dreg:$0x0]  }
0x2: {  	s1 =	stileid.u32;
	s4 =	rddreg [dreg:$0x1]  }
0x3: {  	s3 =	simm.s32 $0x0;
	s6 =	simm.s32 $0x1;
	s15 =	simm.s32 $0x3  }
0x4: {  	s16 =	simm.s32 $0x2;
	s17 =	simm.s32 $0x4;
	s19 =	simm.s32 $0x900  }
0x5: {  	s20 =	simm.s32 $0x1100;
	s21 =	simm.s32 $0x1900;
	s28 =	simm.s32 $0x4100  }
0x6: {  	s29 =	simm.s32 $0x4900;
	s30 =	simm.s32 $0x5100;
	s31 =	simm.s32 $0x5900  }
0x7: {  	s8 =	simm.s32 $0x7100;
	s9 =	simm.s32 $0x7900;
	s14 =	simm.s32 $0x8100  }
0x8: {  	s10 =	simm.s32 $0x8900;
	s0 =	sand.u32 $0x1, s0;
	s1 =	sshll.u32 s1, $0x1  }
0x9: {  	s11 =	simm.s32 $0x9100;
	s12 =	simm.s32 $0x9900;
	s1 =	sor.u32 s0, s1  }
0xa: {  	s13 =	simm.s32 $0xA100;
	[smem:$0x7FF] =	sst s3;
	s5 =	sshll.u32 s1, $0x5  }
0xb: {  	_ =	strace $0x80000050;
	s1 =	sshll.u32 s1, $0xE;
	s5 =	sadd.s32 s5, s4  }
0xc: {  	s0 =	ssub.s32 $0x2, s0;
	s1 =	sadd.s32 s1, s4;
	s22 =	sadd.s32 $0x5C00, s5  }
0xd: {  	s24 =	sshrl.u32 s0, $0x1;
	s23 =	sadd.s32 $0x106000, s1;
	[dreg:$0x3] =	wrdreg s22  }
0xe: {  	s0 =	ssub.s32 s0, s24;
	s25 =	sadd.s32 $0x107000, s1;
	[dreg:$0x4] =	wrdreg s23  }
0xf: {  	s4 =	sadd.s32 $0x100, s2;
	s26 =	sadd.s32 $0x108000, s1;
	[dreg:$0x5] =	wrdreg s25  }
0x10: {  	v2 =	vlaneseq.u32;
	s24 =	simm.s32 $0x2900;
	s1 =	sadd.s32 $0x109000, s1;
	[dreg:$0x6] =	wrdreg s26  }
0x11: {  	vm0 =	vmmov $0xffff;
	v1 =	vshrl.u32 v2, $0x3;
	s5 =	smax.u32 s0, $0x1;
	[dreg:$0x7] =	wrdreg s1;
	s22 =	simm.s32 $0x2100  }
0x12: {  	v0 =	vand.u32 $0x7, v2;
	v2 =	vor.u32 $0x8, v2;
	v1 =	vmul.u32 $0x8, v1;
	s25 =	simm.s32 $0x3100;
	s26 =	simm.s32 $0x3900;
	s1 =	simm.s32 $0x6100  }
.LBB2_1:
0x13: {  	s18 =	rddreg [dreg:$0x3];
	s0 =	simm.s32 $0x5  }
0x14: {  	[tilespmem:s3], [sflag:$0x5] =	stream.linear.gather [hbm4b:s18+s3], $0x100, $0x38;
	[tilespmem:$0x10100] =	vst v63  }
0x15: {  	_ =	swait.ge [sflag:s0], $0x100  }
0x16: {  	[sflag:s0] =	ssyncset.done $0x0  }
0x17: {  	[sflag:s0] =	ssyncadd.s32 $0xFFFFFF00  }
0x18: {  	v3 =	vld [tilespmem:$0x0];
	_ =	sdelay $0x4  }
0x19: {  	v4 =	vshll.u32 v3, $0x2  }
0x1a: {  	v3 =	vand.u32 $0x7, v3;
	v4 =	vand.u32 $0xFFFFFFE0, v4  }
0x1b: {  	v3 =	vor.u32 v3, v4  }
0x1c: {  	v4 =	vperm.xlane v3, v0;
	_ =	sdelay $0x1  }
0x1d: {  	v4 =	vadd.s32 v1, v4;
	_ =	sdelay $0x1  }
0x1e: {  	v3 =	vperm.xlane v3, v2;
	_ =	sdelay $0x1  }
0x1f: {  	s18 =	simm.s32 $0x100;
	v3 =	vadd.s32 v1, v3  }
0x20: {  	[tilespmem:s18], [sflag:$0x1] =	stream.indirect_vreg.gather [hbm4b:s2+s3], $0x80, v4, vm0, $0xb8;
	[tilespmem:$0x10100] =	vst v63  }
0x21: {  	_ = 	snop  }
0x22: {  	[tilespmem:s19], [sflag:$0x1] =	stream.indirect_vreg.gather [hbm4b:s4+s3], $0x80, v4, vm0, $0xb8;
	[tilespmem:$0x10100] =	vst v63  }
0x23: {  	_ = 	snop  }
0x24: {  	[tilespmem:s20], [sflag:$0x1] =	stream.indirect_vreg.gather [hbm4b:s2+s3], $0x80, v3, vm0, $0xb8;
	[tilespmem:$0x10100] =	vst v63  }
0x25: {  	_ = 	snop  }
0x26: {  	[tilespmem:s21], [sflag:$0x1] =	stream.indirect_vreg.gather [hbm4b:s4+s3], $0x80, v3, vm0, $0xb8;
	[tilespmem:$0x10100] =	vst v63  }
0x27: {  	v3 =	vld [tilespmem:$0x10];
	_ =	sdelay $0x4  }
0x28: {  	v49 =	vshll.u32 v3, $0x2  }
0x29: {  	v3 =	vand.u32 $0x7, v3;
	v4 =	vand.u32 $0xFFFFFFE0, v49  }
0x2a: {  	v3 =	vor.u32 v3, v4  }
0x2b: {  	v4 =	vperm.xlane v3, v0;
	_ =	sdelay $0x1  }
0x2c: {  	v4 =	vadd.s32 v1, v4;
	_ =	sdelay $0x1  }
0x2d: {  	v3 =	vperm.xlane v3, v2;
	_ =	sdelay $0x1  }
0x2e: {  	v3 =	vadd.s32 v1, v3  }
0x2f: {  	[tilespmem:s22], [sflag:$0x1] =	stream.indirect_vreg.gather [hbm4b:s2+s3], $0x80, v4, vm0, $0xb8;
	[tilespmem:$0x10100] =	vst v63  }
0x30: {  	_ = 	snop  }
0x31: {  	[tilespmem:s24], [sflag:$0x1] =	stream.indirect_vreg.gather [hbm4b:s4+s3], $0x80, v4, vm0, $0xb8;
	[tilespmem:$0x10100] =	vst v63  }
0x32: {  	_ = 	snop  }
0x33: {  	[tilespmem:s25], [sflag:$0x1] =	stream.indirect_vreg.gather [hbm4b:s2+s3], $0x80, v3, vm0, $0xb8;
	[tilespmem:$0x10100] =	vst v63  }
0x34: {  	_ = 	snop  }
0x35: {  	[tilespmem:s26], [sflag:$0x1] =	stream.indirect_vreg.gather [hbm4b:s4+s3], $0x80, v3, vm0, $0xb8;
	[tilespmem:$0x10100] =	vst v63  }
0x36: {  	v3 =	vld [tilespmem:$0x20];
	_ =	sdelay $0x4  }
0x37: {  	v50 =	vshll.u32 v3, $0x2  }
0x38: {  	v3 =	vand.u32 $0x7, v3;
	v4 =	vand.u32 $0xFFFFFFE0, v50  }
0x39: {  	v3 =	vor.u32 v3, v4  }
0x3a: {  	v4 =	vperm.xlane v3, v0;
	_ =	sdelay $0x1  }
0x3b: {  	v4 =	vadd.s32 v1, v4;
	_ =	sdelay $0x1  }
0x3c: {  	v3 =	vperm.xlane v3, v2;
	_ =	sdelay $0x1  }
0x3d: {  	v3 =	vadd.s32 v1, v3  }
0x3e: {  	[tilespmem:s28], [sflag:$0x1] =	stream.indirect_vreg.gather [hbm4b:s2+s3], $0x80, v4, vm0, $0xb8;
	[tilespmem:$0x10100] =	vst v63  }
0x3f: {  	_ = 	snop  }
0x40: {  	[tilespmem:s29], [sflag:$0x1] =	stream.indirect_vreg.gather [hbm4b:s4+s3], $0x80, v4, vm0, $0xb8;
	[tilespmem:$0x10100] =	vst v63  }
0x41: {  	_ = 	snop  }
0x42: {  	[tilespmem:s30], [sflag:$0x1] =	stream.indirect_vreg.gather [hbm4b:s2+s3], $0x80, v3, vm0, $0xb8;
	[tilespmem:$0x10100] =	vst v63  }
0x43: {  	_ = 	snop  }
0x44: {  	[tilespmem:s31], [sflag:$0x1] =	stream.indirect_vreg.gather [hbm4b:s4+s3], $0x80, v3, vm0, $0xb8;
	[tilespmem:$0x10100] =	vst v63  }
0x45: {  	v3 =	vld [tilespmem:$0x30];
	_ =	sdelay $0x4  }
0x46: {  	v51 =	vshll.u32 v3, $0x2  }
0x47: {  	v3 =	vand.u32 $0x7, v3;
	v4 =	vand.u32 $0xFFFFFFE0, v51  }
0x48: {  	v3 =	vor.u32 v3, v4  }
0x49: {  	v4 =	vperm.xlane v3, v0;
	_ =	sdelay $0x1  }
0x4a: {  	v4 =	vadd.s32 v1, v4;
	_ =	sdelay $0x1  }
0x4b: {  	v3 =	vperm.xlane v3, v2;
	_ =	sdelay $0x1  }
0x4c: {  	v3 =	vadd.s32 v1, v3  }
0x4d: {  	[tilespmem:s1], [sflag:$0x1] =	stream.indirect_vreg.gather [hbm4b:s2+s3], $0x80, v4, vm0, $0xb8;
	[tilespmem:$0x10100] =	vst v63  }
0x4e: {  	s0 =	simm.s32 $0x6900  }
0x4f: {  	[tilespmem:s0], [sflag:$0x1] =	stream.indirect_vreg.gather [hbm4b:s4+s3], $0x80, v4, vm0, $0xb8;
	[tilespmem:$0x10100] =	vst v63  }
0x50: {  	_ = 	snop  }
0x51: {  	[tilespmem:s8], [sflag:$0x1] =	stream.indirect_vreg.gather [hbm4b:s2+s3], $0x80, v3, vm0, $0xb8;
	[tilespmem:$0x10100] =	vst v63  }
0x52: {  	_ = 	snop  }
0x53: {  	[tilespmem:s9], [sflag:$0x1] =	stream.indirect_vreg.gather [hbm4b:s4+s3], $0x80, v3, vm0, $0xb8;
	[tilespmem:$0x10100] =	vst v63  }
0x54: {  	v3 =	vld [tilespmem:$0x40];
	_ =	sdelay $0x4  }
0x55: {  	v52 =	vshll.u32 v3, $0x2  }
0x56: {  	v3 =	vand.u32 $0x7, v3;
	v4 =	vand.u32 $0xFFFFFFE0, v52  }
0x57: {  	v3 =	vor.u32 v3, v4  }
0x58: {  	v4 =	vperm.xlane v3, v0;
	_ =	sdelay $0x1  }
0x59: {  	v4 =	vadd.s32 v1, v4;
	_ =	sdelay $0x1  }
0x5a: {  	v3 =	vperm.xlane v3, v2;
	_ =	sdelay $0x1  }
0x5b: {  	v3 =	vadd.s32 v1, v3  }
0x5c: {  	[tilespmem:s14], [sflag:$0x2] =	stream.indirect_vreg.gather [hbm4b:s2+s3], $0x80, v4, vm0, $0xb8;
	[tilespmem:$0x10100] =	vst v63  }
0x5d: {  	_ = 	snop  }
0x5e: {  	[tilespmem:s10], [sflag:$0x2] =	stream.indirect_vreg.gather [hbm4b:s4+s3], $0x80, v4, vm0, $0xb8;
	[tilespmem:$0x10100] =	vst v63  }
0x5f: {  	_ = 	snop  }
0x60: {  	[tilespmem:s11], [sflag:$0x2] =	stream.indirect_vreg.gather [hbm4b:s2+s3], $0x80, v3, vm0, $0xb8;
	[tilespmem:$0x10100] =	vst v63  }
0x61: {  	_ = 	snop  }
0x62: {  	[tilespmem:s12], [sflag:$0x2] =	stream.indirect_vreg.gather [hbm4b:s4+s3], $0x80, v3, vm0, $0xb8;
	[tilespmem:$0x10100] =	vst v63  }
0x63: {  	v3 =	vld [tilespmem:$0x50];
	_ =	sdelay $0x4  }
0x64: {  	v53 =	vshll.u32 v3, $0x2  }
0x65: {  	v3 =	vand.u32 $0x7, v3;
	v4 =	vand.u32 $0xFFFFFFE0, v53  }
0x66: {  	v3 =	vor.u32 v3, v4  }
0x67: {  	v4 =	vperm.xlane v3, v0;
	_ =	sdelay $0x1  }
0x68: {  	v4 =	vadd.s32 v1, v4;
	_ =	sdelay $0x1  }
0x69: {  	v3 =	vperm.xlane v3, v2;
	_ =	sdelay $0x1  }
0x6a: {  	v3 =	vadd.s32 v1, v3  }
0x6b: {  	[tilespmem:s13], [sflag:$0x2] =	stream.indirect_vreg.gather [hbm4b:s2+s3], $0x80, v4, vm0, $0xb8;
	[tilespmem:$0x10100] =	vst v63  }
0x6c: {  	s7 =	simm.s32 $0xA900  }
0x6d: {  	[tilespmem:s7], [sflag:$0x2] =	stream.indirect_vreg.gather [hbm4b:s4+s3], $0x80, v4, vm0, $0xb8;
	[tilespmem:$0x10100] =	vst v63  }
0x6e: {  	s7 =	simm.s32 $0xB100  }
0x6f: {  	[tilespmem:s7], [sflag:$0x2] =	stream.indirect_vreg.gather [hbm4b:s2+s3], $0x80, v3, vm0, $0xb8;
	[tilespmem:$0x10100] =	vst v63  }
0x70: {  	s23 =	simm.s32 $0xB900  }
0x71: {  	[tilespmem:s23], [sflag:$0x2] =	stream.indirect_vreg.gather [hbm4b:s4+s3], $0x80, v3, vm0, $0xb8;
	[tilespmem:$0x10100] =	vst v63  }
0x72: {  	v3 =	vld [tilespmem:$0x60];
	_ =	sdelay $0x4  }
0x73: {  	v54 =	vshll.u32 v3, $0x2  }
0x74: {  	v3 =	vand.u32 $0x7, v3;
	v4 =	vand.u32 $0xFFFFFFE0, v54  }
0x75: {  	v3 =	vor.u32 v3, v4  }
0x76: {  	v4 =	vperm.xlane v3, v0;
	_ =	sdelay $0x1  }
0x77: {  	v4 =	vadd.s32 v1, v4;
	_ =	sdelay $0x1  }
0x78: {  	v3 =	vperm.xlane v3, v2;
	_ =	sdelay $0x1  }
0x79: {  	s23 =	simm.s32 $0xC100;
	v3 =	vadd.s32 v1, v3  }
0x7a: {  	[tilespmem:s23], [sflag:$0x2] =	stream.indirect_vreg.gather [hbm4b:s2+s3], $0x80, v4, vm0, $0xb8;
	[tilespmem:$0x10100] =	vst v63  }
0x7b: {  	s23 =	simm.s32 $0xC900  }
0x7c: {  	[tilespmem:s23], [sflag:$0x2] =	stream.indirect_vreg.gather [hbm4b:s4+s3], $0x80, v4, vm0, $0xb8;
	[tilespmem:$0x10100] =	vst v63  }
0x7d: {  	s23 =	simm.s32 $0xD100  }
0x7e: {  	[tilespmem:s23], [sflag:$0x2] =	stream.indirect_vreg.gather [hbm4b:s2+s3], $0x80, v3, vm0, $0xb8;
	[tilespmem:$0x10100] =	vst v63  }
0x7f: {  	s23 =	simm.s32 $0xD900  }
0x80: {  	[tilespmem:s23], [sflag:$0x2] =	stream.indirect_vreg.gather [hbm4b:s4+s3], $0x80, v3, vm0, $0xb8;
	[tilespmem:$0x10100] =	vst v63  }
0x81: {  	v3 =	vld [tilespmem:$0x70];
	_ =	sdelay $0x4  }
0x82: {  	v55 =	vshll.u32 v3, $0x2  }
0x83: {  	v3 =	vand.u32 $0x7, v3;
	v4 =	vand.u32 $0xFFFFFFE0, v55  }
0x84: {  	v3 =	vor.u32 v3, v4  }
0x85: {  	v4 =	vperm.xlane v3, v0;
	_ =	sdelay $0x1  }
0x86: {  	v4 =	vadd.s32 v1, v4;
	_ =	sdelay $0x1  }
0x87: {  	v3 =	vperm.xlane v3, v2;
	_ =	sdelay $0x1  }
0x88: {  	s23 =	simm.s32 $0xE100;
	v3 =	vadd.s32 v1, v3  }
0x89: {  	[tilespmem:s23], [sflag:$0x2] =	stream.indirect_vreg.gather [hbm4b:s2+s3], $0x80, v4, vm0, $0xb8;
	[tilespmem:$0x10100] =	vst v63  }
0x8a: {  	s23 =	simm.s32 $0xE900  }
0x8b: {  	[tilespmem:s23], [sflag:$0x2] =	stream.indirect_vreg.gather [hbm4b:s4+s3], $0x80, v4, vm0, $0xb8;
	[tilespmem:$0x10100] =	vst v63  }
0x8c: {  	s23 =	simm.s32 $0xF100  }
0x8d: {  	[tilespmem:s23], [sflag:$0x2] =	stream.indirect_vreg.gather [hbm4b:s2+s3], $0x80, v3, vm0, $0xb8;
	[tilespmem:$0x10100] =	vst v63  }
0x8e: {  	s23 =	simm.s32 $0xF900  }
0x8f: {  	[tilespmem:s23], [sflag:$0x2] =	stream.indirect_vreg.gather [hbm4b:s4+s3], $0x80, v3, vm0, $0xb8;
	[tilespmem:$0x10100] =	vst v63  }
0x90: {  	_ =	swait.ge [sflag:s6], $0x8000  }
0x91: {  	[sflag:s6] =	ssyncset.done $0x0  }
0x92: {  	s23 =	simm.s32 $0x100;
	s18 =	rddreg [dreg:$0x4];
	[sflag:s6] =	ssyncadd.s32 $0xFFFF8000  }
0x93: {  	[hbm4b:s18+s3] =	stream.linear.scatter [tilespmem:s23], [sflag:$0x3], $0x8000, $0x38;
	[tilespmem:$0x10100] =	vst v63  }
0x94: {  	_ =	swait.ge [sflag:s15], $0x8000  }
0x95: {  	[sflag:s15] =	ssyncset.done $0x0  }
0x96: {  	[sflag:s15] =	ssyncadd.s32 $0xFFFF8000  }
0x97: {  	v3 =	vld [tilespmem:$0x80];
	_ =	sdelay $0x4  }
0x98: {  	v56 =	vshll.u32 v3, $0x2  }
0x99: {  	v3 =	vand.u32 $0x7, v3;
	v4 =	vand.u32 $0xFFFFFFE0, v56  }
0x9a: {  	v3 =	vor.u32 v3, v4  }
0x9b: {  	v4 =	vperm.xlane v3, v0;
	_ =	sdelay $0x1  }
0x9c: {  	v4 =	vadd.s32 v1, v4;
	_ =	sdelay $0x1  }
0x9d: {  	v3 =	vperm.xlane v3, v2;
	_ =	sdelay $0x1  }
0x9e: {  	v3 =	vadd.s32 v1, v3  }
0x9f: {  	[tilespmem:s23], [sflag:$0x1] =	stream.indirect_vreg.gather [hbm4b:s2+s3], $0x80, v4, vm0, $0xb8;
	[tilespmem:$0x10100] =	vst v63  }
0xa0: {  	_ = 	snop  }
0xa1: {  	[tilespmem:s19], [sflag:$0x1] =	stream.indirect_vreg.gather [hbm4b:s4+s3], $0x80, v4, vm0, $0xb8;
	[tilespmem:$0x10100] =	vst v63  }
0xa2: {  	_ = 	snop  }
0xa3: {  	[tilespmem:s20], [sflag:$0x1] =	stream.indirect_vreg.gather [hbm4b:s2+s3], $0x80, v3, vm0, $0xb8;
	[tilespmem:$0x10100] =	vst v63  }
0xa4: {  	_ = 	snop  }
0xa5: {  	[tilespmem:s21], [sflag:$0x1] =	stream.indirect_vreg.gather [hbm4b:s4+s3], $0x80, v3, vm0, $0xb8;
	[tilespmem:$0x10100] =	vst v63  }
0xa6: {  	v3 =	vld [tilespmem:$0x90];
	_ =	sdelay $0x4  }
0xa7: {  	v57 =	vshll.u32 v3, $0x2  }
0xa8: {  	v3 =	vand.u32 $0x7, v3;
	v4 =	vand.u32 $0xFFFFFFE0, v57  }
0xa9: {  	v3 =	vor.u32 v3, v4  }
0xaa: {  	v4 =	vperm.xlane v3, v0;
	_ =	sdelay $0x1  }
0xab: {  	v4 =	vadd.s32 v1, v4;
	_ =	sdelay $0x1  }
0xac: {  	v3 =	vperm.xlane v3, v2;
	_ =	sdelay $0x1  }
0xad: {  	v3 =	vadd.s32 v1, v3  }
0xae: {  	[tilespmem:s22], [sflag:$0x1] =	stream.indirect_vreg.gather [hbm4b:s2+s3], $0x80, v4, vm0, $0xb8;
	[tilespmem:$0x10100] =	vst v63  }
0xaf: {  	_ = 	snop  }
0xb0: {  	[tilespmem:s24], [sflag:$0x1] =	stream.indirect_vreg.gather [hbm4b:s4+s3], $0x80, v4, vm0, $0xb8;
	[tilespmem:$0x10100] =	vst v63  }
0xb1: {  	_ = 	snop  }
0xb2: {  	[tilespmem:s25], [sflag:$0x1] =	stream.indirect_vreg.gather [hbm4b:s2+s3], $0x80, v3, vm0, $0xb8;
	[tilespmem:$0x10100] =	vst v63  }
0xb3: {  	_ = 	snop  }
0xb4: {  	[tilespmem:s26], [sflag:$0x1] =	stream.indirect_vreg.gather [hbm4b:s4+s3], $0x80, v3, vm0, $0xb8;
	[tilespmem:$0x10100] =	vst v63  }
0xb5: {  	v3 =	vld [tilespmem:$0xA0];
	_ =	sdelay $0x4  }
0xb6: {  	v58 =	vshll.u32 v3, $0x2  }
0xb7: {  	v3 =	vand.u32 $0x7, v3;
	v4 =	vand.u32 $0xFFFFFFE0, v58  }
0xb8: {  	v3 =	vor.u32 v3, v4  }
0xb9: {  	v4 =	vperm.xlane v3, v0;
	_ =	sdelay $0x1  }
0xba: {  	v4 =	vadd.s32 v1, v4;
	_ =	sdelay $0x1  }
0xbb: {  	v3 =	vperm.xlane v3, v2;
	_ =	sdelay $0x1  }
0xbc: {  	v3 =	vadd.s32 v1, v3  }
0xbd: {  	[tilespmem:s28], [sflag:$0x1] =	stream.indirect_vreg.gather [hbm4b:s2+s3], $0x80, v4, vm0, $0xb8;
	[tilespmem:$0x10100] =	vst v63  }
0xbe: {  	_ = 	snop  }
0xbf: {  	[tilespmem:s29], [sflag:$0x1] =	stream.indirect_vreg.gather [hbm4b:s4+s3], $0x80, v4, vm0, $0xb8;
	[tilespmem:$0x10100] =	vst v63  }
0xc0: {  	_ = 	snop  }
0xc1: {  	[tilespmem:s30], [sflag:$0x1] =	stream.indirect_vreg.gather [hbm4b:s2+s3], $0x80, v3, vm0, $0xb8;
	[tilespmem:$0x10100] =	vst v63  }
0xc2: {  	_ = 	snop  }
0xc3: {  	[tilespmem:s31], [sflag:$0x1] =	stream.indirect_vreg.gather [hbm4b:s4+s3], $0x80, v3, vm0, $0xb8;
	[tilespmem:$0x10100] =	vst v63  }
0xc4: {  	v3 =	vld [tilespmem:$0xB0];
	_ =	sdelay $0x4  }
0xc5: {  	v59 =	vshll.u32 v3, $0x2  }
0xc6: {  	v3 =	vand.u32 $0x7, v3;
	v4 =	vand.u32 $0xFFFFFFE0, v59  }
0xc7: {  	v3 =	vor.u32 v3, v4  }
0xc8: {  	v4 =	vperm.xlane v3, v0;
	_ =	sdelay $0x1  }
0xc9: {  	v4 =	vadd.s32 v1, v4;
	_ =	sdelay $0x1  }
0xca: {  	v3 =	vperm.xlane v3, v2;
	_ =	sdelay $0x1  }
0xcb: {  	v3 =	vadd.s32 v1, v3  }
0xcc: {  	[tilespmem:s1], [sflag:$0x1] =	stream.indirect_vreg.gather [hbm4b:s2+s3], $0x80, v4, vm0, $0xb8;
	[tilespmem:$0x10100] =	vst v63  }
0xcd: {  	_ = 	snop  }
0xce: {  	[tilespmem:s0], [sflag:$0x1] =	stream.indirect_vreg.gather [hbm4b:s4+s3], $0x80, v4, vm0, $0xb8;
	[tilespmem:$0x10100] =	vst v63  }
0xcf: {  	_ = 	snop  }
0xd0: {  	[tilespmem:s8], [sflag:$0x1] =	stream.indirect_vreg.gather [hbm4b:s2+s3], $0x80, v3, vm0, $0xb8;
	[tilespmem:$0x10100] =	vst v63  }
0xd1: {  	_ = 	snop  }
0xd2: {  	[tilespmem:s9], [sflag:$0x1] =	stream.indirect_vreg.gather [hbm4b:s4+s3], $0x80, v3, vm0, $0xb8;
	[tilespmem:$0x10100] =	vst v63  }
0xd3: {  	_ =	swait.ge [sflag:s16], $0x8000  }
0xd4: {  	[sflag:s16] =	ssyncset.done $0x0  }
0xd5: {  	s0 =	rddreg [dreg:$0x5];
	[sflag:s16] =	ssyncadd.s32 $0xFFFF8000  }
0xd6: {  	[hbm4b:s0+s3] =	stream.linear.scatter [tilespmem:s14], [sflag:$0x4], $0x8000, $0x38;
	[tilespmem:$0x10100] =	vst v63  }
0xd7: {  	_ =	swait.ge [sflag:s17], $0x8000  }
0xd8: {  	[sflag:s17] =	ssyncset.done $0x0  }
0xd9: {  	[sflag:s17] =	ssyncadd.s32 $0xFFFF8000  }
0xda: {  	v3 =	vld [tilespmem:$0xC0];
	_ =	sdelay $0x4  }
0xdb: {  	v60 =	vshll.u32 v3, $0x2  }
0xdc: {  	v3 =	vand.u32 $0x7, v3;
	v4 =	vand.u32 $0xFFFFFFE0, v60  }
0xdd: {  	v3 =	vor.u32 v3, v4  }
0xde: {  	v4 =	vperm.xlane v3, v0;
	_ =	sdelay $0x1  }
0xdf: {  	v4 =	vadd.s32 v1, v4;
	_ =	sdelay $0x1  }
0xe0: {  	v3 =	vperm.xlane v3, v2;
	_ =	sdelay $0x1  }
0xe1: {  	v3 =	vadd.s32 v1, v3  }
0xe2: {  	[tilespmem:s14], [sflag:$0x2] =	stream.indirect_vreg.gather [hbm4b:s2+s3], $0x80, v4, vm0, $0xb8;
	[tilespmem:$0x10100] =	vst v63  }
0xe3: {  	_ = 	snop  }
0xe4: {  	[tilespmem:s10], [sflag:$0x2] =	stream.indirect_vreg.gather [hbm4b:s4+s3], $0x80, v4, vm0, $0xb8;
	[tilespmem:$0x10100] =	vst v63  }
0xe5: {  	_ = 	snop  }
0xe6: {  	[tilespmem:s11], [sflag:$0x2] =	stream.indirect_vreg.gather [hbm4b:s2+s3], $0x80, v3, vm0, $0xb8;
	[tilespmem:$0x10100] =	vst v63  }
0xe7: {  	_ = 	snop  }
0xe8: {  	[tilespmem:s12], [sflag:$0x2] =	stream.indirect_vreg.gather [hbm4b:s4+s3], $0x80, v3, vm0, $0xb8;
	[tilespmem:$0x10100] =	vst v63  }
0xe9: {  	v3 =	vld [tilespmem:$0xD0];
	_ =	sdelay $0x4  }
0xea: {  	v61 =	vshll.u32 v3, $0x2  }
0xeb: {  	v3 =	vand.u32 $0x7, v3;
	v4 =	vand.u32 $0xFFFFFFE0, v61  }
0xec: {  	v3 =	vor.u32 v3, v4  }
0xed: {  	v4 =	vperm.xlane v3, v0;
	_ =	sdelay $0x1  }
0xee: {  	v4 =	vadd.s32 v1, v4;
	_ =	sdelay $0x1  }
0xef: {  	v3 =	vperm.xlane v3, v2;
	_ =	sdelay $0x1  }
0xf0: {  	v3 =	vadd.s32 v1, v3  }
0xf1: {  	[tilespmem:s13], [sflag:$0x2] =	stream.indirect_vreg.gather [hbm4b:s2+s3], $0x80, v4, vm0, $0xb8;
	[tilespmem:$0x10100] =	vst v63  }
0xf2: {  	s18 =	simm.s32 $0xA900  }
0xf3: {  	[tilespmem:s18], [sflag:$0x2] =	stream.indirect_vreg.gather [hbm4b:s4+s3], $0x80, v4, vm0, $0xb8;
	[tilespmem:$0x10100] =	vst v63  }
0xf4: {  	_ = 	snop  }
0xf5: {  	[tilespmem:s7], [sflag:$0x2] =	stream.indirect_vreg.gather [hbm4b:s2+s3], $0x80, v3, vm0, $0xb8;
	[tilespmem:$0x10100] =	vst v63  }
0xf6: {  	s18 =	simm.s32 $0xB900  }
0xf7: {  	[tilespmem:s18], [sflag:$0x2] =	stream.indirect_vreg.gather [hbm4b:s4+s3], $0x80, v3, vm0, $0xb8;
	[tilespmem:$0x10100] =	vst v63  }
0xf8: {  	v3 =	vld [tilespmem:$0xE0];
	_ =	sdelay $0x4  }
0xf9: {  	v62 =	vshll.u32 v3, $0x2  }
0xfa: {  	v3 =	vand.u32 $0x7, v3;
	v4 =	vand.u32 $0xFFFFFFE0, v62  }
0xfb: {  	v3 =	vor.u32 v3, v4  }
0xfc: {  	v4 =	vperm.xlane v3, v0;
	_ =	sdelay $0x1  }
0xfd: {  	v4 =	vadd.s32 v1, v4;
	_ =	sdelay $0x1  }
0xfe: {  	v3 =	vperm.xlane v3, v2;
	_ =	sdelay $0x1  }
0xff: {  	s7 =	simm.s32 $0xC100;
	v3 =	vadd.s32 v1, v3  }
0x100: {  	[tilespmem:s7], [sflag:$0x2] =	stream.indirect_vreg.gather [hbm4b:s2+s3], $0x80, v4, vm0, $0xb8;
	[tilespmem:$0x10100] =	vst v63  }
0x101: {  	s18 =	simm.s32 $0xC900  }
0x102: {  	[tilespmem:s18], [sflag:$0x2] =	stream.indirect_vreg.gather [hbm4b:s4+s3], $0x80, v4, vm0, $0xb8;
	[tilespmem:$0x10100] =	vst v63  }
0x103: {  	s7 =	simm.s32 $0xD100  }
0x104: {  	[tilespmem:s7], [sflag:$0x2] =	stream.indirect_vreg.gather [hbm4b:s2+s3], $0x80, v3, vm0, $0xb8;
	[tilespmem:$0x10100] =	vst v63  }
0x105: {  	s18 =	simm.s32 $0xD900  }
0x106: {  	[tilespmem:s18], [sflag:$0x2] =	stream.indirect_vreg.gather [hbm4b:s4+s3], $0x80, v3, vm0, $0xb8;
	[tilespmem:$0x10100] =	vst v63  }
0x107: {  	v3 =	vld [tilespmem:$0xF0];
	_ =	sdelay $0x4  }
0x108: {  	v63 =	vshll.u32 v3, $0x2  }
0x109: {  	v3 =	vand.u32 $0x7, v3;
	v4 =	vand.u32 $0xFFFFFFE0, v63  }
0x10a: {  	v3 =	vor.u32 v3, v4  }
0x10b: {  	v4 =	vperm.xlane v3, v0;
	_ =	sdelay $0x1  }
0x10c: {  	v4 =	vadd.s32 v1, v4;
	_ =	sdelay $0x1  }
0x10d: {  	v3 =	vperm.xlane v3, v2;
	_ =	sdelay $0x1  }
0x10e: {  	s7 =	simm.s32 $0xE100;
	v3 =	vadd.s32 v1, v3  }
0x10f: {  	[tilespmem:s7], [sflag:$0x2] =	stream.indirect_vreg.gather [hbm4b:s2+s3], $0x80, v4, vm0, $0xb8;
	[tilespmem:$0x10100] =	vst v63  }
0x110: {  	s18 =	simm.s32 $0xE900  }
0x111: {  	[tilespmem:s18], [sflag:$0x2] =	stream.indirect_vreg.gather [hbm4b:s4+s3], $0x80, v4, vm0, $0xb8;
	[tilespmem:$0x10100] =	vst v63  }
0x112: {  	s7 =	simm.s32 $0xF100  }
0x113: {  	[tilespmem:s7], [sflag:$0x2] =	stream.indirect_vreg.gather [hbm4b:s2+s3], $0x80, v3, vm0, $0xb8;
	[tilespmem:$0x10100] =	vst v63  }
0x114: {  	s18 =	simm.s32 $0xF900  }
0x115: {  	[tilespmem:s18], [sflag:$0x2] =	stream.indirect_vreg.gather [hbm4b:s4+s3], $0x80, v3, vm0, $0xb8;
	[tilespmem:$0x10100] =	vst v63  }
0x116: {  	_ =	swait.ge [sflag:s6], $0x8000  }
0x117: {  	[sflag:s6] =	ssyncset.done $0x0  }
0x118: {  	s23 =	simm.s32 $0x100;
	s7 =	rddreg [dreg:$0x6];
	[sflag:s6] =	ssyncadd.s32 $0xFFFF8000  }
0x119: {  	[hbm4b:s7+s3] =	stream.linear.scatter [tilespmem:s23], [sflag:$0x3], $0x8000, $0x38;
	[tilespmem:$0x10100] =	vst v63  }
0x11a: {  	_ =	swait.ge [sflag:s16], $0x8000  }
0x11b: {  	[sflag:s16] =	ssyncset.done $0x0  }
0x11c: {  	s23 =	rddreg [dreg:$0x7];
	[sflag:s16] =	ssyncadd.s32 $0xFFFF8000  }
0x11d: {  	[hbm4b:s23+s3] =	stream.linear.scatter [tilespmem:s14], [sflag:$0x4], $0x8000, $0x38;
	[tilespmem:$0x10100] =	vst v63  }
0x11e: {  	p0 =	sne.s32 s5, $0x1;
	_ =	swait.ge [sflag:s17], $0x8000  }
.Ltmp0:
0x11f: {  	[sflag:s17] =	ssyncset.done $0x0;
	(pc) =	sbr.rel @p0 .LBB2_1-.Ltmp0, $4  }
0x120: {  	[sflag:s17] =	ssyncadd.s32 $0xFFFF8000  }
0x121: {  	_ =	swait.ge [sflag:s15], $0x8000  }
0x122: {  	[sflag:s15] =	ssyncset.done $0x0  }
0x123: {  	s5 =	sadd.s32 $0xFFFFFFFF, s5;
	[sflag:s15] =	ssyncadd.s32 $0xFFFF8000  }
0x124: {  	_ =	sfence.sel $0x180000  }
0x125: {  	[bflag:$0x0] =	sbarrier.arrive $0xFFFF  }
0x126: {  	_ =	strace $0x90000050  }
0x127: {  	s0 =	stileid.u32;
	[bflag:$0x2] =	sbarrier.arrive $0xFFFF  }
0x128: {  	p0 =	sne.s32 s0, $0x0;
	s0 =	rddreg [dreg:$0x2]  }
0x129: {  	s0 =	sadd.s32 @!p0 $0x100000, s0  }
0x12a: {  	[sflag:s0] =	ssyncadd.tile.s32 @!p0 $0x1;
	_ =	shalt  }
.Lfunc_end2:
_tile_overlayer_lowered:
.L_overlay_start_2:
0x12b: {  	(tag) =	ssettag $0x2  }
0x12c: {  	s0 =	rddreg [dreg:$0x0];
	s2 =	stileid.u32  }
0x12d: {  	s1 =	rddreg [dreg:$0x1];
	p0 =	sne.s32 s2, $0x0  }
0x12e: {  	s3 =	rddreg [dreg:$0x2];
	[bflag:$0x3] =	sbarrier.arrive $0xFFFF;
	s2 =	simm.s32 @!p0 $0x1C05  }
0x12f: {  	[timem:s3], [sflag:s2] =	dma.local @!p0 [hbm:s0], s1  }
0x130: {  	s0 =	simm.s32 @!p0 $0x5  }
0x131: {  	_ =	swait.ge @!p0 [sflag:s0], s1  }
0x132: {  	s1 =	ssub.s32 @!p0 $0x0, s1;
	[sflag:s0] =	ssyncset.done @!p0 $0x0  }
0x133: {  	[sflag:s0] =	ssyncadd.s32 @!p0 s1  }
0x134: {  	[bflag:$0x3] =	sbarrier.arrive $0xFFFF  }
0x135: {  	_ =	shalt  }

// kernel: kernel.24.cloned.1.call-start
scs
__scs_entry_jumppad:
0x0: {  	(pc) =	sbr.rel $0x88, $3  }
0x1: {  	(tag) =	ssettag $0x0;
	lr =	simm.s32 $0x1  }
0x2: {  	[smem:$0x3F99] =	sst lr;
	_ =	strace $0xD0000000  }
0x3: {  	_ = 	snop  }
0x4: {  	_ = 	snop  }
0x5: {  	_ = 	snop  }
0x6: {  	_ = 	snop  }
0x7: {  	_ = 	snop  }
__scs_overlays_trampoline_lowered:
0x8: {  	[smem:$0x3FA8] =	sst s0  }
0x9: {  	[smem:$0x3FA9] =	sst s1  }
0xa: {  	[smem:$0x3FAA] =	sst s2  }
0xb: {  	[smem:$0x3FAB] =	sst s3  }
0xc: {  	[smem:$0x3FAC] =	sst s4  }
0xd: {  	[smem:$0x3FAD] =	sst s5  }
0xe: {  	[smem:$0x3FAE] =	sst s6  }
0xf: {  	[smem:$0x3FAF] =	sst s7  }
0x10: {  	[smem:$0x3FB0] =	sst s8  }
0x11: {  	[smem:$0x3FB1] =	sst s9;
	s0 =	simm.s32 @!p0 $0x0  }
0x12: {  	s1 =	sld [smem:$0x3F97];
	s0 =	simm.s32 @p0 $0x1  }
0x13: {  	[smem:$0x3FB2] =	sst s0;
	s0 =	simm.s32 @!p1 $0x0  }
0x14: {  	s2 =	sld [smem:$0x3F96];
	s0 =	simm.s32 @p1 $0x1  }
0x15: {  	[smem:$0x3FB3] =	sst s0;
	s0 =	simm.s32 @!p2 $0x0  }
0x16: {  	s3 =	sld [smem:$0x3FDB];
	s0 =	simm.s32 @p2 $0x1  }
0x17: {  	s4 =	simm.s32 $0x1BF5;
	[smem:$0x3FB5] =	sst s0  }
0x18: {  	s0 =	sld [smem:$0x3F98];
	_ =	swait.ge [sflag:s4], $0x0  }
0x19: {  	s7 =	sld [smem:$0x3F99]  }
0x1a: {  	s8 =	sadd.s32 $0xFFFFE003, lr  }
0x1b: {  	s9 =	sadd.s32 $0xFFFFFEF7, lr;
	s5 =	simm.s32 $0xFFFFFFFF;
	p2 =	slt.u32 s8, $0xFFFFF086  }
0x1c: {  	p1 =	slt.u32 s9, $0xF7A;
	s5 =	simm.s32 @!p2 $0x0  }
0x1d: {  	s5 =	simm.s32 @p1 $0x1;
	p0 =	seq.s32 s7, s2  }
0x1e: {  	s7 =	smul.u32 @!p0 $0xF7A, s2;
	p2 =	seq.s32 @!p0 s5, $0x0  }
0x1f: {  	s9 =	smul.u32 $0xF7A, s1;
	s8 =	simm.s32 @!p0 $0x1BF5;
	p2 =	por !p2, p0  }
0x20: {  	[sflag:s8] =	ssyncset.s32 @!p0 $0xFFFFF086;
	s6 =	sadd.s32 @!p0 s3, s7;
	s7 =	simm.s32 @!p0 $0x108  }
0x21: {  	s3 =	sadd.s32 s3, s9;
	s6 =	sadd.s32 @!p0 $0x88, s6;
	s7 =	simm.s32 @p2 $0x1082  }
0x22: {  	[simem:s7], [sflag:s8] =	dma.local @!p0 [hbm:s6], $0xF7A  }
0x23: {  	s9 =	sor.u32 $0xD0000000, s2;
	s6 =	simm.s32 $0x108;
	_ =	swait.ge @!p0 [sflag:s8], $0x0  }
0x24: {  	s3 =	sadd.s32 $0x88, s3;
	s6 =	simm.s32 @!p1 $0x1082;
	[sflag:s4] =	ssyncset.s32 $0xFFFFF086  }
0x25: {  	[simem:s6], [sflag:s4] =	dma.local [hbm:s3], $0xF7A  }
0x26: {  	[smem:$0x3F99] =	sst s1;
	(tag) =	ssettag s2;
	_ =	strace s9  }
0x27: {  	s1 =	sld [smem:$0x3FA9]  }
0x28: {  	s2 =	sld [smem:$0x3FAA]  }
0x29: {  	s4 =	sld [smem:$0x3FAC]  }
0x2a: {  	p0 =	seq.s32 s5, $0x0;
	s5 =	sld [smem:$0x3FAD]  }
0x2b: {  	s6 =	sld [smem:$0x3FAE]  }
0x2c: {  	s7 =	sld [smem:$0x3FAF]  }
0x2d: {  	s3 =	simm.s32 $0x108;
	s8 =	sld [smem:$0x3FB0]  }
0x2e: {  	s3 =	simm.s32 @!p0 $0x1082;
	s9 =	sld [smem:$0x3FB1]  }
0x2f: {  	lr =	sadd.s32 s0, s3;
	s0 =	sld [smem:$0x3FA8]  }
0x30: {  	s3 =	sld [smem:$0x3FAB]  }
0x31: {  	[smem:$0x3FB4] =	sst s10  }
0x32: {  	s10 =	sld [smem:$0x3FB2];
	_ =	sdelay $0x3  }
0x33: {  	p0 =	seq.s32 s10, $0x1;
	s10 =	sld [smem:$0x3FB4];
	_ =	sdelay $0x3  }
0x34: {  	[smem:$0x3FB4] =	sst s10  }
0x35: {  	s10 =	sld [smem:$0x3FB3];
	_ =	sdelay $0x3  }
0x36: {  	p1 =	seq.s32 s10, $0x1;
	s10 =	sld [smem:$0x3FB4];
	_ =	sdelay $0x3  }
0x37: {  	[smem:$0x3FB4] =	sst s10  }
0x38: {  	s10 =	sld [smem:$0x3FB5]  }
0x39: {  	_ = 	snop;
	(pc) =	sbr.ind lr, $3  }
0x3a: {  	_ = 	snop  }
0x3b: {  	_ = 	snop  }
0x3c: {  	p2 =	seq.s32 s10, $0x1;
	s10 =	sld [smem:$0x3FB4]  }
0x3d: {  	_ =	shalt  }
0x3e: {  	_ =	shalt  }
0x3f: {  	_ =	shalt  }
0x40: {  	_ =	shalt  }
0x41: {  	_ =	shalt  }
0x42: {  	_ =	shalt  }
0x43: {  	_ =	shalt  }
0x44: {  	_ =	shalt  }
0x45: {  	_ =	shalt  }
0x46: {  	_ =	shalt  }
0x47: {  	_ =	shalt  }
0x48: {  	_ =	shalt  }
0x49: {  	_ =	shalt  }
0x4a: {  	_ =	shalt  }
0x4b: {  	_ =	shalt  }
0x4c: {  	_ =	shalt  }
0x4d: {  	_ =	shalt  }
0x4e: {  	_ =	shalt  }
0x4f: {  	_ =	shalt  }
0x50: {  	_ =	shalt  }
0x51: {  	_ =	shalt  }
0x52: {  	_ =	shalt  }
0x53: {  	_ =	shalt  }
0x54: {  	_ =	shalt  }
0x55: {  	_ =	shalt  }
0x56: {  	_ =	shalt  }
0x57: {  	_ =	shalt  }
0x58: {  	_ =	shalt  }
0x59: {  	_ =	shalt  }
0x5a: {  	_ =	shalt  }
0x5b: {  	_ =	shalt  }
0x5c: {  	_ =	shalt  }
0x5d: {  	_ =	shalt  }
0x5e: {  	_ =	shalt  }
0x5f: {  	_ =	shalt  }
0x60: {  	_ =	shalt  }
0x61: {  	_ =	shalt  }
0x62: {  	_ =	shalt  }
0x63: {  	_ =	shalt  }
0x64: {  	_ =	shalt  }
0x65: {  	_ =	shalt  }
0x66: {  	_ =	shalt  }
0x67: {  	_ =	shalt  }
0x68: {  	_ =	shalt  }
0x69: {  	_ =	shalt  }
0x6a: {  	_ =	shalt  }
0x6b: {  	_ =	shalt  }
0x6c: {  	_ =	shalt  }
0x6d: {  	_ =	shalt  }
0x6e: {  	_ =	shalt  }
0x6f: {  	_ =	shalt  }
0x70: {  	_ =	shalt  }
0x71: {  	_ =	shalt  }
0x72: {  	_ =	shalt  }
0x73: {  	_ =	shalt  }
0x74: {  	_ =	shalt  }
0x75: {  	_ =	shalt  }
0x76: {  	_ =	shalt  }
0x77: {  	_ =	shalt  }
0x78: {  	_ =	shalt  }
0x79: {  	_ =	shalt  }
0x7a: {  	_ =	shalt  }
0x7b: {  	_ =	shalt  }
0x7c: {  	_ =	shalt  }
0x7d: {  	_ =	shalt  }
0x7e: {  	_ =	shalt  }
0x7f: {  	_ =	shalt  }
0x80: {  	_ =	shalt  }
0x81: {  	_ =	shalt  }
0x82: {  	_ =	shalt  }
0x83: {  	_ =	shalt  }
0x84: {  	_ =	shalt  }
0x85: {  	_ =	shalt  }
0x86: {  	_ =	shalt  }
0x87: {  	_ =	shalt  }
.Lfunc_end0:
.L_simem_size_0:
called_computation.4_lowered:
.L_overlay_start_0:
0x88: {  	s2 =	sld [smem:$0x3FD9]  }
0x89: {  	s3 =	sld [smem:$0x3FFE];
	_ =	sdelay $0x1  }
0x8a: {  	s1 =	srdreg.scid  }
0x8b: {  	s0 =	sand.u32 $0x1, s1  }
0x8c: {  	s17 =	sshll.u32 s0, $0xA;
	s2 =	sadd.s32 s3, s2  }
0x8d: {  	s2 =	sadd.s32 s2, s17  }
0x8e: {  	[smem:$0x3FC0] =	sst s2  }
0x8f: {  	_ = 	snop  }
0x90: {  	s18 =	sld [smem:$0x3FC9];
	(tm) =	ssettm $0x1  }
0x91: {  	s19 =	sld [smem:$0x3FFB];
	_ =	sdelay $0x3  }
0x92: {  	_ =	strace s19  }
0x93: {  	s2 =	sld [smem:$0x3FFC];
	_ =	sdelay $0x3  }
0x94: {  	_ =	strace s2  }
0x95: {  	s2 =	sld [smem:$0x3FFD];
	_ =	sdelay $0x3  }
0x96: {  	_ =	strace s2  }
0x97: {  	_ =	strace $0x8FFFFFFF  }
0x98: {  	s20 =	sld [smem:$0x3FDB];
	_ =	sdelay $0x1  }
0x99: {  	s4 =	simm.s32 $_scs_section_size  }
0x9a: {  	s5 =	simm.s32 $_size__tile_overlayer_lowered;
	s6 =	simm.s32 $_tile_overlayer_lowered  }
0x9b: {  	s7 =	simm.s32 $0x1BFF;
	s21 =	sshll.u32 s6, $0x1;
	s4 =	sadd.s32 s4, s20  }
0x9c: {  	s22 =	simm.s32 $0x0;
	s5 =	sshll.u32 s5, $0x1;
	s6 =	sadd.s32 s21, s4  }
0x9d: {  	[timem:s22], [sflag:s7] =	dma.local [hbm:s6], s5  }
0x9e: {  	_ =	swait.ge [sflag:s7], s5  }
0x9f: {  	s5 =	ssub.s32 $0x0, s5;
	[sflag:s7] =	ssyncset.done $0x0  }
0xa0: {  	[sflag:s7] =	ssyncadd.s32 s5;
	_ =	sdelay $0x1  }
0xa1: {  	s23 =	simm.s32 $0x1B8B  }
0xa2: {  	_ =	swait.ge [sflag:s23], $0x1  }
0xa3: {  	[sflag:s23] =	ssyncset.done $0x0  }
0xa4: {  	[sflag:s23] =	ssyncadd.s32 $0xFFFFFFFF  }
0xa5: {  	s5 =	sld [smem:$0x0]  }
0xa6: {  	s6 =	sand.u32 $0xFFFFFFFE, s1  }
0xa7: {  	p0 =	sne.s32 s1, s6  }
0xa8: {  	s6 =	sshll.u32 @p0 s6, $0xE  }
0xa9: {  	s6 =	sadd.s32 @p0 $0x11B8D, s6;
	s7 =	sshll.u32 @p0 s5, $0x11  }
0xaa: {  	s6 =	sor.u32 @p0 s7, s6  }
0xab: {  	[sflag:s6] =	ssyncadd.remote.s32 @p0 $0x1;
	_ =	sdelay $0x1  }
0xac: {  	s6 =	simm.s32 @p0 $0x1B8D  }
0xad: {  	_ =	swait.eq @p0 [sflag:s6], $0x1  }
0xae: {  	[sflag:s6] =	ssyncadd.s32 @p0 $0xFFFFFFFF  }
0xaf: {  	s7 =	sshll.u32 @!p0 s1, $0xE  }
0xb0: {  	s7 =	sor.u32 @!p0 $0x4000, s7;
	s6 =	simm.s32 @!p0 $0x1B8D  }
0xb1: {  	s5 =	sshll.u32 @!p0 s5, $0x11;
	s7 =	sadd.s32 @!p0 $0x11B8D, s7;
	_ =	swait.eq @!p0 [sflag:s6], $0x1  }
0xb2: {  	s5 =	sor.u32 @!p0 s5, s7;
	[sflag:s6] =	ssyncadd.s32 @!p0 $0xFFFFFFFF  }
0xb3: {  	s25 =	simm.s32 $0x1B8E;
	s24 =	sld [smem:$0x3FFE];
	[sflag:s5] =	ssyncadd.remote.s32 @!p0 $0x1  }
0xb4: {  	s26 =	simm.s32 $execute0_lowered;
	[smem:$0x3FD2] =	sst s25  }
0xb5: {  	s6 =	sshll.u32 s26, $0x1;
	_ =	strace $0x80000052;
	[dreg:$0x1] =	wrdreg $0xFFFFFFFF  }
0xb6: {  	s28 =	simm.s32 $_size_execute0_lowered;
	s4 =	sadd.s32 s4, s6;
	[dreg:$0x0] =	wrdreg $0x0  }
0xb7: {  	s6 =	sshll.u32 s28, $0x1;
	[dreg:$0x2] =	wrdreg s4  }
0xb8: {  	[dreg:$0x3] =	wrdreg s6  }
0xb9: {  	[dreg:$0x4] =	wrdreg $0xC0  }
0xba: {  	_ =	task [dreg:s22], $0x5FFFF  }
0xbb: {  	[dreg:$0x1] =	wrdreg $0xFFFFFFFF  }
0xbc: {  	[dreg:$0x0] =	wrdreg $0x60  }
0xbd: {  	[dreg:$0x2] =	wrdreg s18  }
0xbe: {  	[dreg:$0x3] =	wrdreg s24  }
0xbf: {  	[dreg:$0x4] =	wrdreg $0xD  }
0xc0: {  	_ =	task.clear_ibuf [dreg:s22], $0x5FFFF;
	_ =	strace $0x90000052  }
0xc1: {  	s29 =	simm.s32 $0xD;
	_ =	strace $0x80000054  }
0xc2: {  	_ =	swait.ge [sflag:s29], $0x1  }
0xc3: {  	[sflag:s29] =	ssyncadd.s32 $0xFFFFFFFF  }
0xc4: {  	_ =	strace $0x90000054  }
0xc5: {  	_ =	sfence  }
0xc6: {  	s30 =	sld [smem:$0x0];
	_ =	sdelay $0x2  }
0xc7: {  	s31 =	sshll.u32 s1, $0xD;
	s1 =	sshrl.u32 s1, $0x2  }
0xc8: {  	s4 =	sand.u32 $0x4000, s31;
	s1 =	sadd.s32 s1, s30  }
0xc9: {  	s0 =	sor.u32 s4, s0;
	s1 =	sshll.u32 s1, $0x11  }
0xca: {  	s0 =	sor.u32 s1, s0  }
0xcb: {  	s0 =	sadd.s32 $0x8F2B, s0  }
0xcc: {  	[sflag:s0] =	ssyncadd.remote.s32 $0x1  }
0xcd: {  	_ =	sfence.sel $0xFFFF  }
0xce: {  	[dreg:$0x0] =	wrdreg $0xFFFFFFFF;
	(pc) =	sbr.abs _section_cstart, $3  }
0xcf: {  	[dreg:$0x1] =	wrdreg $0xFFFFFFFF  }
0xd0: {  	_ =	task.clear_ibuf [dreg:s22], $0x2FFFF;
	_ =	strace $0x9FFFFFFF  }
0xd1: {  	(tm) =	ssettm $0x7FFFFFFF  }
tec
execute0_lowered:
.L_overlay_start_1:
0x0: {  	(tag) =	ssettag $0x1  }
0x1: {  	s1 =	srdreg.scid  }
0x2: {  	s0 =	stileid.u32;
	s2 =	rddreg [dreg:$0x0]  }
0x3: {  	s4 =	rddreg [dreg:$0x1];
	s15 =	simm.s32 $0x880;
	s16 =	simm.s32 $0x1080  }
0x4: {  	s17 =	simm.s32 $0x1880;
	s1 =	sand.u32 $0x1, s1;
	s3 =	sshll.u32 s0, $0x1  }
0x5: {  	s18 =	simm.s32 $0x2080;
	s5 =	sor.u32 s1, s3;
	s3 =	simm.s32 $0x0  }
0x6: {  	s19 =	simm.s32 $0x2880;
	s20 =	simm.s32 $0x3080;
	[smem:$0x7FF] =	sst s3  }
0x7: {  	s21 =	simm.s32 $0x3880;
	_ =	strace $0x80000053;
	[dreg:$0x6] =	wrdreg s15  }
0x8: {  	s23 =	simm.s32 $0x4080;
	s24 =	simm.s32 $0x4880;
	[dreg:$0x7] =	wrdreg s16  }
0x9: {  	s25 =	simm.s32 $0x5080;
	s26 =	simm.s32 $0x5880;
	[dreg:$0x8] =	wrdreg s17  }
0xa: {  	s7 =	simm.s32 $0x80;
	s9 =	simm.s32 $0x6880;
	[dreg:$0x9] =	wrdreg s18  }
0xb: {  	s10 =	simm.s32 $0x7080;
	s11 =	simm.s32 $0x7880;
	[dreg:$0xa] =	wrdreg s19  }
0xc: {  	s12 =	simm.s32 $0x8080;
	s28 =	simm.s32 $0xF880;
	[dreg:$0xb] =	wrdreg s20  }
0xd: {  	s29 =	simm.s32 $0x1;
	s30 =	simm.s32 $0x2;
	[dreg:$0xc] =	wrdreg s21  }
0xe: {  	s31 =	simm.s32 $0x4;
	s1 =	ssub.s32 $0x2, s1;
	[dreg:$0xd] =	wrdreg s23  }
0xf: {  	s6 =	sshll.u32 s5, $0x4;
	s5 =	sshll.u32 s5, $0xD;
	[dreg:$0xe] =	wrdreg s24  }
0x10: {  	s22 =	sshrl.u32 s1, $0x1;
	s6 =	sadd.s32 s6, s4;
	[dreg:$0xf] =	wrdreg s25  }
0x11: {  	s4 =	sadd.s32 s5, s4;
	s1 =	ssub.s32 s1, s22;
	[dreg:$0x10] =	wrdreg s26  }
0x12: {  	s15 =	simm.s32 $0x9880;
	s16 =	simm.s32 $0xA080;
	s17 =	simm.s32 $0xA880  }
0x13: {  	s18 =	simm.s32 $0xB080;
	s19 =	simm.s32 $0xB880;
	s20 =	simm.s32 $0xC080  }
0x14: {  	s21 =	simm.s32 $0xC880;
	s22 =	simm.s32 $0xD080;
	s23 =	simm.s32 $0xD880  }
0x15: {  	s24 =	simm.s32 $0xE080;
	s25 =	simm.s32 $0xE880;
	s13 =	sadd.s32 $0x186000, s6  }
0x16: {  	s26 =	simm.s32 $0xF080;
	s14 =	sadd.s32 $0x186200, s4;
	[dreg:$0x3] =	wrdreg s13  }
0x17: {  	v2 =	vlaneseq.u32;
	s4 =	sadd.s32 $0x187200, s4;
	s5 =	smax.u32 s1, $0x1;
	[dreg:$0x4] =	wrdreg s14  }
0x18: {  	vm0 =	vmmov $0xffff;
	v1 =	vshrl.u32 v2, $0x3;
	s6 =	simm.s32 $0x5;
	s1 =	simm.s32 $0x3;
	[dreg:$0x5] =	wrdreg s4  }
0x19: {  	v0 =	vand.u32 $0x7, v2;
	v2 =	vor.u32 $0x8, v2;
	v1 =	vmul.u32 $0x8, v1;
	s4 =	sadd.s32 $0x100, s2;
	s13 =	simm.s32 $0x8880;
	s14 =	simm.s32 $0x9080  }
.LBB2_1:
0x1a: {  	s0 =	rddreg [dreg:$0x3]  }
0x1b: {  	[tilespmem:s3], [sflag:$0x5] =	stream.linear.gather [hbm4b:s0+s3], $0x80, $0x38;
	[tilespmem:$0x10080] =	vst v63  }
0x1c: {  	_ =	swait.ge [sflag:s6], $0x80  }
0x1d: {  	[sflag:s6] =	ssyncset.done $0x0  }
0x1e: {  	[sflag:s6] =	ssyncadd.s32 $0xFFFFFF80  }
0x1f: {  	v3 =	vld [tilespmem:$0x0];
	_ =	sdelay $0x4  }
0x20: {  	v4 =	vshll.u32 v3, $0x2  }
0x21: {  	v3 =	vand.u32 $0x7, v3;
	v4 =	vand.u32 $0xFFFFFFE0, v4  }
0x22: {  	v3 =	vor.u32 v3, v4  }
0x23: {  	v4 =	vperm.xlane v3, v0;
	_ =	sdelay $0x1  }
0x24: {  	v4 =	vadd.s32 v1, v4;
	_ =	sdelay $0x1  }
0x25: {  	v3 =	vperm.xlane v3, v2;
	_ =	sdelay $0x1  }
0x26: {  	v3 =	vadd.s32 v1, v3  }
0x27: {  	[tilespmem:s7], [sflag:$0x1] =	stream.indirect_vreg.gather [hbm4b:s2+s3], $0x80, v4, vm0, $0xb8;
	[tilespmem:$0x10080] =	vst v63  }
0x28: {  	s0 =	rddreg [dreg:$0x6]  }
0x29: {  	[tilespmem:s0], [sflag:$0x1] =	stream.indirect_vreg.gather [hbm4b:s4+s3], $0x80, v4, vm0, $0xb8;
	[tilespmem:$0x10080] =	vst v63  }
0x2a: {  	s8 =	rddreg [dreg:$0x7]  }
0x2b: {  	[tilespmem:s8], [sflag:$0x1] =	stream.indirect_vreg.gather [hbm4b:s2+s3], $0x80, v3, vm0, $0xb8;
	[tilespmem:$0x10080] =	vst v63  }
0x2c: {  	s0 =	rddreg [dreg:$0x8]  }
0x2d: {  	[tilespmem:s0], [sflag:$0x1] =	stream.indirect_vreg.gather [hbm4b:s4+s3], $0x80, v3, vm0, $0xb8;
	[tilespmem:$0x10080] =	vst v63  }
0x2e: {  	v3 =	vld [tilespmem:$0x10];
	_ =	sdelay $0x4  }
0x2f: {  	v57 =	vshll.u32 v3, $0x2  }
0x30: {  	v3 =	vand.u32 $0x7, v3;
	v4 =	vand.u32 $0xFFFFFFE0, v57  }
0x31: {  	v3 =	vor.u32 v3, v4  }
0x32: {  	v4 =	vperm.xlane v3, v0;
	_ =	sdelay $0x1  }
0x33: {  	v4 =	vadd.s32 v1, v4;
	_ =	sdelay $0x1  }
0x34: {  	v3 =	vperm.xlane v3, v2;
	_ =	sdelay $0x1  }
0x35: {  	s0 =	rddreg [dreg:$0x9];
	v3 =	vadd.s32 v1, v3  }
0x36: {  	[tilespmem:s0], [sflag:$0x1] =	stream.indirect_vreg.gather [hbm4b:s2+s3], $0x80, v4, vm0, $0xb8;
	[tilespmem:$0x10080] =	vst v63  }
0x37: {  	s8 =	rddreg [dreg:$0xa]  }
0x38: {  	[tilespmem:s8], [sflag:$0x1] =	stream.indirect_vreg.gather [hbm4b:s4+s3], $0x80, v4, vm0, $0xb8;
	[tilespmem:$0x10080] =	vst v63  }
0x39: {  	s0 =	rddreg [dreg:$0xb]  }
0x3a: {  	[tilespmem:s0], [sflag:$0x1] =	stream.indirect_vreg.gather [hbm4b:s2+s3], $0x80, v3, vm0, $0xb8;
	[tilespmem:$0x10080] =	vst v63  }
0x3b: {  	s8 =	rddreg [dreg:$0xc]  }
0x3c: {  	[tilespmem:s8], [sflag:$0x1] =	stream.indirect_vreg.gather [hbm4b:s4+s3], $0x80, v3, vm0, $0xb8;
	[tilespmem:$0x10080] =	vst v63  }
0x3d: {  	v3 =	vld [tilespmem:$0x20];
	_ =	sdelay $0x4  }
0x3e: {  	v58 =	vshll.u32 v3, $0x2  }
0x3f: {  	v3 =	vand.u32 $0x7, v3;
	v4 =	vand.u32 $0xFFFFFFE0, v58  }
0x40: {  	v3 =	vor.u32 v3, v4  }
0x41: {  	v4 =	vperm.xlane v3, v0;
	_ =	sdelay $0x1  }
0x42: {  	v4 =	vadd.s32 v1, v4;
	_ =	sdelay $0x1  }
0x43: {  	v3 =	vperm.xlane v3, v2;
	_ =	sdelay $0x1  }
0x44: {  	s0 =	rddreg [dreg:$0xd];
	v3 =	vadd.s32 v1, v3  }
0x45: {  	[tilespmem:s0], [sflag:$0x1] =	stream.indirect_vreg.gather [hbm4b:s2+s3], $0x80, v4, vm0, $0xb8;
	[tilespmem:$0x10080] =	vst v63  }
0x46: {  	s8 =	rddreg [dreg:$0xe]  }
0x47: {  	[tilespmem:s8], [sflag:$0x1] =	stream.indirect_vreg.gather [hbm4b:s4+s3], $0x80, v4, vm0, $0xb8;
	[tilespmem:$0x10080] =	vst v63  }
0x48: {  	s0 =	rddreg [dreg:$0xf]  }
0x49: {  	[tilespmem:s0], [sflag:$0x1] =	stream.indirect_vreg.gather [hbm4b:s2+s3], $0x80, v3, vm0, $0xb8;
	[tilespmem:$0x10080] =	vst v63  }
0x4a: {  	s8 =	rddreg [dreg:$0x10]  }
0x4b: {  	[tilespmem:s8], [sflag:$0x1] =	stream.indirect_vreg.gather [hbm4b:s4+s3], $0x80, v3, vm0, $0xb8;
	[tilespmem:$0x10080] =	vst v63  }
0x4c: {  	v3 =	vld [tilespmem:$0x30];
	_ =	sdelay $0x4  }
0x4d: {  	v59 =	vshll.u32 v3, $0x2  }
0x4e: {  	v3 =	vand.u32 $0x7, v3;
	v4 =	vand.u32 $0xFFFFFFE0, v59  }
0x4f: {  	v3 =	vor.u32 v3, v4  }
0x50: {  	v4 =	vperm.xlane v3, v0;
	_ =	sdelay $0x1  }
0x51: {  	v4 =	vadd.s32 v1, v4;
	_ =	sdelay $0x1  }
0x52: {  	v3 =	vperm.xlane v3, v2;
	_ =	sdelay $0x1  }
0x53: {  	s8 =	simm.s32 $0x6080;
	v3 =	vadd.s32 v1, v3  }
0x54: {  	[tilespmem:s8], [sflag:$0x1] =	stream.indirect_vreg.gather [hbm4b:s2+s3], $0x80, v4, vm0, $0xb8;
	[tilespmem:$0x10080] =	vst v63  }
0x55: {  	_ = 	snop  }
0x56: {  	[tilespmem:s9], [sflag:$0x1] =	stream.indirect_vreg.gather [hbm4b:s4+s3], $0x80, v4, vm0, $0xb8;
	[tilespmem:$0x10080] =	vst v63  }
0x57: {  	_ = 	snop  }
0x58: {  	[tilespmem:s10], [sflag:$0x1] =	stream.indirect_vreg.gather [hbm4b:s2+s3], $0x80, v3, vm0, $0xb8;
	[tilespmem:$0x10080] =	vst v63  }
0x59: {  	_ = 	snop  }
0x5a: {  	[tilespmem:s11], [sflag:$0x1] =	stream.indirect_vreg.gather [hbm4b:s4+s3], $0x80, v3, vm0, $0xb8;
	[tilespmem:$0x10080] =	vst v63  }
0x5b: {  	v3 =	vld [tilespmem:$0x40];
	_ =	sdelay $0x4  }
0x5c: {  	v60 =	vshll.u32 v3, $0x2  }
0x5d: {  	v3 =	vand.u32 $0x7, v3;
	v4 =	vand.u32 $0xFFFFFFE0, v60  }
0x5e: {  	v3 =	vor.u32 v3, v4  }
0x5f: {  	v4 =	vperm.xlane v3, v0;
	_ =	sdelay $0x1  }
0x60: {  	v4 =	vadd.s32 v1, v4;
	_ =	sdelay $0x1  }
0x61: {  	v3 =	vperm.xlane v3, v2;
	_ =	sdelay $0x1  }
0x62: {  	v3 =	vadd.s32 v1, v3  }
0x63: {  	[tilespmem:s12], [sflag:$0x2] =	stream.indirect_vreg.gather [hbm4b:s2+s3], $0x80, v4, vm0, $0xb8;
	[tilespmem:$0x10080] =	vst v63  }
0x64: {  	_ = 	snop  }
0x65: {  	[tilespmem:s13], [sflag:$0x2] =	stream.indirect_vreg.gather [hbm4b:s4+s3], $0x80, v4, vm0, $0xb8;
	[tilespmem:$0x10080] =	vst v63  }
0x66: {  	_ = 	snop  }
0x67: {  	[tilespmem:s14], [sflag:$0x2] =	stream.indirect_vreg.gather [hbm4b:s2+s3], $0x80, v3, vm0, $0xb8;
	[tilespmem:$0x10080] =	vst v63  }
0x68: {  	_ = 	snop  }
0x69: {  	[tilespmem:s15], [sflag:$0x2] =	stream.indirect_vreg.gather [hbm4b:s4+s3], $0x80, v3, vm0, $0xb8;
	[tilespmem:$0x10080] =	vst v63  }
0x6a: {  	v3 =	vld [tilespmem:$0x50];
	_ =	sdelay $0x4  }
0x6b: {  	v61 =	vshll.u32 v3, $0x2  }
0x6c: {  	v3 =	vand.u32 $0x7, v3;
	v4 =	vand.u32 $0xFFFFFFE0, v61  }
0x6d: {  	v3 =	vor.u32 v3, v4  }
0x6e: {  	v4 =	vperm.xlane v3, v0;
	_ =	sdelay $0x1  }
0x6f: {  	v4 =	vadd.s32 v1, v4;
	_ =	sdelay $0x1  }
0x70: {  	v3 =	vperm.xlane v3, v2;
	_ =	sdelay $0x1  }
0x71: {  	v3 =	vadd.s32 v1, v3  }
0x72: {  	[tilespmem:s16], [sflag:$0x2] =	stream.indirect_vreg.gather [hbm4b:s2+s3], $0x80, v4, vm0, $0xb8;
	[tilespmem:$0x10080] =	vst v63  }
0x73: {  	_ = 	snop  }
0x74: {  	[tilespmem:s17], [sflag:$0x2] =	stream.indirect_vreg.gather [hbm4b:s4+s3], $0x80, v4, vm0, $0xb8;
	[tilespmem:$0x10080] =	vst v63  }
0x75: {  	_ = 	snop  }
0x76: {  	[tilespmem:s18], [sflag:$0x2] =	stream.indirect_vreg.gather [hbm4b:s2+s3], $0x80, v3, vm0, $0xb8;
	[tilespmem:$0x10080] =	vst v63  }
0x77: {  	_ = 	snop  }
0x78: {  	[tilespmem:s19], [sflag:$0x2] =	stream.indirect_vreg.gather [hbm4b:s4+s3], $0x80, v3, vm0, $0xb8;
	[tilespmem:$0x10080] =	vst v63  }
0x79: {  	v3 =	vld [tilespmem:$0x60];
	_ =	sdelay $0x4  }
0x7a: {  	v62 =	vshll.u32 v3, $0x2  }
0x7b: {  	v3 =	vand.u32 $0x7, v3;
	v4 =	vand.u32 $0xFFFFFFE0, v62  }
0x7c: {  	v3 =	vor.u32 v3, v4  }
0x7d: {  	v4 =	vperm.xlane v3, v0;
	_ =	sdelay $0x1  }
0x7e: {  	v4 =	vadd.s32 v1, v4;
	_ =	sdelay $0x1  }
0x7f: {  	v3 =	vperm.xlane v3, v2;
	_ =	sdelay $0x1  }
0x80: {  	v3 =	vadd.s32 v1, v3  }
0x81: {  	[tilespmem:s20], [sflag:$0x2] =	stream.indirect_vreg.gather [hbm4b:s2+s3], $0x80, v4, vm0, $0xb8;
	[tilespmem:$0x10080] =	vst v63  }
0x82: {  	_ = 	snop  }
0x83: {  	[tilespmem:s21], [sflag:$0x2] =	stream.indirect_vreg.gather [hbm4b:s4+s3], $0x80, v4, vm0, $0xb8;
	[tilespmem:$0x10080] =	vst v63  }
0x84: {  	_ = 	snop  }
0x85: {  	[tilespmem:s22], [sflag:$0x2] =	stream.indirect_vreg.gather [hbm4b:s2+s3], $0x80, v3, vm0, $0xb8;
	[tilespmem:$0x10080] =	vst v63  }
0x86: {  	_ = 	snop  }
0x87: {  	[tilespmem:s23], [sflag:$0x2] =	stream.indirect_vreg.gather [hbm4b:s4+s3], $0x80, v3, vm0, $0xb8;
	[tilespmem:$0x10080] =	vst v63  }
0x88: {  	v3 =	vld [tilespmem:$0x70];
	_ =	sdelay $0x4  }
0x89: {  	v63 =	vshll.u32 v3, $0x2  }
0x8a: {  	v3 =	vand.u32 $0x7, v3;
	v4 =	vand.u32 $0xFFFFFFE0, v63  }
0x8b: {  	v3 =	vor.u32 v3, v4  }
0x8c: {  	v4 =	vperm.xlane v3, v0;
	_ =	sdelay $0x1  }
0x8d: {  	v4 =	vadd.s32 v1, v4;
	_ =	sdelay $0x1  }
0x8e: {  	v3 =	vperm.xlane v3, v2;
	_ =	sdelay $0x1  }
0x8f: {  	v3 =	vadd.s32 v1, v3  }
0x90: {  	[tilespmem:s24], [sflag:$0x2] =	stream.indirect_vreg.gather [hbm4b:s2+s3], $0x80, v4, vm0, $0xb8;
	[tilespmem:$0x10080] =	vst v63  }
0x91: {  	_ = 	snop  }
0x92: {  	[tilespmem:s25], [sflag:$0x2] =	stream.indirect_vreg.gather [hbm4b:s4+s3], $0x80, v4, vm0, $0xb8;
	[tilespmem:$0x10080] =	vst v63  }
0x93: {  	_ = 	snop  }
0x94: {  	[tilespmem:s26], [sflag:$0x2] =	stream.indirect_vreg.gather [hbm4b:s2+s3], $0x80, v3, vm0, $0xb8;
	[tilespmem:$0x10080] =	vst v63  }
0x95: {  	_ = 	snop  }
0x96: {  	[tilespmem:s28], [sflag:$0x2] =	stream.indirect_vreg.gather [hbm4b:s4+s3], $0x80, v3, vm0, $0xb8;
	[tilespmem:$0x10080] =	vst v63  }
0x97: {  	_ =	swait.ge [sflag:s29], $0x8000  }
0x98: {  	[sflag:s29] =	ssyncset.done $0x0  }
0x99: {  	s8 =	rddreg [dreg:$0x4];
	[sflag:s29] =	ssyncadd.s32 $0xFFFF8000  }
0x9a: {  	[hbm4b:s8+s3] =	stream.linear.scatter [tilespmem:s7], [sflag:$0x3], $0x8000, $0x38;
	[tilespmem:$0x10080] =	vst v63  }
0x9b: {  	_ =	swait.ge [sflag:s30], $0x8000  }
0x9c: {  	[sflag:s30] =	ssyncset.done $0x0  }
0x9d: {  	s8 =	rddreg [dreg:$0x5];
	[sflag:s30] =	ssyncadd.s32 $0xFFFF8000  }
0x9e: {  	[hbm4b:s8+s3] =	stream.linear.scatter [tilespmem:s12], [sflag:$0x4], $0x8000, $0x38;
	[tilespmem:$0x10080] =	vst v63  }
0x9f: {  	p0 =	sne.s32 s5, $0x1;
	_ =	swait.ge [sflag:s31], $0x8000  }
.Ltmp0:
0xa0: {  	[sflag:s31] =	ssyncset.done $0x0;
	(pc) =	sbr.rel @p0 .LBB2_1-.Ltmp0, $4  }
0xa1: {  	[sflag:s31] =	ssyncadd.s32 $0xFFFF8000  }
0xa2: {  	_ =	swait.ge [sflag:s1], $0x8000  }
0xa3: {  	[sflag:s1] =	ssyncset.done $0x0  }
0xa4: {  	s5 =	sadd.s32 $0xFFFFFFFF, s5;
	[sflag:s1] =	ssyncadd.s32 $0xFFFF8000  }
0xa5: {  	_ =	sfence.sel $0x180000  }
0xa6: {  	[bflag:$0x0] =	sbarrier.arrive $0xFFFF  }
0xa7: {  	_ =	strace $0x90000053  }
0xa8: {  	s0 =	stileid.u32;
	[bflag:$0x2] =	sbarrier.arrive $0xFFFF  }
0xa9: {  	p0 =	sne.s32 s0, $0x0;
	s0 =	rddreg [dreg:$0x2]  }
0xaa: {  	s0 =	sadd.s32 @!p0 $0x100000, s0  }
0xab: {  	[sflag:s0] =	ssyncadd.tile.s32 @!p0 $0x1;
	_ =	shalt  }
.Lfunc_end2:
_tile_overlayer_lowered:
.L_overlay_start_2:
0xac: {  	(tag) =	ssettag $0x2  }
0xad: {  	s0 =	rddreg [dreg:$0x0];
	s2 =	stileid.u32  }
0xae: {  	s1 =	rddreg [dreg:$0x1];
	p0 =	sne.s32 s2, $0x0  }
0xaf: {  	s3 =	rddreg [dreg:$0x2];
	[bflag:$0x3] =	sbarrier.arrive $0xFFFF;
	s2 =	simm.s32 @!p0 $0x1C05  }
0xb0: {  	[timem:s3], [sflag:s2] =	dma.local @!p0 [hbm:s0], s1  }
0xb1: {  	s0 =	simm.s32 @!p0 $0x5  }
0xb2: {  	_ =	swait.ge @!p0 [sflag:s0], s1  }
0xb3: {  	s1 =	ssub.s32 @!p0 $0x0, s1;
	[sflag:s0] =	ssyncset.done @!p0 $0x0  }
0xb4: {  	[sflag:s0] =	ssyncadd.s32 @!p0 s1  }
0xb5: {  	[bflag:$0x3] =	sbarrier.arrive $0xFFFF  }
0xb6: {  	_ =	shalt  }

</sc_bundles>
